<compile_context>
chip_gen: v7x
topology: tpu7x:2x2x1
jax: 0.10.2.dev20260603
libtpu: 0.0.44.dev20260713+nightly
codegen_flags: <defaults>
</compile_context>

<pallas_src>
import functools

import jax
import jax.numpy as jnp
import numpy as np
from jax import lax
from jax.experimental import pallas as pl
from jax.experimental.pallas import tpu as pltpu

N = 100000
E = 1600000
B = 100
NPG = 1000
K = 50
D = 21
FEAT = 1280
NB_GOS = 5000
HID = FEAT + D


def _head_body(z_ref, wm1_ref, bm1_ref, g1_ref, be1_ref, wm2_ref, bm2_ref,
               g2_ref, be2_ref, wout_ref, bout_ref, out_ref):
    def ln(v, g, b):
        mu = jnp.mean(v, axis=-1, keepdims=True)
        var = jnp.mean((v - mu) ** 2, axis=-1, keepdims=True)
        return (v - mu) * lax.rsqrt(var + 1e-5) * g + b

    z = z_ref[...]
    z1 = ln(jax.nn.relu(
        jnp.dot(z, wm1_ref[...], preferred_element_type=jnp.float32)
        + bm1_ref[...]), g1_ref[...], be1_ref[...])
    z2 = z1 + ln(jax.nn.relu(
        jnp.dot(z1, wm2_ref[...], preferred_element_type=jnp.float32)
        + bm2_ref[...]), g2_ref[...], be2_ref[...])
    out_ref[...] = jax.nn.sigmoid(
        jnp.dot(z2, wout_ref[...], preferred_element_type=jnp.float32)
        + bout_ref[...])


def _head(z, Wm1, bm1, g1, be1, Wm2, bm2, g2, be2, Wout, bout):
    return pl.pallas_call(
        _head_body,
        out_shape=jax.ShapeDtypeStruct((B, NB_GOS), jnp.float32),
    )(z, Wm1, bm1, g1, be1, Wm2, bm2, g2, be2, Wout, bout)


def kernel(features, h, edge_index, W1, b1, Ws, bs, Wm1, bm1, g1, be1,
           Wm2, bm2, g2, be2, Wout, bout):
    src = edge_index[0]
    dst = edge_index[1]
    deg_out = jnp.maximum(jnp.zeros((N,), jnp.float32).at[src].add(1.0), 1.0)
    deg_in = jnp.maximum(jnp.zeros((N,), jnp.float32).at[dst].add(1.0), 1.0)
    x = h * (deg_out ** -0.5)[:, None]
    agg = jnp.zeros((N, D), jnp.float32).at[dst].add(x[src])
    x = agg * (deg_in ** -0.5)[:, None] @ W1 + b1
    y = (x @ Ws)[:, 0] * (deg_out ** -0.5)
    sagg = jnp.zeros((N,), jnp.float32).at[dst].add(y[src])
    score = sagg * (deg_in ** -0.5) + bs[0]

    dense = score.reshape(B, NPG)
    perm = jnp.argsort(-dense, axis=-1)[:, :K]
    perm = (perm + jnp.arange(B)[:, None] * NPG).reshape(-1)
    feat = x[perm] * jnp.tanh(score[perm])[:, None]
    pooled = feat.reshape(B, K, D).mean(axis=1)
    z = jnp.concatenate([features, pooled], axis=1)
    return _head(z, Wm1, bm1, g1, be1, Wm2, bm2, g2, be2, Wout, bout)

# --- scband reference (transcript-rebuilt; emitter-appended) ---
"""Pipeline reference for scband-dgalpha-model-61074434949844 (READ-ONLY COPY).

The authoritative reference and input builder live on the scoring server;
editing this copy changes nothing except your own understanding.
"""

import jax, jax.numpy as jnp
import numpy as np

N = 100000
E = 1600000
B = 100
NPG = N // B
RATIO = 0.05
K = int(np.ceil(RATIO * NPG))
FEAT = 1280
D = 21
NB_GOS = 5000
HID = FEAT + D


def setup_inputs(seed: int = 0):
    key = jax.random.key(seed)
    ks = jax.random.split(key, 12)
    s = lambda fan: 1.0 / np.sqrt(fan)
    inp = {}
    inp['features'] = jax.random.normal(ks[0], (B, FEAT), jnp.float32)
    inp['h'] = jax.random.normal(ks[1], (N, D), jnp.float32)
    inp['edge_index'] = jax.random.randint(ks[2], (2, E), 0, N, dtype=jnp.int32)
    inp['W1'] = jax.random.normal(ks[3], (D, D), jnp.float32) * s(D)
    inp['b1'] = jnp.zeros((D,), jnp.float32)
    inp['Ws'] = jax.random.normal(ks[4], (D, 1), jnp.float32) * s(D)
    inp['bs'] = jnp.zeros((1,), jnp.float32)
    inp['Wm1'] = jax.random.normal(ks[5], (HID, HID), jnp.float32) * s(HID)
    inp['bm1'] = jnp.zeros((HID,), jnp.float32)
    inp['g1'] = jnp.ones((HID,), jnp.float32)
    inp['be1'] = jnp.zeros((HID,), jnp.float32)
    inp['Wm2'] = jax.random.normal(ks[6], (HID, HID), jnp.float32) * s(HID)
    inp['bm2'] = jnp.zeros((HID,), jnp.float32)
    inp['g2'] = jnp.ones((HID,), jnp.float32)
    inp['be2'] = jnp.zeros((HID,), jnp.float32)
    inp['Wout'] = jax.random.normal(ks[7], (HID, NB_GOS), jnp.float32) * s(HID)
    inp['bout'] = jnp.zeros((NB_GOS,), jnp.float32)
    return inp


def _graph_conv(feat, src, dst, W, b, weight_first):
    # DGL GraphConv with norm='both': D_out^{-1/2} gather-scatter D_in^{-1/2}, degrees clamped to 1
    deg_out = jnp.maximum(jnp.zeros((N,), jnp.float32).at[src].add(1.0), 1.0)
    deg_in = jnp.maximum(jnp.zeros((N,), jnp.float32).at[dst].add(1.0), 1.0)
    x = feat * (deg_out ** -0.5)[:, None]
    if weight_first:
        x = x @ W
    agg = jnp.zeros((N, x.shape[1]), jnp.float32).at[dst].add(x[src])
    rst = agg * (deg_in ** -0.5)[:, None]
    if not weight_first:
        rst = rst @ W
    return rst + b


def _layer_norm(v, g, b):
    mu = v.mean(-1, keepdims=True)
    var = ((v - mu) ** 2).mean(-1, keepdims=True)
    return (v - mu) / jnp.sqrt(var + 1e-5) * g + b


def reference(features, h, edge_index, W1, b1, Ws, bs, Wm1, bm1, g1, be1, Wm2, bm2, g2, be2, Wout, bout):
    src = edge_index[0]
    dst = edge_index[1]
    # gcn1: GraphConv(21, 21) (in == out -> aggregate first, then weight)
    x = _graph_conv(h, src, dst, W1, b1, False)
    # SAGPool score layer: GraphConv(21, 1) (in > out -> weight first)
    score = _graph_conv(x, src, dst, Ws, bs, True)[:, 0]
    # top-k pooling per graph (equal-sized graphs of NPG nodes, k = ceil(ratio*NPG))
    dense = score.reshape(B, NPG)
    perm = jnp.argsort(-dense, axis=-1)[:, :K]
    perm = (perm + jnp.arange(B)[:, None] * NPG).reshape(-1)
    feat = x[perm] * jnp.tanh(score[perm])[:, None]
    # dgl.mean_nodes over pooled subgraph
    pooled = feat.reshape(B, K, D).mean(axis=1)
    z = jnp.concatenate([features, pooled], axis=1)
    # MLPBlock (linear -> relu -> layernorm; dropout is identity in eval)
    z = _layer_norm(jax.nn.relu(z @ Wm1 + bm1), g1, be1)
    # Residual(MLPBlock)
    z = z + _layer_norm(jax.nn.relu(z @ Wm2 + bm2), g2, be2)
    return jax.nn.sigmoid(z @ Wout + bout)

if __name__ == "__main__":
    import jax
    _d = setup_inputs()
    print(jax.jit(kernel)(*tuple(_d.values())))

</pallas_src>

<mosaic_0001>
module attributes {stable_mosaic.version = 14 : i64} {
  func.func @_head_body(%arg0: memref<100x1301xf32, #tpu.memory_space<vmem>>, %arg1: memref<1301x1301xf32, #tpu.memory_space<vmem>>, %arg2: memref<1301xf32, #tpu.memory_space<vmem>>, %arg3: memref<1301xf32, #tpu.memory_space<vmem>>, %arg4: memref<1301xf32, #tpu.memory_space<vmem>>, %arg5: memref<1301x1301xf32, #tpu.memory_space<vmem>>, %arg6: memref<1301xf32, #tpu.memory_space<vmem>>, %arg7: memref<1301xf32, #tpu.memory_space<vmem>>, %arg8: memref<1301xf32, #tpu.memory_space<vmem>>, %arg9: memref<1301x5000xf32, #tpu.memory_space<vmem>>, %arg10: memref<5000xf32, #tpu.memory_space<vmem>>, %arg11: memref<100x5000xf32, #tpu.memory_space<vmem>>) attributes {dimension_semantics = [], scalar_prefetch = 0 : i64, scratch_operands = 0 : i64, tpu.core_type = #tpu.core_type<tc>} {
    %get3A = arith.constant 0 : index
    %get3A_0 = arith.constant 0 : index
    %get3A_1 = vector.load %arg0[%get3A, %get3A_0] : memref<100x1301xf32, #tpu.memory_space<vmem>>, vector<100x1301xf32>
    %get3A_2 = arith.constant 0 : index
    %get3A_3 = arith.constant 0 : index
    %get3A_4 = vector.load %arg1[%get3A_2, %get3A_3] : memref<1301x1301xf32, #tpu.memory_space<vmem>>, vector<1301x1301xf32>
    %dot_general3A = arith.constant dense<0.000000e+00> : vector<100x1301xf32>
    %dot_general3A_5 = tpu.matmul %get3A_1, %get3A_4, %dot_general3A {dimension_numbers = #tpu.dot_dimension_numbers<[1], [0], [0], [1], [0, 0, 1, 1], [], []>, transpose_lhs_hint = false} : vector<100x1301xf32>, vector<1301x1301xf32>, vector<100x1301xf32> -> vector<100x1301xf32>
    %get3A_6 = arith.constant 0 : index
    %get3A_7 = vector.load %arg2[%get3A_6] : memref<1301xf32, #tpu.memory_space<vmem>>, vector<1301xf32>
    %broadcast_in_dim3A = vector.shape_cast %get3A_7 : vector<1301xf32> to vector<1x1301xf32>
    %add3A = vector.broadcast %broadcast_in_dim3A : vector<1x1301xf32> to vector<100x1301xf32>
    %add3A_8 = arith.addf %dot_general3A_5, %add3A : vector<100x1301xf32>
    %max3A = arith.constant 0.000000e+00 : f32
    %max3A_9 = vector.broadcast %max3A : f32 to vector<100x1301xf32>
    %max3A_10 = arith.maximumf %add3A_8, %max3A_9 : vector<100x1301xf32>
    %get3A_11 = arith.constant 0 : index
    %get3A_12 = vector.load %arg3[%get3A_11] : memref<1301xf32, #tpu.memory_space<vmem>>, vector<1301xf32>
    %get3A_13 = arith.constant 0 : index
    %get3A_14 = vector.load %arg4[%get3A_13] : memref<1301xf32, #tpu.memory_space<vmem>>, vector<1301xf32>
    %reduce_sum3A = arith.constant dense<0.000000e+00> : vector<100xf32>
    %reduce_sum3A_15 = vector.multi_reduction <add>, %max3A_10, %reduce_sum3A [1] : vector<100x1301xf32> to vector<100xf32>
    %broadcast_in_dim3A_16 = vector.shape_cast %reduce_sum3A_15 : vector<100xf32> to vector<100x1xf32>
    %div3A = arith.constant 1.301000e+03 : f32
    %div3A_17 = vector.broadcast %div3A : f32 to vector<100x1xf32>
    %div3A_18 = arith.divf %broadcast_in_dim3A_16, %div3A_17 : vector<100x1xf32>
    %sub3A = vector.broadcast %div3A_18 : vector<100x1xf32> to vector<100x1301xf32>
    %sub3A_19 = arith.subf %max3A_10, %sub3A : vector<100x1301xf32>
    %integer_pow3A = arith.mulf %sub3A_19, %sub3A_19 : vector<100x1301xf32>
    %reduce_sum3A_20 = arith.constant dense<0.000000e+00> : vector<100xf32>
    %reduce_sum3A_21 = vector.multi_reduction <add>, %integer_pow3A, %reduce_sum3A_20 [1] : vector<100x1301xf32> to vector<100xf32>
    %broadcast_in_dim3A_22 = vector.shape_cast %reduce_sum3A_21 : vector<100xf32> to vector<100x1xf32>
    %div3A_23 = arith.constant 1.301000e+03 : f32
    %div3A_24 = vector.broadcast %div3A_23 : f32 to vector<100x1xf32>
    %div3A_25 = arith.divf %broadcast_in_dim3A_22, %div3A_24 : vector<100x1xf32>
    %sub3A_26 = vector.broadcast %div3A_18 : vector<100x1xf32> to vector<100x1301xf32>
    %sub3A_27 = arith.subf %max3A_10, %sub3A_26 : vector<100x1301xf32>
    %add3A_28 = arith.constant 9.99999974E-6 : f32
    %add3A_29 = vector.broadcast %add3A_28 : f32 to vector<100x1xf32>
    %add3A_30 = arith.addf %div3A_25, %add3A_29 : vector<100x1xf32>
    %rsqrt3A = math.rsqrt %add3A_30 : vector<100x1xf32>
    %mul3A = vector.broadcast %rsqrt3A : vector<100x1xf32> to vector<100x1301xf32>
    %mul3A_31 = arith.mulf %sub3A_27, %mul3A : vector<100x1301xf32>
    %broadcast_in_dim3A_32 = vector.shape_cast %get3A_12 : vector<1301xf32> to vector<1x1301xf32>
    %mul3A_33 = vector.broadcast %broadcast_in_dim3A_32 : vector<1x1301xf32> to vector<100x1301xf32>
    %mul3A_34 = arith.mulf %mul3A_31, %mul3A_33 : vector<100x1301xf32>
    %broadcast_in_dim3A_35 = vector.shape_cast %get3A_14 : vector<1301xf32> to vector<1x1301xf32>
    %add3A_36 = vector.broadcast %broadcast_in_dim3A_35 : vector<1x1301xf32> to vector<100x1301xf32>
    %add3A_37 = arith.addf %mul3A_34, %add3A_36 : vector<100x1301xf32>
    %get3A_38 = arith.constant 0 : index
    %get3A_39 = arith.constant 0 : index
    %get3A_40 = vector.load %arg5[%get3A_38, %get3A_39] : memref<1301x1301xf32, #tpu.memory_space<vmem>>, vector<1301x1301xf32>
    %dot_general3A_41 = arith.constant dense<0.000000e+00> : vector<100x1301xf32>
    %dot_general3A_42 = tpu.matmul %add3A_37, %get3A_40, %dot_general3A_41 {dimension_numbers = #tpu.dot_dimension_numbers<[1], [0], [0], [1], [0, 0, 1, 1], [], []>, transpose_lhs_hint = false} : vector<100x1301xf32>, vector<1301x1301xf32>, vector<100x1301xf32> -> vector<100x1301xf32>
    %get3A_43 = arith.constant 0 : index
    %get3A_44 = vector.load %arg6[%get3A_43] : memref<1301xf32, #tpu.memory_space<vmem>>, vector<1301xf32>
    %broadcast_in_dim3A_45 = vector.shape_cast %get3A_44 : vector<1301xf32> to vector<1x1301xf32>
    %add3A_46 = vector.broadcast %broadcast_in_dim3A_45 : vector<1x1301xf32> to vector<100x1301xf32>
    %add3A_47 = arith.addf %dot_general3A_42, %add3A_46 : vector<100x1301xf32>
    %max3A_48 = arith.constant 0.000000e+00 : f32
    %max3A_49 = vector.broadcast %max3A_48 : f32 to vector<100x1301xf32>
    %max3A_50 = arith.maximumf %add3A_47, %max3A_49 : vector<100x1301xf32>
    %get3A_51 = arith.constant 0 : index
    %get3A_52 = vector.load %arg7[%get3A_51] : memref<1301xf32, #tpu.memory_space<vmem>>, vector<1301xf32>
    %get3A_53 = arith.constant 0 : index
    %get3A_54 = vector.load %arg8[%get3A_53] : memref<1301xf32, #tpu.memory_space<vmem>>, vector<1301xf32>
    %reduce_sum3A_55 = arith.constant dense<0.000000e+00> : vector<100xf32>
    %reduce_sum3A_56 = vector.multi_reduction <add>, %max3A_50, %reduce_sum3A_55 [1] : vector<100x1301xf32> to vector<100xf32>
    %broadcast_in_dim3A_57 = vector.shape_cast %reduce_sum3A_56 : vector<100xf32> to vector<100x1xf32>
    %div3A_58 = arith.constant 1.301000e+03 : f32
    %div3A_59 = vector.broadcast %div3A_58 : f32 to vector<100x1xf32>
    %div3A_60 = arith.divf %broadcast_in_dim3A_57, %div3A_59 : vector<100x1xf32>
    %sub3A_61 = vector.broadcast %div3A_60 : vector<100x1xf32> to vector<100x1301xf32>
    %sub3A_62 = arith.subf %max3A_50, %sub3A_61 : vector<100x1301xf32>
    %integer_pow3A_63 = arith.mulf %sub3A_62, %sub3A_62 : vector<100x1301xf32>
    %reduce_sum3A_64 = arith.constant dense<0.000000e+00> : vector<100xf32>
    %reduce_sum3A_65 = vector.multi_reduction <add>, %integer_pow3A_63, %reduce_sum3A_64 [1] : vector<100x1301xf32> to vector<100xf32>
    %broadcast_in_dim3A_66 = vector.shape_cast %reduce_sum3A_65 : vector<100xf32> to vector<100x1xf32>
    %div3A_67 = arith.constant 1.301000e+03 : f32
    %div3A_68 = vector.broadcast %div3A_67 : f32 to vector<100x1xf32>
    %div3A_69 = arith.divf %broadcast_in_dim3A_66, %div3A_68 : vector<100x1xf32>
    %sub3A_70 = vector.broadcast %div3A_60 : vector<100x1xf32> to vector<100x1301xf32>
    %sub3A_71 = arith.subf %max3A_50, %sub3A_70 : vector<100x1301xf32>
    %add3A_72 = arith.constant 9.99999974E-6 : f32
    %add3A_73 = vector.broadcast %add3A_72 : f32 to vector<100x1xf32>
    %add3A_74 = arith.addf %div3A_69, %add3A_73 : vector<100x1xf32>
    %rsqrt3A_75 = math.rsqrt %add3A_74 : vector<100x1xf32>
    %mul3A_76 = vector.broadcast %rsqrt3A_75 : vector<100x1xf32> to vector<100x1301xf32>
    %mul3A_77 = arith.mulf %sub3A_71, %mul3A_76 : vector<100x1301xf32>
    %broadcast_in_dim3A_78 = vector.shape_cast %get3A_52 : vector<1301xf32> to vector<1x1301xf32>
    %mul3A_79 = vector.broadcast %broadcast_in_dim3A_78 : vector<1x1301xf32> to vector<100x1301xf32>
    %mul3A_80 = arith.mulf %mul3A_77, %mul3A_79 : vector<100x1301xf32>
    %broadcast_in_dim3A_81 = vector.shape_cast %get3A_54 : vector<1301xf32> to vector<1x1301xf32>
    %add3A_82 = vector.broadcast %broadcast_in_dim3A_81 : vector<1x1301xf32> to vector<100x1301xf32>
    %add3A_83 = arith.addf %mul3A_80, %add3A_82 : vector<100x1301xf32>
    %add3A_84 = arith.addf %add3A_37, %add3A_83 : vector<100x1301xf32>
    %get3A_85 = arith.constant 0 : index
    %get3A_86 = arith.constant 0 : index
    %get3A_87 = vector.load %arg9[%get3A_85, %get3A_86] : memref<1301x5000xf32, #tpu.memory_space<vmem>>, vector<1301x5000xf32>
    %dot_general3A_88 = arith.constant dense<0.000000e+00> : vector<100x5000xf32>
    %dot_general3A_89 = tpu.matmul %add3A_84, %get3A_87, %dot_general3A_88 {dimension_numbers = #tpu.dot_dimension_numbers<[1], [0], [0], [1], [0, 0, 1, 1], [], []>, transpose_lhs_hint = false} : vector<100x1301xf32>, vector<1301x5000xf32>, vector<100x5000xf32> -> vector<100x5000xf32>
    %get3A_90 = arith.constant 0 : index
    %get3A_91 = vector.load %arg10[%get3A_90] : memref<5000xf32, #tpu.memory_space<vmem>>, vector<5000xf32>
    %broadcast_in_dim3A_92 = vector.shape_cast %get3A_91 : vector<5000xf32> to vector<1x5000xf32>
    %add3A_93 = vector.broadcast %broadcast_in_dim3A_92 : vector<1x5000xf32> to vector<100x5000xf32>
    %add3A_94 = arith.addf %dot_general3A_89, %add3A_93 : vector<100x5000xf32>
    %logistic3A = arith.negf %add3A_94 : vector<100x5000xf32>
    %logistic3A_95 = math.exp %logistic3A : vector<100x5000xf32>
    %logistic3A_96 = arith.constant 1.000000e+00 : f32
    %logistic3A_97 = vector.broadcast %logistic3A_96 : f32 to vector<100x5000xf32>
    %logistic3A_98 = arith.addf %logistic3A_97, %logistic3A_95 : vector<100x5000xf32>
    %logistic3A_99 = arith.divf %logistic3A_97, %logistic3A_98 : vector<100x5000xf32>
    %swap3A = arith.constant 0 : index
    %swap3A_100 = arith.constant 0 : index
    %swap3A_101 = vector.load %arg11[%swap3A, %swap3A_100] : memref<100x5000xf32, #tpu.memory_space<vmem>>, vector<100x5000xf32>
    tpu.vector_store %arg11[%swap3A, %swap3A_100], %logistic3A_99 {strides = array<i32>} : memref<100x5000xf32, #tpu.memory_space<vmem>>, vector<100x5000xf32>,
    return
  }
}

</mosaic_0001>

<sc_bundles>
// kernel: gather_offload_async_start.1
scs
__scs_entry_jumppad:
0x0: {  	(pc) =	sbr.rel $0x88, $3  }
0x1: {  	(tag) =	ssettag $0x0;
	lr =	simm.s32 $0x1  }
0x2: {  	[smem:$0x3F90] =	sst lr;
	_ =	strace $0xD0000000  }
0x3: {  	_ = 	snop  }
0x4: {  	_ = 	snop  }
0x5: {  	_ = 	snop  }
0x6: {  	_ = 	snop  }
0x7: {  	_ = 	snop  }
__scs_overlays_trampoline_lowered:
0x8: {  	[smem:$0x3F9F] =	sst s0  }
0x9: {  	[smem:$0x3FA0] =	sst s1  }
0xa: {  	[smem:$0x3FA1] =	sst s2  }
0xb: {  	[smem:$0x3FA2] =	sst s3  }
0xc: {  	[smem:$0x3FA3] =	sst s4  }
0xd: {  	[smem:$0x3FA4] =	sst s5  }
0xe: {  	[smem:$0x3FA5] =	sst s6  }
0xf: {  	[smem:$0x3FA6] =	sst s7  }
0x10: {  	[smem:$0x3FA7] =	sst s8  }
0x11: {  	[smem:$0x3FA8] =	sst s9;
	s0 =	simm.s32 @!p0 $0x0  }
0x12: {  	s1 =	sld [smem:$0x3F8E];
	s0 =	simm.s32 @p0 $0x1  }
0x13: {  	[smem:$0x3FA9] =	sst s0;
	s0 =	simm.s32 @!p1 $0x0  }
0x14: {  	s2 =	sld [smem:$0x3F8D];
	s0 =	simm.s32 @p1 $0x1  }
0x15: {  	[smem:$0x3FAA] =	sst s0;
	s0 =	simm.s32 @!p2 $0x0  }
0x16: {  	s3 =	sld [smem:$0x3FDB];
	s0 =	simm.s32 @p2 $0x1  }
0x17: {  	s4 =	simm.s32 $0x1BF5;
	[smem:$0x3FAC] =	sst s0  }
0x18: {  	s0 =	sld [smem:$0x3F8F];
	_ =	swait.ge [sflag:s4], $0x0  }
0x19: {  	s7 =	sld [smem:$0x3F90]  }
0x1a: {  	s8 =	sadd.s32 $0xFFFFE003, lr  }
0x1b: {  	s9 =	sadd.s32 $0xFFFFFEF7, lr;
	s5 =	simm.s32 $0xFFFFFFFF;
	p2 =	slt.u32 s8, $0xFFFFF086  }
0x1c: {  	p1 =	slt.u32 s9, $0xF7A;
	s5 =	simm.s32 @!p2 $0x0  }
0x1d: {  	s5 =	simm.s32 @p1 $0x1;
	p0 =	seq.s32 s7, s2  }
0x1e: {  	s7 =	smul.u32 @!p0 $0xF7A, s2;
	p2 =	seq.s32 @!p0 s5, $0x0  }
0x1f: {  	s9 =	smul.u32 $0xF7A, s1;
	s8 =	simm.s32 @!p0 $0x1BF5;
	p2 =	por !p2, p0  }
0x20: {  	[sflag:s8] =	ssyncset.s32 @!p0 $0xFFFFF086;
	s6 =	sadd.s32 @!p0 s3, s7;
	s7 =	simm.s32 @!p0 $0x108  }
0x21: {  	s3 =	sadd.s32 s3, s9;
	s6 =	sadd.s32 @!p0 $0x88, s6;
	s7 =	simm.s32 @p2 $0x1082  }
0x22: {  	[simem:s7], [sflag:s8] =	dma.local @!p0 [hbm:s6], $0xF7A  }
0x23: {  	s9 =	sor.u32 $0xD0000000, s2;
	s6 =	simm.s32 $0x108;
	_ =	swait.ge @!p0 [sflag:s8], $0x0  }
0x24: {  	s3 =	sadd.s32 $0x88, s3;
	s6 =	simm.s32 @!p1 $0x1082;
	[sflag:s4] =	ssyncset.s32 $0xFFFFF086  }
0x25: {  	[simem:s6], [sflag:s4] =	dma.local [hbm:s3], $0xF7A  }
0x26: {  	[smem:$0x3F90] =	sst s1;
	(tag) =	ssettag s2;
	_ =	strace s9  }
0x27: {  	s1 =	sld [smem:$0x3FA0]  }
0x28: {  	s2 =	sld [smem:$0x3FA1]  }
0x29: {  	s4 =	sld [smem:$0x3FA3]  }
0x2a: {  	p0 =	seq.s32 s5, $0x0;
	s5 =	sld [smem:$0x3FA4]  }
0x2b: {  	s6 =	sld [smem:$0x3FA5]  }
0x2c: {  	s7 =	sld [smem:$0x3FA6]  }
0x2d: {  	s3 =	simm.s32 $0x108;
	s8 =	sld [smem:$0x3FA7]  }
0x2e: {  	s3 =	simm.s32 @!p0 $0x1082;
	s9 =	sld [smem:$0x3FA8]  }
0x2f: {  	lr =	sadd.s32 s0, s3;
	s0 =	sld [smem:$0x3F9F]  }
0x30: {  	s3 =	sld [smem:$0x3FA2]  }
0x31: {  	[smem:$0x3FAB] =	sst s10  }
0x32: {  	s10 =	sld [smem:$0x3FA9];
	_ =	sdelay $0x3  }
0x33: {  	p0 =	seq.s32 s10, $0x1;
	s10 =	sld [smem:$0x3FAB];
	_ =	sdelay $0x3  }
0x34: {  	[smem:$0x3FAB] =	sst s10  }
0x35: {  	s10 =	sld [smem:$0x3FAA];
	_ =	sdelay $0x3  }
0x36: {  	p1 =	seq.s32 s10, $0x1;
	s10 =	sld [smem:$0x3FAB];
	_ =	sdelay $0x3  }
0x37: {  	[smem:$0x3FAB] =	sst s10  }
0x38: {  	s10 =	sld [smem:$0x3FAC]  }
0x39: {  	_ = 	snop;
	(pc) =	sbr.ind lr, $3  }
0x3a: {  	_ = 	snop  }
0x3b: {  	_ = 	snop  }
0x3c: {  	p2 =	seq.s32 s10, $0x1;
	s10 =	sld [smem:$0x3FAB]  }
0x3d: {  	_ =	shalt  }
0x3e: {  	_ =	shalt  }
0x3f: {  	_ =	shalt  }
0x40: {  	_ =	shalt  }
0x41: {  	_ =	shalt  }
0x42: {  	_ =	shalt  }
0x43: {  	_ =	shalt  }
0x44: {  	_ =	shalt  }
0x45: {  	_ =	shalt  }
0x46: {  	_ =	shalt  }
0x47: {  	_ =	shalt  }
0x48: {  	_ =	shalt  }
0x49: {  	_ =	shalt  }
0x4a: {  	_ =	shalt  }
0x4b: {  	_ =	shalt  }
0x4c: {  	_ =	shalt  }
0x4d: {  	_ =	shalt  }
0x4e: {  	_ =	shalt  }
0x4f: {  	_ =	shalt  }
0x50: {  	_ =	shalt  }
0x51: {  	_ =	shalt  }
0x52: {  	_ =	shalt  }
0x53: {  	_ =	shalt  }
0x54: {  	_ =	shalt  }
0x55: {  	_ =	shalt  }
0x56: {  	_ =	shalt  }
0x57: {  	_ =	shalt  }
0x58: {  	_ =	shalt  }
0x59: {  	_ =	shalt  }
0x5a: {  	_ =	shalt  }
0x5b: {  	_ =	shalt  }
0x5c: {  	_ =	shalt  }
0x5d: {  	_ =	shalt  }
0x5e: {  	_ =	shalt  }
0x5f: {  	_ =	shalt  }
0x60: {  	_ =	shalt  }
0x61: {  	_ =	shalt  }
0x62: {  	_ =	shalt  }
0x63: {  	_ =	shalt  }
0x64: {  	_ =	shalt  }
0x65: {  	_ =	shalt  }
0x66: {  	_ =	shalt  }
0x67: {  	_ =	shalt  }
0x68: {  	_ =	shalt  }
0x69: {  	_ =	shalt  }
0x6a: {  	_ =	shalt  }
0x6b: {  	_ =	shalt  }
0x6c: {  	_ =	shalt  }
0x6d: {  	_ =	shalt  }
0x6e: {  	_ =	shalt  }
0x6f: {  	_ =	shalt  }
0x70: {  	_ =	shalt  }
0x71: {  	_ =	shalt  }
0x72: {  	_ =	shalt  }
0x73: {  	_ =	shalt  }
0x74: {  	_ =	shalt  }
0x75: {  	_ =	shalt  }
0x76: {  	_ =	shalt  }
0x77: {  	_ =	shalt  }
0x78: {  	_ =	shalt  }
0x79: {  	_ =	shalt  }
0x7a: {  	_ =	shalt  }
0x7b: {  	_ =	shalt  }
0x7c: {  	_ =	shalt  }
0x7d: {  	_ =	shalt  }
0x7e: {  	_ =	shalt  }
0x7f: {  	_ =	shalt  }
0x80: {  	_ =	shalt  }
0x81: {  	_ =	shalt  }
0x82: {  	_ =	shalt  }
0x83: {  	_ =	shalt  }
0x84: {  	_ =	shalt  }
0x85: {  	_ =	shalt  }
0x86: {  	_ =	shalt  }
0x87: {  	_ =	shalt  }
.Lfunc_end0:
.L_simem_size_0:
called_computation.5_lowered:
.L_overlay_start_0:
0x88: {  	s0 =	sld [smem:$0x3FD9]  }
0x89: {  	s1 =	sld [smem:$0x3FFE];
	_ =	sdelay $0x3  }
0x8a: {  	s0 =	sadd.s32 s1, s0  }
0x8b: {  	[smem:$0x3FB7] =	sst s0  }
0x8c: {  	_ = 	snop  }
0x8d: {  	s0 =	sld [smem:$0x3FD0];
	(tm) =	ssettm $0x1  }
0x8e: {  	s16 =	sld [smem:$0x3FFB];
	_ =	sdelay $0x3  }
0x8f: {  	_ =	strace s16  }
0x90: {  	s1 =	sld [smem:$0x3FFC];
	_ =	sdelay $0x3  }
0x91: {  	_ =	strace s1  }
0x92: {  	s1 =	sld [smem:$0x3FFD];
	_ =	sdelay $0x3  }
0x93: {  	_ =	strace s1  }
0x94: {  	_ =	strace $0x8FFFFFFF  }
0x95: {  	s17 =	sld [smem:$0x3FDB];
	_ =	sdelay $0x1  }
0x96: {  	s2 =	simm.s32 $_scs_section_size  }
0x97: {  	s3 =	simm.s32 $_size__tile_overlayer_lowered;
	s4 =	simm.s32 $_tile_overlayer_lowered  }
0x98: {  	s20 =	simm.s32 $0x1BFF;
	s19 =	sshll.u32 s4, $0x1;
	s1 =	sadd.s32 s2, s17  }
0x99: {  	s5 =	simm.s32 $0x0;
	s18 =	sshll.u32 s3, $0x1;
	s3 =	sadd.s32 s19, s1  }
0x9a: {  	[timem:s5], [sflag:s20] =	dma.local [hbm:s3], s18  }
0x9b: {  	_ =	swait.ge [sflag:s20], s18  }
0x9c: {  	s2 =	ssub.s32 $0x0, s18;
	[sflag:s20] =	ssyncset.done $0x0  }
0x9d: {  	[sflag:s20] =	ssyncadd.s32 s2;
	_ =	sdelay $0x1  }
0x9e: {  	s21 =	simm.s32 $0x1B8B  }
0x9f: {  	_ =	swait.ge [sflag:s21], $0x1  }
0xa0: {  	[sflag:s21] =	ssyncset.done $0x0  }
0xa1: {  	s23 =	simm.s32 $0x1B8E;
	s22 =	sld [smem:$0x3FFE];
	[sflag:s21] =	ssyncadd.s32 $0xFFFFFFFF  }
0xa2: {  	s24 =	simm.s32 $execute0_lowered;
	[smem:$0x3FD2] =	sst s23  }
0xa3: {  	s3 =	sshll.u32 s24, $0x1;
	_ =	strace $0x80000058;
	[dreg:$0x1] =	wrdreg $0xFFFFFFFF  }
0xa4: {  	s25 =	simm.s32 $_size_execute0_lowered;
	s1 =	sadd.s32 s1, s3;
	[dreg:$0x0] =	wrdreg $0x0  }
0xa5: {  	s3 =	sshll.u32 s25, $0x1;
	[dreg:$0x2] =	wrdreg s1  }
0xa6: {  	[dreg:$0x3] =	wrdreg s3  }
0xa7: {  	[dreg:$0x4] =	wrdreg $0xC0  }
0xa8: {  	_ =	task [dreg:s5], $0x5FFFF  }
0xa9: {  	[dreg:$0x1] =	wrdreg $0xFFFFFFFF  }
0xaa: {  	[dreg:$0x0] =	wrdreg $0x60  }
0xab: {  	[dreg:$0x2] =	wrdreg s22  }
0xac: {  	[dreg:$0x3] =	wrdreg s0  }
0xad: {  	[dreg:$0x4] =	wrdreg $0xA  }
0xae: {  	_ =	task.clear_ibuf [dreg:s5], $0x5FFFF;
	_ =	strace $0x90000058  }
0xaf: {  	s26 =	simm.s32 $0xA;
	_ =	strace $0x8000005A  }
0xb0: {  	_ =	swait.ge [sflag:s26], $0x1  }
0xb1: {  	[sflag:s26] =	ssyncadd.s32 $0xFFFFFFFF  }
0xb2: {  	_ =	strace $0x9000005A  }
0xb3: {  	_ =	sfence  }
0xb4: {  	s28 =	sld [smem:$0x0];
	_ =	sdelay $0x1  }
0xb5: {  	s29 =	srdreg.scid  }
0xb6: {  	s30 =	sshll.u32 s29, $0xD;
	s31 =	sshrl.u32 s29, $0x2  }
0xb7: {  	s2 =	sand.u32 $0x4000, s30;
	s1 =	sand.u32 $0x1, s29;
	s0 =	sadd.s32 s31, s28  }
0xb8: {  	s1 =	sor.u32 s2, s1;
	s0 =	sshll.u32 s0, $0x11  }
0xb9: {  	s0 =	sor.u32 s0, s1  }
0xba: {  	s0 =	sadd.s32 $0x8F2B, s0  }
0xbb: {  	[sflag:s0] =	ssyncadd.remote.s32 $0x1  }
0xbc: {  	_ =	sfence.sel $0xFFFF  }
0xbd: {  	[dreg:$0x0] =	wrdreg $0xFFFFFFFF;
	(pc) =	sbr.abs _section_cstart, $3  }
0xbe: {  	[dreg:$0x1] =	wrdreg $0xFFFFFFFF  }
0xbf: {  	_ =	task.clear_ibuf [dreg:s5], $0x2FFFF;
	_ =	strace $0x9FFFFFFF  }
0xc0: {  	(tm) =	ssettm $0x7FFFFFFF  }
0xc1: {  	_ =	shalt  }
tec
execute0_lowered:
.L_overlay_start_1:
0x0: {  	(tag) =	ssettag $0x1  }
0x1: {  	s5 =	rddreg [dreg:$0x0]  }
0x2: {  	s2 =	rddreg [dreg:$0x1]  }
0x3: {  	s0 =	rddreg [dreg:$0x2];
	s1 =	stileid.u32;
	_ =	strace $0x80000059  }
0x4: {  	s6 =	simm.s32 $0x1;
	s8 =	simm.s32 $0x2;
	s30 =	simm.s32 $0x3  }
0x5: {  	s12 =	simm.s32 $0x0;
	s9 =	simm.s32 $0x0;
	s4 =	sshll.u32 s1, $0x4  }
0x6: {  	s10 =	simm.s32 $0x0;
	s3 =	sadd.s32 $0x92E00, s5;
	s7 =	ssub.s32 $0x1380, s4  }
0x7: {  	s5 =	sadd.s32 $0x96000, s5;
	[sflag:s6] =	ssyncpa.u1 $0x0;
	s6 =	sshrl.u32 s7, $0x8  }
0x8: {  	[sflag:s8] =	ssyncpa.u1 $0x0;
	s11 =	smov.u32 s4;
	s31 =	sshll.u32 s6, $0x4  }
0x9: {  	[sflag:s30] =	ssyncpa.u1 $0x0;
	s7 =	sadd.s32 $0x2, s6;
	s8 =	sadd.s32 $0x30, s31  }
.LBB2_1:
0xa: {  	p0 =	sgt.u32 s10, s6  }
0xb: {  	s13 =	sxor.u32 @!p0 $0xFFFFFFFF, s9;
	s14 =	sshrl.u32 @!p0 s11, $0x3  }
0xc: {  	s15 =	sand.u32 @!p0 $0x7, s11;
	s13 =	sand.u32 @!p0 $0x10, s13;
	s14 =	sadd.s32 @!p0 s2, s14  }
0xd: {  	[tilespmem:s13], [sflag:$0x2] =	stream.linear.gather @!p0 [hbm4b:s14+s15], $0x10, $0x38;
	[tilespmem:$0x40] =	vst v63  }
0xe: {  	p0 =	seq.s32 s9, $0x0  }
0xf: {  	p1 =	sge.u32 @!p0 s10, s7  }
0x10: {  	p0 =	por p1, p0  }
0x11: {  	s13 =	simm.s32 @!p0 $0x2  }
0x12: {  	_ =	swait.ge @!p0 [sflag:s13], $0x10  }
0x13: {  	[sflag:s13] =	ssyncset.done @!p0 $0x0  }
0x14: {  	[sflag:s13] =	ssyncadd.s32 @!p0 $0xFFFFFFF0;
	s13 =	sand.u32 @!p0 $0x10, s9  }
0x15: {  	(ifvalue) =	ssetifvalue @!p0 $0x7FFFFFFF;
	v0 =	vld.msk @!p0 [tilespmem:s13+$0x0 ss:$0x1], $0xffff;
	_ =	sdelay $0x4  }
0x16: {  	vm0 =	vgt.s32 @!p0 v0, $0x0  }
0x17: {  	v0 =	vnsel @!p0 vm0, $0x0, v0  }
0x18: {  	v0 =	vmin.u32 @!p0 v0, $0x1869F;
	_ =	sdelay $0x3  }
0x19: {  	s14 =	simm.s32 @!p0 $0x0;
	s13 =	sor.u32 @!p0 $0x20, s13;
	(ifvalue) =	ssetifvalue @!p0 $0x7FFFFFFF;
	vm0 =	vmmov @!p0 $0xffff  }
0x1a: {  	[tilespmem:s13], [sflag:$0x1] =	stream.indirect_vreg.gather @!p0 [hbm4b:s3+s14], $0x1, v0, vm0, $0x4038;
	[tilespmem:$0x40] =	vst v63  }
0x1b: {  	s14 =	simm.s32 @!p0 $0x1  }
0x1c: {  	_ =	swait.ge @!p0 [sflag:s14], $0x10  }
0x1d: {  	s15 =	sshrl.u32 @!p0 s12, $0x3;
	[sflag:s14] =	ssyncset.done @!p0 $0x0  }
0x1e: {  	s12 =	sand.u32 @!p0 $0x7, s12;
	[sflag:s14] =	ssyncadd.s32 @!p0 $0xFFFFFFF0;
	s14 =	sadd.s32 @!p0 s5, s15  }
0x1f: {  	[hbm4b:s14+s12] =	stream.linear.scatter @!p0 [tilespmem:s13], [sflag:$0x3], $0x10, $0x38;
	[tilespmem:$0x40] =	vst v63  }
0x20: {  	s14 =	sadd.s32 $0x100, s11  }
0x21: {  	s9 =	sadd.s32 $0x10, s9;
	p1 =	sgt.s32 s14, $0x1387  }
0x22: {  	s14 =	smov.u32 @p1 s4;
	p1 =	sne.s32 s8, s9  }
.Ltmp0:
0x23: {  	p0 =	slt.u32 s10, $0x2;
	(pc) =	sbr.rel @p1 .LBB2_1-.Ltmp0, $4  }
0x24: {  	s13 =	simm.s32 @!p0 $0x3  }
0x25: {  	_ =	swait.ge @!p0 [sflag:s13], $0x10  }
0x26: {  	s12 =	smov.u32 s11;
	[sflag:s13] =	ssyncset.done @!p0 $0x0  }
0x27: {  	s10 =	sadd.s32 $0x1, s10;
	s11 =	smov.u32 s14;
	[sflag:s13] =	ssyncadd.s32 @!p0 $0xFFFFFFF0  }
0x28: {  	_ =	sfence.sel $0x180000  }
0x29: {  	s2 =	simm.s32 $0x2;
	[bflag:$0x0] =	sbarrier.arrive $0xFFFF  }
0x2a: {  	s30 =	simm.s32 $0x3;
	[sflag:s2] =	ssyncpa.u1 $0x1  }
0x2b: {  	s31 =	simm.s32 $0x1;
	[sflag:s30] =	ssyncpa.u1 $0x1  }
0x2c: {  	[sflag:s31] =	ssyncpa.u1 $0x1  }
0x2d: {  	p0 =	sne.s32 s1, $0x0;
	_ =	strace $0x90000059  }
0x2e: {  	s0 =	sadd.s32 @!p0 $0x100000, s0;
	[bflag:$0x2] =	sbarrier.arrive $0xFFFF  }
0x2f: {  	[sflag:s0] =	ssyncadd.tile.s32 @!p0 $0x1;
	_ =	shalt  }
.Lfunc_end2:
_tile_overlayer_lowered:
.L_overlay_start_2:
0x30: {  	(tag) =	ssettag $0x2  }
0x31: {  	s0 =	rddreg [dreg:$0x0];
	s2 =	stileid.u32  }
0x32: {  	s1 =	rddreg [dreg:$0x1];
	p0 =	sne.s32 s2, $0x0  }
0x33: {  	s3 =	rddreg [dreg:$0x2];
	[bflag:$0x3] =	sbarrier.arrive $0xFFFF;
	s2 =	simm.s32 @!p0 $0x1C01  }
0x34: {  	[timem:s3], [sflag:s2] =	dma.local @!p0 [hbm:s0], s1  }
0x35: {  	s0 =	simm.s32 @!p0 $0x1  }
0x36: {  	_ =	swait.ge @!p0 [sflag:s0], s1  }
0x37: {  	s1 =	ssub.s32 @!p0 $0x0, s1;
	[sflag:s0] =	ssyncset.done @!p0 $0x0  }
0x38: {  	[sflag:s0] =	ssyncadd.s32 @!p0 s1  }
0x39: {  	[bflag:$0x3] =	sbarrier.arrive $0xFFFF  }
0x3a: {  	_ =	shalt  }

// kernel: gather_offload_async_start
scs
__scs_entry_jumppad:
0x0: {  	(pc) =	sbr.rel $0x88, $3  }
0x1: {  	(tag) =	ssettag $0x0;
	lr =	simm.s32 $0x1  }
0x2: {  	[smem:$0x3F90] =	sst lr;
	_ =	strace $0xD0000000  }
0x3: {  	_ = 	snop  }
0x4: {  	_ = 	snop  }
0x5: {  	_ = 	snop  }
0x6: {  	_ = 	snop  }
0x7: {  	_ = 	snop  }
__scs_overlays_trampoline_lowered:
0x8: {  	[smem:$0x3F9F] =	sst s0  }
0x9: {  	[smem:$0x3FA0] =	sst s1  }
0xa: {  	[smem:$0x3FA1] =	sst s2  }
0xb: {  	[smem:$0x3FA2] =	sst s3  }
0xc: {  	[smem:$0x3FA3] =	sst s4  }
0xd: {  	[smem:$0x3FA4] =	sst s5  }
0xe: {  	[smem:$0x3FA5] =	sst s6  }
0xf: {  	[smem:$0x3FA6] =	sst s7  }
0x10: {  	[smem:$0x3FA7] =	sst s8  }
0x11: {  	[smem:$0x3FA8] =	sst s9;
	s0 =	simm.s32 @!p0 $0x0  }
0x12: {  	s1 =	sld [smem:$0x3F8E];
	s0 =	simm.s32 @p0 $0x1  }
0x13: {  	[smem:$0x3FA9] =	sst s0;
	s0 =	simm.s32 @!p1 $0x0  }
0x14: {  	s2 =	sld [smem:$0x3F8D];
	s0 =	simm.s32 @p1 $0x1  }
0x15: {  	[smem:$0x3FAA] =	sst s0;
	s0 =	simm.s32 @!p2 $0x0  }
0x16: {  	s3 =	sld [smem:$0x3FDB];
	s0 =	simm.s32 @p2 $0x1  }
0x17: {  	s4 =	simm.s32 $0x1BF5;
	[smem:$0x3FAC] =	sst s0  }
0x18: {  	s0 =	sld [smem:$0x3F8F];
	_ =	swait.ge [sflag:s4], $0x0  }
0x19: {  	s7 =	sld [smem:$0x3F90]  }
0x1a: {  	s8 =	sadd.s32 $0xFFFFE003, lr  }
0x1b: {  	s9 =	sadd.s32 $0xFFFFFEF7, lr;
	s5 =	simm.s32 $0xFFFFFFFF;
	p2 =	slt.u32 s8, $0xFFFFF086  }
0x1c: {  	p1 =	slt.u32 s9, $0xF7A;
	s5 =	simm.s32 @!p2 $0x0  }
0x1d: {  	s5 =	simm.s32 @p1 $0x1;
	p0 =	seq.s32 s7, s2  }
0x1e: {  	s7 =	smul.u32 @!p0 $0xF7A, s2;
	p2 =	seq.s32 @!p0 s5, $0x0  }
0x1f: {  	s9 =	smul.u32 $0xF7A, s1;
	s8 =	simm.s32 @!p0 $0x1BF5;
	p2 =	por !p2, p0  }
0x20: {  	[sflag:s8] =	ssyncset.s32 @!p0 $0xFFFFF086;
	s6 =	sadd.s32 @!p0 s3, s7;
	s7 =	simm.s32 @!p0 $0x108  }
0x21: {  	s3 =	sadd.s32 s3, s9;
	s6 =	sadd.s32 @!p0 $0x88, s6;
	s7 =	simm.s32 @p2 $0x1082  }
0x22: {  	[simem:s7], [sflag:s8] =	dma.local @!p0 [hbm:s6], $0xF7A  }
0x23: {  	s9 =	sor.u32 $0xD0000000, s2;
	s6 =	simm.s32 $0x108;
	_ =	swait.ge @!p0 [sflag:s8], $0x0  }
0x24: {  	s3 =	sadd.s32 $0x88, s3;
	s6 =	simm.s32 @!p1 $0x1082;
	[sflag:s4] =	ssyncset.s32 $0xFFFFF086  }
0x25: {  	[simem:s6], [sflag:s4] =	dma.local [hbm:s3], $0xF7A  }
0x26: {  	[smem:$0x3F90] =	sst s1;
	(tag) =	ssettag s2;
	_ =	strace s9  }
0x27: {  	s1 =	sld [smem:$0x3FA0]  }
0x28: {  	s2 =	sld [smem:$0x3FA1]  }
0x29: {  	s4 =	sld [smem:$0x3FA3]  }
0x2a: {  	p0 =	seq.s32 s5, $0x0;
	s5 =	sld [smem:$0x3FA4]  }
0x2b: {  	s6 =	sld [smem:$0x3FA5]  }
0x2c: {  	s7 =	sld [smem:$0x3FA6]  }
0x2d: {  	s3 =	simm.s32 $0x108;
	s8 =	sld [smem:$0x3FA7]  }
0x2e: {  	s3 =	simm.s32 @!p0 $0x1082;
	s9 =	sld [smem:$0x3FA8]  }
0x2f: {  	lr =	sadd.s32 s0, s3;
	s0 =	sld [smem:$0x3F9F]  }
0x30: {  	s3 =	sld [smem:$0x3FA2]  }
0x31: {  	[smem:$0x3FAB] =	sst s10  }
0x32: {  	s10 =	sld [smem:$0x3FA9];
	_ =	sdelay $0x3  }
0x33: {  	p0 =	seq.s32 s10, $0x1;
	s10 =	sld [smem:$0x3FAB];
	_ =	sdelay $0x3  }
0x34: {  	[smem:$0x3FAB] =	sst s10  }
0x35: {  	s10 =	sld [smem:$0x3FAA];
	_ =	sdelay $0x3  }
0x36: {  	p1 =	seq.s32 s10, $0x1;
	s10 =	sld [smem:$0x3FAB];
	_ =	sdelay $0x3  }
0x37: {  	[smem:$0x3FAB] =	sst s10  }
0x38: {  	s10 =	sld [smem:$0x3FAC]  }
0x39: {  	_ = 	snop;
	(pc) =	sbr.ind lr, $3  }
0x3a: {  	_ = 	snop  }
0x3b: {  	_ = 	snop  }
0x3c: {  	p2 =	seq.s32 s10, $0x1;
	s10 =	sld [smem:$0x3FAB]  }
0x3d: {  	_ =	shalt  }
0x3e: {  	_ =	shalt  }
0x3f: {  	_ =	shalt  }
0x40: {  	_ =	shalt  }
0x41: {  	_ =	shalt  }
0x42: {  	_ =	shalt  }
0x43: {  	_ =	shalt  }
0x44: {  	_ =	shalt  }
0x45: {  	_ =	shalt  }
0x46: {  	_ =	shalt  }
0x47: {  	_ =	shalt  }
0x48: {  	_ =	shalt  }
0x49: {  	_ =	shalt  }
0x4a: {  	_ =	shalt  }
0x4b: {  	_ =	shalt  }
0x4c: {  	_ =	shalt  }
0x4d: {  	_ =	shalt  }
0x4e: {  	_ =	shalt  }
0x4f: {  	_ =	shalt  }
0x50: {  	_ =	shalt  }
0x51: {  	_ =	shalt  }
0x52: {  	_ =	shalt  }
0x53: {  	_ =	shalt  }
0x54: {  	_ =	shalt  }
0x55: {  	_ =	shalt  }
0x56: {  	_ =	shalt  }
0x57: {  	_ =	shalt  }
0x58: {  	_ =	shalt  }
0x59: {  	_ =	shalt  }
0x5a: {  	_ =	shalt  }
0x5b: {  	_ =	shalt  }
0x5c: {  	_ =	shalt  }
0x5d: {  	_ =	shalt  }
0x5e: {  	_ =	shalt  }
0x5f: {  	_ =	shalt  }
0x60: {  	_ =	shalt  }
0x61: {  	_ =	shalt  }
0x62: {  	_ =	shalt  }
0x63: {  	_ =	shalt  }
0x64: {  	_ =	shalt  }
0x65: {  	_ =	shalt  }
0x66: {  	_ =	shalt  }
0x67: {  	_ =	shalt  }
0x68: {  	_ =	shalt  }
0x69: {  	_ =	shalt  }
0x6a: {  	_ =	shalt  }
0x6b: {  	_ =	shalt  }
0x6c: {  	_ =	shalt  }
0x6d: {  	_ =	shalt  }
0x6e: {  	_ =	shalt  }
0x6f: {  	_ =	shalt  }
0x70: {  	_ =	shalt  }
0x71: {  	_ =	shalt  }
0x72: {  	_ =	shalt  }
0x73: {  	_ =	shalt  }
0x74: {  	_ =	shalt  }
0x75: {  	_ =	shalt  }
0x76: {  	_ =	shalt  }
0x77: {  	_ =	shalt  }
0x78: {  	_ =	shalt  }
0x79: {  	_ =	shalt  }
0x7a: {  	_ =	shalt  }
0x7b: {  	_ =	shalt  }
0x7c: {  	_ =	shalt  }
0x7d: {  	_ =	shalt  }
0x7e: {  	_ =	shalt  }
0x7f: {  	_ =	shalt  }
0x80: {  	_ =	shalt  }
0x81: {  	_ =	shalt  }
0x82: {  	_ =	shalt  }
0x83: {  	_ =	shalt  }
0x84: {  	_ =	shalt  }
0x85: {  	_ =	shalt  }
0x86: {  	_ =	shalt  }
0x87: {  	_ =	shalt  }
.Lfunc_end0:
.L_simem_size_0:
called_computation.4_lowered:
.L_overlay_start_0:
0x88: {  	s0 =	sld [smem:$0x3FD9]  }
0x89: {  	s1 =	sld [smem:$0x3FFE];
	_ =	sdelay $0x3  }
0x8a: {  	s0 =	sadd.s32 s1, s0  }
0x8b: {  	[smem:$0x3FB7] =	sst s0  }
0x8c: {  	_ = 	snop  }
0x8d: {  	s0 =	sld [smem:$0x3FD0];
	(tm) =	ssettm $0x1  }
0x8e: {  	s16 =	sld [smem:$0x3FFB];
	_ =	sdelay $0x3  }
0x8f: {  	_ =	strace s16  }
0x90: {  	s1 =	sld [smem:$0x3FFC];
	_ =	sdelay $0x3  }
0x91: {  	_ =	strace s1  }
0x92: {  	s1 =	sld [smem:$0x3FFD];
	_ =	sdelay $0x3  }
0x93: {  	_ =	strace s1  }
0x94: {  	_ =	strace $0x8FFFFFFF  }
0x95: {  	s17 =	sld [smem:$0x3FDB];
	_ =	sdelay $0x1  }
0x96: {  	s2 =	simm.s32 $_scs_section_size  }
0x97: {  	s3 =	simm.s32 $_size__tile_overlayer_lowered;
	s4 =	simm.s32 $_tile_overlayer_lowered  }
0x98: {  	s20 =	simm.s32 $0x1BFF;
	s19 =	sshll.u32 s4, $0x1;
	s1 =	sadd.s32 s2, s17  }
0x99: {  	s5 =	simm.s32 $0x0;
	s18 =	sshll.u32 s3, $0x1;
	s3 =	sadd.s32 s19, s1  }
0x9a: {  	[timem:s5], [sflag:s20] =	dma.local [hbm:s3], s18  }
0x9b: {  	_ =	swait.ge [sflag:s20], s18  }
0x9c: {  	s2 =	ssub.s32 $0x0, s18;
	[sflag:s20] =	ssyncset.done $0x0  }
0x9d: {  	[sflag:s20] =	ssyncadd.s32 s2;
	_ =	sdelay $0x1  }
0x9e: {  	s21 =	simm.s32 $0x1B8B  }
0x9f: {  	_ =	swait.ge [sflag:s21], $0x1  }
0xa0: {  	[sflag:s21] =	ssyncset.done $0x0  }
0xa1: {  	s23 =	simm.s32 $0x1B8E;
	s22 =	sld [smem:$0x3FFE];
	[sflag:s21] =	ssyncadd.s32 $0xFFFFFFFF  }
0xa2: {  	s24 =	simm.s32 $execute0_lowered;
	[smem:$0x3FD2] =	sst s23  }
0xa3: {  	s3 =	sshll.u32 s24, $0x1;
	_ =	strace $0x8000005B;
	[dreg:$0x1] =	wrdreg $0xFFFFFFFF  }
0xa4: {  	s25 =	simm.s32 $_size_execute0_lowered;
	s1 =	sadd.s32 s1, s3;
	[dreg:$0x0] =	wrdreg $0x0  }
0xa5: {  	s3 =	sshll.u32 s25, $0x1;
	[dreg:$0x2] =	wrdreg s1  }
0xa6: {  	[dreg:$0x3] =	wrdreg s3  }
0xa7: {  	[dreg:$0x4] =	wrdreg $0xC0  }
0xa8: {  	_ =	task [dreg:s5], $0x5FFFF  }
0xa9: {  	[dreg:$0x1] =	wrdreg $0xFFFFFFFF  }
0xaa: {  	[dreg:$0x0] =	wrdreg $0x60  }
0xab: {  	[dreg:$0x2] =	wrdreg s22  }
0xac: {  	[dreg:$0x3] =	wrdreg s0  }
0xad: {  	[dreg:$0x4] =	wrdreg $0x9  }
0xae: {  	_ =	task.clear_ibuf [dreg:s5], $0x5FFFF;
	_ =	strace $0x9000005B  }
0xaf: {  	s26 =	simm.s32 $0x9;
	_ =	strace $0x8000005D  }
0xb0: {  	_ =	swait.ge [sflag:s26], $0x1  }
0xb1: {  	[sflag:s26] =	ssyncadd.s32 $0xFFFFFFFF  }
0xb2: {  	_ =	strace $0x9000005D  }
0xb3: {  	_ =	sfence  }
0xb4: {  	s28 =	sld [smem:$0x0];
	_ =	sdelay $0x1  }
0xb5: {  	s29 =	srdreg.scid  }
0xb6: {  	s30 =	sshll.u32 s29, $0xD;
	s31 =	sshrl.u32 s29, $0x2  }
0xb7: {  	s2 =	sand.u32 $0x4000, s30;
	s1 =	sand.u32 $0x1, s29;
	s0 =	sadd.s32 s31, s28  }
0xb8: {  	s1 =	sor.u32 s2, s1;
	s0 =	sshll.u32 s0, $0x11  }
0xb9: {  	s0 =	sor.u32 s0, s1  }
0xba: {  	s0 =	sadd.s32 $0x8F2B, s0  }
0xbb: {  	[sflag:s0] =	ssyncadd.remote.s32 $0x1  }
0xbc: {  	_ =	sfence.sel $0xFFFF  }
0xbd: {  	[dreg:$0x0] =	wrdreg $0xFFFFFFFF;
	(pc) =	sbr.abs _section_cstart, $3  }
0xbe: {  	[dreg:$0x1] =	wrdreg $0xFFFFFFFF  }
0xbf: {  	_ =	task.clear_ibuf [dreg:s5], $0x2FFFF;
	_ =	strace $0x9FFFFFFF  }
0xc0: {  	(tm) =	ssettm $0x7FFFFFFF  }
0xc1: {  	_ =	shalt  }
tec
execute0_lowered:
.L_overlay_start_1:
0x0: {  	(tag) =	ssettag $0x1  }
0x1: {  	s0 =	stileid.u32  }
0x2: {  	s1 =	smin.u32 s0, $0x9  }
0x3: {  	s1 =	sadd.s32 s0, s1  }
0x4: {  	s2 =	simm.s32 $0x190;
	p0 =	slt.u32 s0, $0x9;
	s1 =	smul.u32 $0xC8, s1  }
0x5: {  	s2 =	simm.s32 @!p0 $0xC8  }
0x6: {  	s2 =	sadd.s32 s2, s1  }
0x7: {  	s3 =	smin.u32 s2, $0x1388  }
0x8: {  	s7 =	ssub.s32 s3, s1  }
0x9: {  	p0 =	sgt.s32 s7, $0x0  }
0xa: {  	s7 =	simm.s32 @!p0 $0x0  }
0xb: {  	s31 =	sand.u32 $0xFFF8, s7  }
0xc: {  	s2 =	sshrl.u32 s31, $0x3  }
0xd: {  	s9 =	rddreg [dreg:$0x0];
	s2 =	smul.u32 $0x147B, s2  }
0xe: {  	s4 =	rddreg [dreg:$0x1];
	s6 =	simm.s32 $0x1  }
0xf: {  	s11 =	simm.s32 $0x3;
	s13 =	simm.s32 $0x0;
	s8 =	sshrl.u32 s2, $0x11  }
0x10: {  	s12 =	simm.s32 $0x0;
	s5 =	sadd.s32 $0xF7800, s9;
	s10 =	smul.u32 $0xC8, s8  }
.Ltmp0:
0x11: {  	s9 =	sadd.s32 $0x96400, s9;
	s2 =	rddreg [dreg:$0x2];
	(pc) =	sbr.rel .LBB2_1-.Ltmp0, $4  }
0x12: {  	_ =	strace $0x8000005C;
	p0 =	sne.s32 s7, s10;
	s10 =	simm.s32 $0x1  }
0x13: {  	[sflag:s6] =	ssyncpa.u1 $0x0;
	s7 =	simm.s32 $0x2;
	s10 =	simm.s32 @!p0 $0x0  }
0x14: {  	[sflag:s7] =	ssyncpa.u1 $0x0;
	p0 =	por $0x0, $0x0;
	s8 =	sadd.s32 s8, s10  }
0x15: {  	vm0 =	vmmov $0xff;
	vm1 =	vcmask $0x3F20;
	[sflag:s11] =	ssyncpa.u1 $0x0;
	s11 =	smov.u32 s1;
	s10 =	sadd.s32 $0x1, s8  }
.LBB2_6:
0x16: {  	[hbm:s17] =	stream.linear.scatter [tilespmem:s14], [sflag:$0x3], $0x400, $0x38;
	[tilespmem:$0xC990] =	vst v63  }
.LBB2_7:
0x17: {  	s13 =	sadd.s32 $0xC8, s11  }
0x18: {  	s15 =	smov.u32 s1;
	p2 =	slt.s32 s13, s3  }
0x19: {  	s15 =	smov.u32 @p2 s13;
	p2 =	sne.s32 s12, s10  }
.Ltmp1:
0x1a: {  	p1 =	slt.u32 s12, $0x2;
	(pc) =	sbr.rel @!p2 .LBB2_8-.Ltmp1, $4  }
0x1b: {  	s14 =	simm.s32 @!p1 $0x3  }
0x1c: {  	s16 =	sadd.s32 $0x1, s12;
	_ =	swait.ge @!p1 [sflag:s14], $0x6400  }
0x1d: {  	p0 =	por !p0, !p0;
	s13 =	smov.u32 s11;
	[sflag:s14] =	ssyncset.done @!p1 $0x0  }
0x1e: {  	s12 =	smov.u32 s16;
	s11 =	smov.u32 s15;
	[sflag:s14] =	ssyncadd.s32 @!p1 $0xFFFF9C00  }
.LBB2_1:
0x1f: {  	p1 =	sge.u32 s12, s8  }
0x20: {  	s14 =	sxor.u32 @!p1 $0xFFFFFFFF, s12  }
0x21: {  	s14 =	sand.u32 @!p1 $0x1, s14  }
0x22: {  	s14 =	smul.u32 @!p1 $0x320, s14  }
0x23: {  	s31 =	sadd.s32 $0xFFFFFFFF, s12;
	s15 =	sshrl.u32 @!p1 s11, $0x3  }
0x24: {  	s16 =	sand.u32 @!p1 $0x7, s11;
	s15 =	sadd.s32 @!p1 s4, s15;
	s14 =	sshrl.u32 @!p1 s14, $0x2  }
0x25: {  	[tilespmem:s14], [sflag:$0x2] =	stream.linear.gather @!p1 [hbm4b:s15+s16], $0xC8, $0x38;
	[tilespmem:$0xC990] =	vst v63  }
0x26: {  	p1 =	sge.u32 s31, s8  }
.Ltmp2:
0x27: {  	_ = 	snop;
	(pc) =	sbr.rel @p1 .LBB2_7-.Ltmp2, $1  }
0x28: {  	_ =	sdelay $0x3  }
0x29: {  	s14 =	simm.s32 $0x1  }
0x2a: {  	s14 =	simm.s32 @!p0 $0x0  }
0x2b: {  	s15 =	smul.u32 $0x320, s14  }
0x2c: {  	_ =	swait.ge [sflag:s7], $0xC8  }
0x2d: {  	[sflag:s7] =	ssyncset.done $0x0;
	s16 =	sshrl.u32 s15, $0x2  }
0x2e: {  	[sflag:s7] =	ssyncadd.s32 $0xFFFFFF38;
	s15 =	sadd.s32 $0x0, s16  }
0x2f: {  	v0 =	vld.msk [tilespmem:s15+$0x0 ss:$0x1], $0xffff;
	_ =	sdelay $0x4  }
0x30: {  	vm2 =	vgt.s32 v0, $0x0  }
0x31: {  	v0 =	vnsel vm2, $0x0, v0  }
0x32: {  	v0 =	vmin.u32 v0, $0x1869F  }
0x33: {  	v0 =	vshll.u32 v0, $0x4  }
0x34: {  	s14 =	smul.u32 $0x19000, s14  }
0x35: {  	s31 =	sand.u32 $0x1, s12  }
0x36: {  	s17 =	smul.u32 $0x320, s31;
	s14 =	sshrl.u32 s14, $0x2  }
0x37: {  	s19 =	smul.u32 $0x19000, s31;
	s14 =	sor.u32 $0x190, s14  }
0x38: {  	[tilespmem:s14], [sflag:$0x1] =	stream.indirect_vreg.gather [hbm:s5], $0x80, v0, vm0, $0x38;
	[tilespmem:$0xC990] =	vst v63  }
0x39: {  	s18 =	sshrl.u32 s17, $0x2;
	s20 =	sadd.s32 $0x10, s16;
	s15 =	sadd.s32 $0x400, s14  }
0x3a: {  	[tilespmem:s15], [sflag:$0x1] =	stream.indirect_vreg.gather [hbm:s5], $0x80, v0, vm1, $0x38;
	[tilespmem:$0xC990] =	vst v63  }
0x3b: {  	s17 =	sshrl.u32 s19, $0x2;
	s19 =	smov.u32 s14;
	v0 =	vld.msk [tilespmem:s20+$0x0 ss:$0x1], $0xffff;
	s20 =	simm.s32 $0x80  }
.LBB2_3:
0x3c: {  	p1 =	sne.s32 s20, $0x2C0;
	_ =	sdelay $0x4  }
0x3d: {  	vm2 =	vgt.s32 v0, $0x0  }
0x3e: {  	v0 =	vnsel vm2, $0x0, v0  }
0x3f: {  	v0 =	vmin.u32 v0, $0x1869F  }
0x40: {  	v0 =	vshll.u32 v0, $0x4;
	_ =	sdelay $0x3  }
.Ltmp3:
0x41: {  	s21 =	sshra.s32 s20, $0x2;
	s19 =	sadd.s32 $0x800, s19;
	(pc) =	sbr.rel @p1 .LBB2_3-.Ltmp3, $4  }
0x42: {  	[tilespmem:s19], [sflag:$0x1] =	stream.indirect_vreg.gather [hbm:s5], $0x80, v0, vm0, $0x38;
	[tilespmem:$0xC990] =	vst v63  }
0x43: {  	s21 =	sadd.s32 s21, s16;
	s22 =	sadd.s32 $0x400, s19  }
0x44: {  	[tilespmem:s22], [sflag:$0x1] =	stream.indirect_vreg.gather [hbm:s5], $0x80, v0, vm1, $0x38;
	[tilespmem:$0xC990] =	vst v63  }
0x45: {  	s20 =	sadd.s32 $0x40, s20;
	v0 =	vld.msk [tilespmem:s21+$0x0 ss:$0x1], $0xffff  }
0x46: {  	_ =	sdelay $0x3  }
0x47: {  	vm2 =	vgt.s32 v0, $0x0  }
0x48: {  	v0 =	vnsel vm2, $0x0, v0  }
0x49: {  	v0 =	vmin.u32 v0, $0x1869F  }
0x4a: {  	v0 =	vshll.u32 v0, $0x4;
	_ =	sdelay $0x3  }
0x4b: {  	s16 =	sadd.s32 $0x800, s19  }
0x4c: {  	[tilespmem:s16], [sflag:$0x1] =	stream.indirect_vreg.gather [hbm:s5], $0x80, v0, vm0, $0x38;
	[tilespmem:$0xC990] =	vst v63  }
0x4d: {  	s16 =	sadd.s32 $0x400, s16  }
0x4e: {  	[tilespmem:s16], [sflag:$0x1] =	stream.indirect_vreg.gather [hbm:s5], $0x80, v0, vm1, $0x38;
	[tilespmem:$0xC990] =	vst v63  }
0x4f: {  	v0 =	vld.msk [tilespmem:s18+$0xC0 ss:$0x1], $0xff;
	_ =	sdelay $0x4  }
0x50: {  	vm2 =	vgt.s32 v0, $0x0  }
0x51: {  	v0 =	vnsel vm2, $0x0, v0  }
0x52: {  	v0 =	vmin.u32 v0, $0x1869F  }
0x53: {  	v0 =	vshll.u32 v0, $0x4;
	_ =	sdelay $0x3  }
0x54: {  	s31 =	sadd.s32 $0x6190, s17  }
0x55: {  	[tilespmem:s31], [sflag:$0x1] =	stream.indirect_vreg.gather [hbm:s5], $0x80, v0, vm0, $0x38;
	[tilespmem:$0xC990] =	vst v63  }
0x56: {  	s13 =	sshll.u32 s13, $0x4;
	_ =	swait.ge [sflag:s6], $0x6400  }
0x57: {  	s13 =	sadd.s32 s13, s9;
	[sflag:s6] =	ssyncset.done $0x0  }
0x58: {  	s17 =	sadd.s32 $0x0, s13;
	s16 =	simm.s32 $0x80;
	[sflag:s6] =	ssyncadd.s32 $0xFFFF9C00  }
.LBB2_5:
0x59: {  	[hbm:s17] =	stream.linear.scatter [tilespmem:s14], [sflag:$0x3], $0x400, $0x38;
	[tilespmem:$0xC990] =	vst v63  }
0x5a: {  	s17 =	smov.u32 s16;
	s14 =	smov.u32 s15;
	p1 =	sne.s32 s16, $0xC00  }
.Ltmp4:
0x5b: {  	s16 =	sadd.s32 $0x80, s16;
	(pc) =	sbr.rel @p1 .LBB2_5-.Ltmp4, $2  }
0x5c: {  	_ =	sdelay $0x2  }
0x5d: {  	s15 =	sadd.s32 $0x400, s15;
	s17 =	sadd.s32 s17, s13  }
.Ltmp5:
0x5e: {  	_ = 	snop;
	(pc) =	sbr.rel .LBB2_6-.Ltmp5, $1  }
0x5f: {  	_ =	sdelay $0x3  }
.LBB2_8:
0x60: {  	_ =	sfence.sel $0x180000  }
0x61: {  	s1 =	simm.s32 $0x2;
	[bflag:$0x0] =	sbarrier.arrive $0xFFFF  }
0x62: {  	s30 =	simm.s32 $0x3;
	[sflag:s1] =	ssyncpa.u1 $0x1  }
0x63: {  	s31 =	simm.s32 $0x1;
	[sflag:s30] =	ssyncpa.u1 $0x1  }
0x64: {  	[sflag:s31] =	ssyncpa.u1 $0x1  }
0x65: {  	p0 =	sne.s32 s0, $0x0;
	_ =	strace $0x9000005C  }
0x66: {  	s0 =	sadd.s32 @!p0 $0x100000, s2;
	[bflag:$0x2] =	sbarrier.arrive $0xFFFF  }
0x67: {  	[sflag:s0] =	ssyncadd.tile.s32 @!p0 $0x1;
	_ =	shalt  }
.Lfunc_end2:
_tile_overlayer_lowered:
.L_overlay_start_2:
0x68: {  	(tag) =	ssettag $0x2  }
0x69: {  	s0 =	rddreg [dreg:$0x0];
	s2 =	stileid.u32  }
0x6a: {  	s1 =	rddreg [dreg:$0x1];
	p0 =	sne.s32 s2, $0x0  }
0x6b: {  	s3 =	rddreg [dreg:$0x2];
	[bflag:$0x3] =	sbarrier.arrive $0xFFFF;
	s2 =	simm.s32 @!p0 $0x1C01  }
0x6c: {  	[timem:s3], [sflag:s2] =	dma.local @!p0 [hbm:s0], s1  }
0x6d: {  	s0 =	simm.s32 @!p0 $0x1  }
0x6e: {  	_ =	swait.ge @!p0 [sflag:s0], s1  }
0x6f: {  	s1 =	ssub.s32 @!p0 $0x0, s1;
	[sflag:s0] =	ssyncset.done @!p0 $0x0  }
0x70: {  	[sflag:s0] =	ssyncadd.s32 @!p0 s1  }
0x71: {  	[bflag:$0x3] =	sbarrier.arrive $0xFFFF  }
0x72: {  	_ =	shalt  }

// kernel: scatter_offload_async_start.1
scs
__scs_entry_jumppad:
0x0: {  	(pc) =	sbr.rel $0x88, $3  }
0x1: {  	(tag) =	ssettag $0x0;
	lr =	simm.s32 $0x1  }
0x2: {  	[smem:$0x3F90] =	sst lr;
	_ =	strace $0xD0000000  }
0x3: {  	_ = 	snop  }
0x4: {  	_ = 	snop  }
0x5: {  	_ = 	snop  }
0x6: {  	_ = 	snop  }
0x7: {  	_ = 	snop  }
__scs_overlays_trampoline_lowered:
0x8: {  	[smem:$0x3F9F] =	sst s0  }
0x9: {  	[smem:$0x3FA0] =	sst s1  }
0xa: {  	[smem:$0x3FA1] =	sst s2  }
0xb: {  	[smem:$0x3FA2] =	sst s3  }
0xc: {  	[smem:$0x3FA3] =	sst s4  }
0xd: {  	[smem:$0x3FA4] =	sst s5  }
0xe: {  	[smem:$0x3FA5] =	sst s6  }
0xf: {  	[smem:$0x3FA6] =	sst s7  }
0x10: {  	[smem:$0x3FA7] =	sst s8  }
0x11: {  	[smem:$0x3FA8] =	sst s9;
	s0 =	simm.s32 @!p0 $0x0  }
0x12: {  	s1 =	sld [smem:$0x3F8E];
	s0 =	simm.s32 @p0 $0x1  }
0x13: {  	[smem:$0x3FA9] =	sst s0;
	s0 =	simm.s32 @!p1 $0x0  }
0x14: {  	s2 =	sld [smem:$0x3F8D];
	s0 =	simm.s32 @p1 $0x1  }
0x15: {  	[smem:$0x3FAA] =	sst s0;
	s0 =	simm.s32 @!p2 $0x0  }
0x16: {  	s3 =	sld [smem:$0x3FDB];
	s0 =	simm.s32 @p2 $0x1  }
0x17: {  	s4 =	simm.s32 $0x1BF5;
	[smem:$0x3FAC] =	sst s0  }
0x18: {  	s0 =	sld [smem:$0x3F8F];
	_ =	swait.ge [sflag:s4], $0x0  }
0x19: {  	s7 =	sld [smem:$0x3F90]  }
0x1a: {  	s8 =	sadd.s32 $0xFFFFE003, lr  }
0x1b: {  	s9 =	sadd.s32 $0xFFFFFEF7, lr;
	s5 =	simm.s32 $0xFFFFFFFF;
	p2 =	slt.u32 s8, $0xFFFFF086  }
0x1c: {  	p1 =	slt.u32 s9, $0xF7A;
	s5 =	simm.s32 @!p2 $0x0  }
0x1d: {  	s5 =	simm.s32 @p1 $0x1;
	p0 =	seq.s32 s7, s2  }
0x1e: {  	s7 =	smul.u32 @!p0 $0xF7A, s2;
	p2 =	seq.s32 @!p0 s5, $0x0  }
0x1f: {  	s9 =	smul.u32 $0xF7A, s1;
	s8 =	simm.s32 @!p0 $0x1BF5;
	p2 =	por !p2, p0  }
0x20: {  	[sflag:s8] =	ssyncset.s32 @!p0 $0xFFFFF086;
	s6 =	sadd.s32 @!p0 s3, s7;
	s7 =	simm.s32 @!p0 $0x108  }
0x21: {  	s3 =	sadd.s32 s3, s9;
	s6 =	sadd.s32 @!p0 $0x88, s6;
	s7 =	simm.s32 @p2 $0x1082  }
0x22: {  	[simem:s7], [sflag:s8] =	dma.local @!p0 [hbm:s6], $0xF7A  }
0x23: {  	s9 =	sor.u32 $0xD0000000, s2;
	s6 =	simm.s32 $0x108;
	_ =	swait.ge @!p0 [sflag:s8], $0x0  }
0x24: {  	s3 =	sadd.s32 $0x88, s3;
	s6 =	simm.s32 @!p1 $0x1082;
	[sflag:s4] =	ssyncset.s32 $0xFFFFF086  }
0x25: {  	[simem:s6], [sflag:s4] =	dma.local [hbm:s3], $0xF7A  }
0x26: {  	[smem:$0x3F90] =	sst s1;
	(tag) =	ssettag s2;
	_ =	strace s9  }
0x27: {  	s1 =	sld [smem:$0x3FA0]  }
0x28: {  	s2 =	sld [smem:$0x3FA1]  }
0x29: {  	s4 =	sld [smem:$0x3FA3]  }
0x2a: {  	p0 =	seq.s32 s5, $0x0;
	s5 =	sld [smem:$0x3FA4]  }
0x2b: {  	s6 =	sld [smem:$0x3FA5]  }
0x2c: {  	s7 =	sld [smem:$0x3FA6]  }
0x2d: {  	s3 =	simm.s32 $0x108;
	s8 =	sld [smem:$0x3FA7]  }
0x2e: {  	s3 =	simm.s32 @!p0 $0x1082;
	s9 =	sld [smem:$0x3FA8]  }
0x2f: {  	lr =	sadd.s32 s0, s3;
	s0 =	sld [smem:$0x3F9F]  }
0x30: {  	s3 =	sld [smem:$0x3FA2]  }
0x31: {  	[smem:$0x3FAB] =	sst s10  }
0x32: {  	s10 =	sld [smem:$0x3FA9];
	_ =	sdelay $0x3  }
0x33: {  	p0 =	seq.s32 s10, $0x1;
	s10 =	sld [smem:$0x3FAB];
	_ =	sdelay $0x3  }
0x34: {  	[smem:$0x3FAB] =	sst s10  }
0x35: {  	s10 =	sld [smem:$0x3FAA];
	_ =	sdelay $0x3  }
0x36: {  	p1 =	seq.s32 s10, $0x1;
	s10 =	sld [smem:$0x3FAB];
	_ =	sdelay $0x3  }
0x37: {  	[smem:$0x3FAB] =	sst s10  }
0x38: {  	s10 =	sld [smem:$0x3FAC]  }
0x39: {  	_ = 	snop;
	(pc) =	sbr.ind lr, $3  }
0x3a: {  	_ = 	snop  }
0x3b: {  	_ = 	snop  }
0x3c: {  	p2 =	seq.s32 s10, $0x1;
	s10 =	sld [smem:$0x3FAB]  }
0x3d: {  	_ =	shalt  }
0x3e: {  	_ =	shalt  }
0x3f: {  	_ =	shalt  }
0x40: {  	_ =	shalt  }
0x41: {  	_ =	shalt  }
0x42: {  	_ =	shalt  }
0x43: {  	_ =	shalt  }
0x44: {  	_ =	shalt  }
0x45: {  	_ =	shalt  }
0x46: {  	_ =	shalt  }
0x47: {  	_ =	shalt  }
0x48: {  	_ =	shalt  }
0x49: {  	_ =	shalt  }
0x4a: {  	_ =	shalt  }
0x4b: {  	_ =	shalt  }
0x4c: {  	_ =	shalt  }
0x4d: {  	_ =	shalt  }
0x4e: {  	_ =	shalt  }
0x4f: {  	_ =	shalt  }
0x50: {  	_ =	shalt  }
0x51: {  	_ =	shalt  }
0x52: {  	_ =	shalt  }
0x53: {  	_ =	shalt  }
0x54: {  	_ =	shalt  }
0x55: {  	_ =	shalt  }
0x56: {  	_ =	shalt  }
0x57: {  	_ =	shalt  }
0x58: {  	_ =	shalt  }
0x59: {  	_ =	shalt  }
0x5a: {  	_ =	shalt  }
0x5b: {  	_ =	shalt  }
0x5c: {  	_ =	shalt  }
0x5d: {  	_ =	shalt  }
0x5e: {  	_ =	shalt  }
0x5f: {  	_ =	shalt  }
0x60: {  	_ =	shalt  }
0x61: {  	_ =	shalt  }
0x62: {  	_ =	shalt  }
0x63: {  	_ =	shalt  }
0x64: {  	_ =	shalt  }
0x65: {  	_ =	shalt  }
0x66: {  	_ =	shalt  }
0x67: {  	_ =	shalt  }
0x68: {  	_ =	shalt  }
0x69: {  	_ =	shalt  }
0x6a: {  	_ =	shalt  }
0x6b: {  	_ =	shalt  }
0x6c: {  	_ =	shalt  }
0x6d: {  	_ =	shalt  }
0x6e: {  	_ =	shalt  }
0x6f: {  	_ =	shalt  }
0x70: {  	_ =	shalt  }
0x71: {  	_ =	shalt  }
0x72: {  	_ =	shalt  }
0x73: {  	_ =	shalt  }
0x74: {  	_ =	shalt  }
0x75: {  	_ =	shalt  }
0x76: {  	_ =	shalt  }
0x77: {  	_ =	shalt  }
0x78: {  	_ =	shalt  }
0x79: {  	_ =	shalt  }
0x7a: {  	_ =	shalt  }
0x7b: {  	_ =	shalt  }
0x7c: {  	_ =	shalt  }
0x7d: {  	_ =	shalt  }
0x7e: {  	_ =	shalt  }
0x7f: {  	_ =	shalt  }
0x80: {  	_ =	shalt  }
0x81: {  	_ =	shalt  }
0x82: {  	_ =	shalt  }
0x83: {  	_ =	shalt  }
0x84: {  	_ =	shalt  }
0x85: {  	_ =	shalt  }
0x86: {  	_ =	shalt  }
0x87: {  	_ =	shalt  }
.Lfunc_end0:
.L_simem_size_0:
called_computation.1_lowered:
.L_overlay_start_0:
0x88: {  	s0 =	sld [smem:$0x3FD9]  }
0x89: {  	s1 =	sld [smem:$0x3FFE];
	_ =	sdelay $0x3  }
0x8a: {  	s0 =	sadd.s32 s1, s0  }
0x8b: {  	[smem:$0x3FB7] =	sst s0  }
0x8c: {  	_ = 	snop  }
0x8d: {  	s14 =	sld [smem:$0x3FD0];
	(tm) =	ssettm $0x1  }
0x8e: {  	s15 =	sld [smem:$0x3FFB];
	_ =	sdelay $0x3  }
0x8f: {  	_ =	strace s15  }
0x90: {  	s0 =	sld [smem:$0x3FFC];
	_ =	sdelay $0x3  }
0x91: {  	_ =	strace s0  }
0x92: {  	s0 =	sld [smem:$0x3FFD];
	_ =	sdelay $0x3  }
0x93: {  	_ =	strace s0  }
0x94: {  	_ =	strace $0x8FFFFFFF  }
0x95: {  	s16 =	sld [smem:$0x3FDB];
	_ =	sdelay $0x1  }
0x96: {  	s2 =	simm.s32 $_scs_section_size  }
0x97: {  	s3 =	simm.s32 $_size__tile_overlayer_lowered;
	s4 =	simm.s32 $_tile_overlayer_lowered  }
0x98: {  	s5 =	simm.s32 $0x1BFF;
	s17 =	sshll.u32 s4, $0x1;
	s2 =	sadd.s32 s2, s16  }
0x99: {  	s18 =	simm.s32 $0x0;
	s3 =	sshll.u32 s3, $0x1;
	s4 =	sadd.s32 s17, s2  }
0x9a: {  	[timem:s18], [sflag:s5] =	dma.local [hbm:s4], s3  }
0x9b: {  	_ =	swait.ge [sflag:s5], s3  }
0x9c: {  	s3 =	ssub.s32 $0x0, s3;
	[sflag:s5] =	ssyncset.done $0x0  }
0x9d: {  	[sflag:s5] =	ssyncadd.s32 s3;
	_ =	sdelay $0x1  }
0x9e: {  	s19 =	simm.s32 $0x1B8B  }
0x9f: {  	_ =	swait.ge [sflag:s19], $0x1  }
0xa0: {  	[sflag:s19] =	ssyncset.done $0x0  }
0xa1: {  	s21 =	simm.s32 $0x1B8E;
	s20 =	sld [smem:$0x3FFE];
	[sflag:s19] =	ssyncadd.s32 $0xFFFFFFFF  }
0xa2: {  	s22 =	simm.s32 $execute0_lowered;
	[smem:$0x3FD2] =	sst s21  }
0xa3: {  	s4 =	sshll.u32 s22, $0x1;
	_ =	strace $0x8000004C;
	[dreg:$0x1] =	wrdreg $0xFFFFFFFF  }
0xa4: {  	s23 =	simm.s32 $_size_execute0_lowered;
	s4 =	sadd.s32 s2, s4;
	[dreg:$0x0] =	wrdreg $0x0  }
0xa5: {  	s5 =	sshll.u32 s23, $0x1;
	[dreg:$0x2] =	wrdreg s4  }
0xa6: {  	[dreg:$0x3] =	wrdreg s5  }
0xa7: {  	[dreg:$0x4] =	wrdreg $0xC0  }
0xa8: {  	s24 =	simm.s32 $execute1_lowered;
	_ =	task [dreg:s18], $0x5FFFF  }
0xa9: {  	s4 =	sshll.u32 s24, $0x1;
	[dreg:$0x1] =	wrdreg $0xFFFFFFFF  }
0xaa: {  	s2 =	sadd.s32 s2, s4;
	[dreg:$0x0] =	wrdreg $0x60  }
0xab: {  	[dreg:$0x2] =	wrdreg s2  }
0xac: {  	[dreg:$0x3] =	wrdreg s14  }
0xad: {  	[dreg:$0x4] =	wrdreg s20  }
0xae: {  	[dreg:$0x5] =	wrdreg $0x9  }
0xaf: {  	_ =	task.clear_ibuf [dreg:s18], $0x6FFFF;
	_ =	strace $0x9000004C  }
0xb0: {  	s25 =	simm.s32 $0x9;
	_ =	strace $0x8000004E  }
0xb1: {  	_ =	swait.ge [sflag:s25], $0x1  }
0xb2: {  	[sflag:s25] =	ssyncadd.s32 $0xFFFFFFFF  }
0xb3: {  	_ =	strace $0x9000004E  }
0xb4: {  	_ =	strace $0x8000004F;
	[dreg:$0x1] =	wrdreg $0xFFFFFFFF  }
0xb5: {  	[dreg:$0x0] =	wrdreg $0x2030  }
0xb6: {  	[dreg:$0x2] =	wrdreg s20  }
0xb7: {  	[dreg:$0x3] =	wrdreg $0xA  }
0xb8: {  	_ =	task.clear_ibuf [dreg:s18], $0x4FFFF;
	_ =	strace $0x9000004F  }
0xb9: {  	s26 =	simm.s32 $0xA;
	_ =	strace $0x80000051  }
0xba: {  	_ =	swait.ge [sflag:s26], $0x1  }
0xbb: {  	[sflag:s26] =	ssyncadd.s32 $0xFFFFFFFF  }
0xbc: {  	_ =	strace $0x90000051  }
0xbd: {  	_ =	sfence  }
0xbe: {  	s28 =	sld [smem:$0x0];
	_ =	sdelay $0x1  }
0xbf: {  	s29 =	srdreg.scid  }
0xc0: {  	s30 =	sshll.u32 s29, $0xD;
	s31 =	sshrl.u32 s29, $0x2  }
0xc1: {  	s3 =	sand.u32 $0x4000, s30;
	s2 =	sand.u32 $0x1, s29;
	s1 =	sadd.s32 s31, s28  }
0xc2: {  	s2 =	sor.u32 s3, s2;
	s1 =	sshll.u32 s1, $0x11  }
0xc3: {  	s1 =	sor.u32 s1, s2  }
0xc4: {  	s1 =	sadd.s32 $0x8F2B, s1  }
0xc5: {  	[sflag:s1] =	ssyncadd.remote.s32 $0x1  }
0xc6: {  	_ =	sfence.sel $0xFFFF  }
0xc7: {  	[dreg:$0x0] =	wrdreg $0xFFFFFFFF;
	(pc) =	sbr.abs _section_cstart, $3  }
0xc8: {  	[dreg:$0x1] =	wrdreg $0xFFFFFFFF  }
0xc9: {  	_ =	task.clear_ibuf [dreg:s18], $0x2FFFF;
	_ =	strace $0x9FFFFFFF  }
0xca: {  	(tm) =	ssettm $0x7FFFFFFF  }
0xcb: {  	_ =	shalt  }
tec
execute0_lowered:
.L_overlay_start_1:
0x0: {  	(tag) =	ssettag $0x1  }
0x1: {  	s3 =	rddreg [dreg:$0x0]  }
0x2: {  	s2 =	rddreg [dreg:$0x1]  }
0x3: {  	s5 =	rddreg [dreg:$0x2]  }
0x4: {  	s0 =	rddreg [dreg:$0x3]  }
0x5: {  	s4 =	stileid.u32;
	[bflag:$0x3] =	sbarrier.arrive $0xFFFF;
	s1 =	simm.s32 $_size_execute1_lowered  }
0x6: {  	s31 =	simm.s32 $0x2;
	p0 =	sne.s32 s4, $0x0;
	s1 =	sshll.u32 s1, $0x1  }
.Ltmp0:
0x7: {  	s6 =	simm.s32 @!p0 $0x1C3F;
	s7 =	simm.s32 @!p0 $0x4060;
	(pc) =	sbr.rel .LBB2_1-.Ltmp0, $4  }
0x8: {  	[timem:s7], [sflag:s6] =	dma.local @!p0 [hbm:s3], s1  }
0x9: {  	s3 =	smul.u32 $0xC40, s4;
	s4 =	simm.s32 $0x1;
	_ =	strace $0x8000004D  }
0xa: {  	s8 =	simm.s32 $0x0;
	s5 =	sadd.s32 $0x95C00, s5;
	[sflag:s4] =	ssyncpa.u1 $0x0  }
0xb: {  	s6 =	simm.s32 $0x0;
	s7 =	smov.u32 s3;
	[sflag:s31] =	ssyncpa.u1 $0x0  }
.LBB2_7:
0xc: {  	s10 =	sadd.s32 $0xC400, s7  }
0xd: {  	p1 =	slt.u32 s6, $0x2;
	s6 =	sadd.s32 $0x1, s6;
	p2 =	sgt.s32 s10, $0x1869F  }
0xe: {  	s10 =	smov.u32 @p2 s3;
	p2 =	sne.s32 s6, $0x4  }
.Ltmp1:
0xf: {  	_ = 	snop;
	(pc) =	sbr.rel @!p2 .LBB2_8-.Ltmp1, $4  }
0x10: {  	s9 =	simm.s32 @!p1 $0x2  }
0x11: {  	_ =	swait.ge @!p1 [sflag:s9], $0xC40  }
0x12: {  	[sflag:s9] =	ssyncset.done @!p1 $0x0  }
0x13: {  	s8 =	smov.u32 s7;
	s7 =	smov.u32 s10;
	[sflag:s9] =	ssyncadd.s32 @!p1 $0xFFFFF3C0  }
.LBB2_1:
0x14: {  	p1 =	sgt.u32 s6, $0x1  }
0x15: {  	s9 =	sxor.u32 @!p1 $0x1, s6  }
0x16: {  	s9 =	smul.u32 @!p1 $0x3100, s9  }
0x17: {  	s10 =	sshrl.u32 @!p1 s7, $0x3  }
0x18: {  	s11 =	sand.u32 @!p1 $0x7, s7;
	s10 =	sadd.s32 @!p1 s2, s10;
	s9 =	sshra.s32 @!p1 s9, $0x2  }
0x19: {  	[tilespmem:s9], [sflag:$0x1] =	stream.linear.gather @!p1 [hbm4b:s10+s11], $0xC40, $0x38;
	[tilespmem:$0x3100] =	vst v63  }
0x1a: {  	p1 =	seq.s32 s6, $0x0  }
0x1b: {  	p2 =	seq.s32 @!p1 s6, $0x3  }
0x1c: {  	p1 =	por p1, p2  }
.Ltmp2:
0x1d: {  	_ = 	snop;
	(pc) =	sbr.rel @p1 .LBB2_7-.Ltmp2, $1  }
0x1e: {  	_ =	sdelay $0x3  }
0x1f: {  	s9 =	sand.u32 $0x1, s6  }
0x20: {  	_ =	swait.ge [sflag:s4], $0xC40;
	s11 =	simm.s32 $0xC40;
	p1 =	seq.s32 s9, $0x1  }
0x21: {  	[sflag:s4] =	ssyncset.done $0x0;
	s11 =	simm.s32 @!p1 $0x0  }
0x22: {  	[sflag:s4] =	ssyncadd.s32 $0xFFFFF3C0;
	s13 =	sor.u32 $0x80, s11  }
0x23: {  	v0 =	vld [tilespmem:s13+$0x70]  }
0x24: {  	v1 =	vld [tilespmem:s13+$0xFFFFFF90]  }
0x25: {  	v2 =	vld [tilespmem:s13+$0xFFFFFFA0]  }
0x26: {  	v3 =	vld [tilespmem:s13+$0xFFFFFFB0]  }
0x27: {  	s9 =	sadd.s32 $0x1900, s11;
	v4 =	vld [tilespmem:s13+$0xFFFFFFC0]  }
0x28: {  	v5 =	vld [tilespmem:s13+$0xFFFFFFD0];
	[tilespmem:s9+$0x70] =	vst v0  }
0x29: {  	[tilespmem:s9+$0xFFFFFF90] =	vst v1;
	v0 =	vld [tilespmem:s13+$0xFFFFFFE0]  }
0x2a: {  	[tilespmem:s9+$0xFFFFFFA0] =	vst v2;
	v1 =	vld [tilespmem:s13+$0xFFFFFFF0]  }
0x2b: {  	[tilespmem:s9+$0xFFFFFFB0] =	vst v3;
	v2 =	vld [tilespmem:s13+$0x0]  }
0x2c: {  	[tilespmem:s9+$0xFFFFFFC0] =	vst v4;
	v3 =	vld [tilespmem:s13+$0x10]  }
0x2d: {  	[tilespmem:s9+$0xFFFFFFD0] =	vst v5;
	v5 =	vld [tilespmem:s13+$0x20]  }
0x2e: {  	[tilespmem:s9+$0xFFFFFFE0] =	vst v0;
	v0 =	vld [tilespmem:s13+$0x30]  }
0x2f: {  	[tilespmem:s9+$0xFFFFFFF0] =	vst v1;
	v1 =	vld [tilespmem:s13+$0x40]  }
0x30: {  	[tilespmem:s9+$0x0] =	vst v2;
	v2 =	vld [tilespmem:s13+$0x50]  }
0x31: {  	s12 =	simm.s32 $0x0;
	[tilespmem:s9+$0x10] =	vst v3;
	v3 =	vld [tilespmem:s13+$0x60]  }
0x32: {  	s10 =	sadd.s32 $0x1880, s11;
	s11 =	sshll.u32 s11, $0x2;
	v4 =	vld [tilespmem:s13+$0xFFFFFF80];
	[tilespmem:s9+$0x20] =	vst v5;
	s13 =	sadd.s32 $0x100, s13  }
.LBB2_3:
0x33: {  	v5 =	vld [tilespmem:s13+$0x70];
	s12 =	sadd.s32 $0x100, s12;
	[tilespmem:s9+$0x30] =	vst v0  }
0x34: {  	v0 =	vld [tilespmem:s13+$0xFFFFFF90];
	p1 =	slt.u32 s12, $0xB00;
	[tilespmem:s9+$0x40] =	vst v1  }
0x35: {  	v1 =	vld [tilespmem:s13+$0xFFFFFFA0];
	[tilespmem:s9+$0x50] =	vst v2  }
0x36: {  	v2 =	vld [tilespmem:s13+$0xFFFFFFB0];
	[tilespmem:s9+$0x60] =	vst v3  }
0x37: {  	v3 =	vld [tilespmem:s13+$0xFFFFFFC0];
	[tilespmem:s9+$0xFFFFFF80] =	vst v4;
	s9 =	sadd.s32 $0x100, s9  }
0x38: {  	v4 =	vld [tilespmem:s13+$0xFFFFFFD0];
	[tilespmem:s9+$0x70] =	vst v5  }
0x39: {  	[tilespmem:s9+$0xFFFFFF90] =	vst v0;
	v0 =	vld [tilespmem:s13+$0xFFFFFFE0]  }
0x3a: {  	[tilespmem:s9+$0xFFFFFFA0] =	vst v1;
	v1 =	vld [tilespmem:s13+$0xFFFFFFF0]  }
0x3b: {  	[tilespmem:s9+$0xFFFFFFB0] =	vst v2;
	v2 =	vld [tilespmem:s13+$0x0]  }
0x3c: {  	[tilespmem:s9+$0xFFFFFFC0] =	vst v3;
	v3 =	vld [tilespmem:s13+$0x10]  }
0x3d: {  	[tilespmem:s9+$0xFFFFFFD0] =	vst v4;
	v5 =	vld [tilespmem:s13+$0x20]  }
.Ltmp3:
0x3e: {  	[tilespmem:s9+$0xFFFFFFE0] =	vst v0;
	v0 =	vld [tilespmem:s13+$0x30];
	(pc) =	sbr.rel @p1 .LBB2_3-.Ltmp3, $4  }
0x3f: {  	[tilespmem:s9+$0xFFFFFFF0] =	vst v1;
	v1 =	vld [tilespmem:s13+$0x40]  }
0x40: {  	[tilespmem:s9+$0x0] =	vst v2;
	v2 =	vld [tilespmem:s13+$0x50]  }
0x41: {  	[tilespmem:s9+$0x10] =	vst v3;
	v3 =	vld [tilespmem:s13+$0x60]  }
0x42: {  	v4 =	vld [tilespmem:s13+$0xFFFFFF80];
	[tilespmem:s9+$0x20] =	vst v5;
	s13 =	sadd.s32 $0x100, s13  }
0x43: {  	[tilespmem:s9+$0x30] =	vst v0  }
0x44: {  	[tilespmem:s9+$0x40] =	vst v1  }
0x45: {  	[tilespmem:s9+$0x50] =	vst v2  }
0x46: {  	s11 =	sshrl.u32 s11, $0x2;
	[tilespmem:s9+$0x60] =	vst v3  }
0x47: {  	s12 =	simm.s32 $0xBF0;
	[tilespmem:s9+$0xFFFFFF80] =	vst v4;
	s9 =	sadd.s32 $0x2480, s11;
	s11 =	sadd.s32 $0xC00, s11  }
.LBB2_5:
0x48: {  	s12 =	sadd.s32 $0x10, s12  }
0x49: {  	v0 =	vld [tilespmem:s11+$0x0];
	p1 =	slt.u32 s12, $0xC30  }
.Ltmp4:
0x4a: {  	_ = 	snop;
	(pc) =	sbr.rel @p1 .LBB2_5-.Ltmp4, $2  }
0x4b: {  	_ =	sdelay $0x2  }
0x4c: {  	s11 =	sadd.s32 $0x10, s11;
	[tilespmem:s9+$0x0] =	vst v0;
	s9 =	sadd.s32 $0x10, s9  }
.Ltmp5:
0x4d: {  	(pc) =	sbr.rel .LBB2_7-.Ltmp5, $4  }
0x4e: {  	_ = 	snop  }
0x4f: {  	s9 =	sshrl.u32 s8, $0x3  }
0x50: {  	s31 =	sand.u32 $0x7, s8;
	s9 =	sadd.s32 s5, s9  }
0x51: {  	[hbm4b:s9+s31] =	stream.linear.scatter [tilespmem:s10], [sflag:$0x2], $0xC40, $0x38;
	[tilespmem:$0x3100] =	vst v63  }
.LBB2_8:
0x52: {  	_ =	sfence.sel $0x180000  }
0x53: {  	s2 =	simm.s32 $0x1;
	[bflag:$0x0] =	sbarrier.arrive $0xFFFF  }
0x54: {  	s31 =	simm.s32 $0x2;
	[sflag:s2] =	ssyncpa.u1 $0x1  }
0x55: {  	[sflag:s31] =	ssyncpa.u1 $0x1  }
0x56: {  	_ =	strace $0x9000004D  }
0x57: {  	s0 =	sadd.s32 @!p0 $0x100000, s0;
	[bflag:$0x2] =	sbarrier.arrive $0xFFFF  }
0x58: {  	[sflag:s0] =	ssyncadd.tile.s32 @!p0 $0x1;
	s0 =	simm.s32 @!p0 $0x3F  }
0x59: {  	_ =	swait.ge @!p0 [sflag:s0], s1  }
0x5a: {  	s1 =	ssub.s32 @!p0 $0x0, s1;
	[sflag:s0] =	ssyncset.done @!p0 $0x0  }
0x5b: {  	[sflag:s0] =	ssyncadd.s32 @!p0 s1  }
0x5c: {  	[bflag:$0x3] =	sbarrier.arrive $0xFFFF  }
0x5d: {  	_ =	shalt  }
.Lfunc_end2:
execute1_lowered:
.L_overlay_start_2:
0x5e: {  	(tag) =	ssettag $0x2  }
0x5f: {  	s0 =	rddreg [dreg:$0x0];
	s14 =	stileid.u32  }
0x60: {  	_ =	strace $0x80000050;
	s2 =	simm.s32 $0x1;
	s1 =	smul.u32 $0xC, s14  }
0x61: {  	v1 =	vimm.s32 $0xFFFFFFFF;
	s3 =	smin.u32 s14, $0x8;
	[sflag:s2] =	ssyncpa.u1 $0x0  }
0x62: {  	[tilespmem:$0x10] =	vst v1;
	s1 =	sadd.s32 s3, s1  }
0x63: {  	v0 =	vimm.f32 $0.0e+00;
	p0 =	slt.u32 s14, $0x8;
	[tilespmem:$0x20] =	vst v1;
	s3 =	smul.u32 $0x1F40, s1;
	s1 =	simm.s32 $0x19640  }
0x64: {  	[tilespmem:$0x30] =	vst v0;
	s1 =	simm.s32 @!p0 $0x17700  }
0x65: {  	[tilespmem:$0x40] =	vst v0;
	s1 =	sadd.s32 s1, s3  }
0x66: {  	[tilespmem:$0x50] =	vst v0;
	s4 =	smin.u32 s1, $0x186A00  }
0x67: {  	[tilespmem:$0x60] =	vst v1;
	s9 =	ssub.s32 s4, s3  }
0x68: {  	s7 =	simm.s32 $0x2;
	s8 =	simm.s32 $0x8;
	[tilespmem:$0x70] =	vst v1;
	p0 =	sgt.s32 s9, $0x0  }
0x69: {  	s31 =	simm.s32 $0x9;
	s16 =	simm.s32 $0x0;
	[tilespmem:$0x80] =	vst v1;
	s9 =	simm.s32 @!p0 $0x0  }
0x6a: {  	s17 =	simm.s32 $0xF0;
	s18 =	simm.s32 $0xFFFFFFFF;
	v1 =	vimm.s32 $0x0;
	[tilespmem:$0xB0] =	vst v0;
	s5 =	smulhi.u32 $0x10624DD3, s9  }
0x6b: {  	s19 =	simm.s32 $0xFFFFC280;
	s20 =	simm.s32 $0xFFFFFFFE;
	s21 =	simm.s32 $0xF;
	[tilespmem:$0x90] =	vst v1  }
0x6c: {  	[tilespmem:$0xA0] =	vst v1;
	[sflag:s7] =	ssyncpa.u1 $0x0;
	s7 =	simm.s32 $0x7;
	s10 =	sshrl.u32 s5, $0x9  }
0x6d: {  	s25 =	simm.s32 $0x0;
	[sflag:s7] =	ssyncpa.u1 $0x0;
	s11 =	smul.u32 $0x1F40, s10  }
0x6e: {  	s24 =	simm.s32 $0x0;
	s6 =	sadd.s32 $0x128600, s0;
	[sflag:s8] =	ssyncpa.u1 $0x0  }
.Ltmp6:
0x6f: {  	[sflag:s31] =	ssyncpa.u1 $0x0;
	p0 =	sne.s32 s9, s11;
	(pc) =	sbr.rel .LBB3_1-.Ltmp6, $4  }
0x70: {  	s23 =	smov.u32 s3;
	s1 =	sadd.s32 $0x95C00, s0;
	s2 =	simm.s32 @!p0 $0x0  }
0x71: {  	s5 =	sadd.s32 $0xF7800, s0;
	p0 =	por $0x0, $0x0;
	s9 =	sadd.s32 s2, s10  }
0x72: {  	vm0 =	vmmov $0xffff;
	v2 =	vlaneseq.u32;
	s10 =	sshll.u32 s14, $0x1;
	s14 =	sshllo.u32 s14, $0x1;
	s11 =	sadd.s32 $0x1, s9  }
0x73: {  	vm1 =	vmxor vm1, vm1;
	vm2 =	vmmov $0x1;
	vm3 =	vcmask $0x3F3C;
	s12 =	sadd.s32 $0x2, s9;
	s13 =	sor.u32 $0x81, s10;
	s15 =	sor.u32 $0x80, s10  }
.LBB3_9:
0x74: {  	p1 =	slt.u32 s24, $0x3  }
0x75: {  	s0 =	simm.s32 @!p1 $0x2  }
0x76: {  	_ =	swait.ge @!p1 [sflag:s0], $0x1F40  }
0x77: {  	[sflag:s0] =	ssyncset.done @!p1 $0x0  }
0x78: {  	[sflag:s0] =	ssyncadd.s32 @!p1 $0xFFFFE0C0;
	s0 =	simm.s32 @!p1 $0x9  }
0x79: {  	_ =	swait.ge @!p1 [sflag:s0], $0x10  }
0x7a: {  	[sflag:s0] =	ssyncset.done @!p1 $0x0  }
0x7b: {  	[sflag:s0] =	ssyncadd.s32 @!p1 $0xFFFFFFF0;
	p1 =	sne.s32 s24, s12  }
.Ltmp7:
0x7c: {  	s2 =	sadd.s32 $0x1F40, s23;
	(pc) =	sbr.rel @!p1 .LBB3_10-.Ltmp7, $4  }
0x7d: {  	s22 =	smov.u32 s3;
	s31 =	sadd.s32 $0x1, s24;
	s17 =	sadd.s32 $0x1F40, s17  }
0x7e: {  	s18 =	sadd.s32 $0x1, s18;
	s25 =	smov.u32 s23;
	p2 =	slt.s32 s2, s4  }
0x7f: {  	p0 =	por !p0, !p0;
	s19 =	sadd.s32 $0x1F40, s19;
	s22 =	smov.u32 @p2 s2  }
0x80: {  	s20 =	sadd.s32 $0x1, s20;
	s23 =	smov.u32 s22;
	s24 =	smov.u32 s31  }
.LBB3_1:
0x81: {  	p1 =	sge.u32 s24, s9  }
0x82: {  	s0 =	smulhi.u32 @!p1 $0xAAAAAAAB, s24;
	_ =	sdelay $0x1  }
0x83: {  	s0 =	sshrl.u32 @!p1 s0, $0x1  }
0x84: {  	s0 =	smul.u32 @!p1 $0x3, s0;
	_ =	sdelay $0x1  }
0x85: {  	s0 =	ssub.s32 @!p1 s24, s0  }
0x86: {  	s0 =	smul.u32 @!p1 $0x7D00, s0;
	_ =	sdelay $0x1  }
0x87: {  	s2 =	sshrl.u32 @!p1 s23, $0x3;
	s0 =	sshrl.u32 @!p1 s0, $0x2  }
0x88: {  	s22 =	sand.u32 @!p1 $0x7, s23;
	s2 =	sadd.s32 @!p1 s5, s2;
	s0 =	sadd.s32 @!p1 $0x100, s0  }
0x89: {  	[tilespmem:s0], [sflag:$0x7] =	stream.linear.gather @!p1 [hbm4b:s2+s22], $0x1F40, $0x38;
	[tilespmem:$0x11A60] =	vst v63  }
0x8a: {  	s0 =	sadd.s32 $0xFFFFFFFF, s24  }
0x8b: {  	p1 =	sge.u32 s0, s9  }
.Ltmp8:
0x8c: {  	_ = 	snop;
	(pc) =	sbr.rel @p1 .LBB3_5-.Ltmp8, $1  }
0x8d: {  	_ =	sdelay $0x3  }
0x8e: {  	s2 =	smulhi.u32 $0xAAAAAAAB, s0;
	_ =	sdelay $0x1  }
0x8f: {  	s2 =	sshrl.u32 s2, $0x1  }
0x90: {  	s2 =	smul.u32 $0x3, s2;
	_ =	sdelay $0x1  }
0x91: {  	s2 =	ssub.s32 s0, s2  }
0x92: {  	s2 =	smul.u32 $0x7D00, s2  }
0x93: {  	_ =	swait.ge [sflag:s7], $0x1F40  }
0x94: {  	[sflag:s7] =	ssyncset.done $0x0;
	s2 =	sshrl.u32 s2, $0x2  }
0x95: {  	[sflag:s7] =	ssyncadd.s32 $0xFFFFE0C0;
	(ifvalue) =	ssetifvalue $0xFFFFFFFF;
	v3 =	vld.msk [tilespmem:s2+$0x100 ss:$0x1], $0xffff;
	_ =	sdelay $0x2  }
0x96: {  	s30 =	smulhi.u32 $0xAAAAAAAB, s18;
	p1 =	sne.s32 s24, $0x1  }
0x97: {  	v4 =	vimm.s32 @!p1 $0x0  }
0x98: {  	s2 =	sshrl.u32 s30, $0x1;
	v4 =	vperm.xlane @!p1 v3, v4  }
0x99: {  	s22 =	sshll.u32 s24, $0x4;
	s2 =	smul.u32 $0xFFFE8900, s2;
	vm4 =	vlt.u32 v3, $0x18800  }
0x9a: {  	s22 =	sand.u32 $0x10, s22;
	v3 =	vnsel vm4, $0xFFFFFFFE, v3;
	vm4 =	vlt.u32 @!p1 v4, $0x18800  }
0x9b: {  	s2 =	sshra.s32 s2, $0x2;
	[tilespmem:s22+$0x60] =	vst v3;
	v3 =	vnsel @!p1 vm4, $0xFFFFFFFE, v4  }
0x9c: {  	s28 =	sadd.s32 s2, s17;
	[tilespmem:$0x80] =	vst @!p1 v3  }
0x9d: {  	v3 =	vld.msk [tilespmem:s28+$0x0 ss:$0x1], $0xffff;
	_ =	sdelay $0x4  }
0x9e: {  	(xrf1) =	vunique.msk.u32 $0xffff, v3;
	_ =	sdelay $0xd  }
0x9f: {  	v4 =	vimm.s32 $0xFFFFFFFF;
	v5, _, _ =	vpop (xrf1)  }
0xa0: {  	vm5 =	vne.s32 v3, v4;
	vm4 =	veq.s32 v5, v2  }
0xa1: {  	vm6 =	vlt.u32 v3, $0x18800;
	vm4 =	vmand vm5, vm4  }
0xa2: {  	vm4 =	vmand vm6, vm4  }
0xa3: {  	v4 =	vnsel vm4, $0xFFFFFFFF, v3  }
0xa4: {  	s31 =	sand.u32 $0x1, s0  }
0xa5: {  	s0 =	simm.s32 $0x1F40;
	p1 =	seq.s32 s31, $0x1  }
0xa6: {  	s0 =	simm.s32 @!p1 $0x0  }
0xa7: {  	s26 =	sadd.s32 $0x7DF0, s0;
	(ifvalue) =	ssetifvalue $0xFFFFFFFF  }
0xa8: {  	v3 =	vperm.xlane v3, v1;
	[tilespmem:s26], [sflag:$0x8] =	stream.indirect_vreg.gather [hbm4b:s1+s16], $0x1, v4, vm0, $0x4038;
	v4 =	vnsel vm6, $0xFFFFFFFE, v4;
	[tilespmem:$0x11A60] =	vst v63  }
0xa9: {  	s2 =	simm.s32 $0x0;
	s22 =	sadd.s32 $0xFFFFFFF0, s28;
	[tilespmem:s28+$0x0] =	vst v4  }
.LBB3_3:
0xaa: {  	v4 =	vld.msk [tilespmem:s22+$0x0 ss:$0x1], $0xffff;
	s2 =	sadd.s32 $0x10, s2;
	v5 =	vmov v3;
	s28 =	smov.u32 s22  }
0xab: {  	p1 =	slt.u32 s2, $0x1F30;
	_ =	sdelay $0x4  }
0xac: {  	v3 =	vperm.xlane v4, v1;
	(xrf1) =	vunique.msk.u32 $0xffff, v4;
	_ =	sdelay $0xd  }
0xad: {  	v6, _, _ =	vpop (xrf1)  }
0xae: {  	vm5 =	vne.s32 v4, v5;
	vm4 =	veq.s32 v6, v2  }
0xaf: {  	vm6 =	vlt.u32 v4, $0x18800;
	vm4 =	vmand vm5, vm4  }
0xb0: {  	vm4 =	vmand vm6, vm4  }
0xb1: {  	v4 =	vnsel vm4, $0xFFFFFFFF, v4  }
.Ltmp9:
0xb2: {  	v5 =	vnsel vm6, $0xFFFFFFFE, v4;
	(pc) =	sbr.rel @p1 .LBB3_3-.Ltmp9, $3  }
0xb3: {  	_ =	sdelay $0x1  }
0xb4: {  	s22 =	sadd.s32 $0xFFFFFFF0, s22;
	s26 =	sadd.s32 $0xFFFFFFF0, s26;
	(ifvalue) =	ssetifvalue $0xFFFFFFFF  }
0xb5: {  	[tilespmem:s26], [sflag:$0x8] =	stream.indirect_vreg.gather [hbm4b:s1+s16], $0x1, v4, vm0, $0x4038;
	[tilespmem:s28+$0x0] =	vst v5  }
0xb6: {  	s2 =	sshrl.u32 s25, $0x3  }
0xb7: {  	s0 =	sadd.s32 $0x9D40, s0;
	s2 =	sadd.s32 s6, s2  }
0xb8: {  	[tilespmem:s0], [sflag:$0x8] =	stream.linear.gather [hbm:s2], $0x1F40, $0x38;
	[tilespmem:$0x11A60] =	vst v63  }
.LBB3_5:
0xb9: {  	p1 =	slt.u32 s24, $0x2  }
0xba: {  	p2 =	sge.u32 @!p1 s24, s12  }
0xbb: {  	p1 =	por p1, p2  }
.Ltmp10:
0xbc: {  	_ = 	snop;
	(pc) =	sbr.rel @p1 .LBB3_9-.Ltmp10, $1  }
0xbd: {  	_ =	sdelay $0x3  }
0xbe: {  	s0 =	sadd.s32 $0xFFFFFFFE, s24  }
0xbf: {  	s2 =	smulhi.u32 $0xAAAAAAAB, s0;
	_ =	sdelay $0x1  }
0xc0: {  	s2 =	sshrl.u32 s2, $0x1  }
0xc1: {  	s2 =	smul.u32 $0x3, s2;
	_ =	sdelay $0x1  }
0xc2: {  	s0 =	ssub.s32 s0, s2  }
0xc3: {  	_ =	swait.ge [sflag:s8], $0x3E80;
	s0 =	smul.u32 $0x1F40, s0  }
0xc4: {  	p1 =	sne.s32 s24, s11;
	[sflag:s8] =	ssyncset.done $0x0  }
0xc5: {  	[sflag:s8] =	ssyncadd.s32 $0xFFFFC180;
	s2 =	sadd.s32 @!p1 $0x203F, s0  }
0xc6: {  	[spmem:s13] =	stream.linear.scatter @!p1 [tilespmem:s2], [sflag:$0x1], $0x1, $0x38;
	[tilespmem:$0x11A60] =	vst v63  }
0xc7: {  	s2 =	simm.s32 @!p1 $0x1  }
0xc8: {  	_ =	swait.ge @!p1 [sflag:s2], $0x1  }
0xc9: {  	s22 =	sshll.u32 s24, $0x4;
	[sflag:s2] =	ssyncset.done @!p1 $0x0  }
0xca: {  	s25 =	sand.u32 $0x10, s22;
	[sflag:s2] =	ssyncadd.s32 @!p1 $0xFFFFFFFF  }
0xcb: {  	s2 =	sxor.u32 $0x10, s25;
	v4 =	vld [tilespmem:s25+$0x10]  }
0xcc: {  	v5 =	vld [tilespmem:s2+$0x60]  }
0xcd: {  	v3 =	vld [tilespmem:$0x80];
	_ =	sdelay $0x2  }
0xce: {  	(v2sf) =	vpush v4, $0x0  }
0xcf: {  	(v2sf) =	vpush v5, $0x0  }
0xd0: {  	(v2sf) =	vpush v3, $0x0;
	_ =	sdelay $0xc  }
0xd1: {  	s22 =	spop (v2sf)  }
0xd2: {  	s26 =	spop (v2sf)  }
0xd3: {  	s28 =	spop (v2sf)  }
0xd4: {  	p2 =	seq.s32 s22, s26;
	p3 =	seq.s32 s28, s22  }
0xd5: {  	p3 =	por p2, p3  }
0xd6: {  	s26 =	sand.u32 $0x1, s24;
	v4 =	vpsel p3, $0xFFFFFFFF, v4  }
0xd7: {  	s29 =	smul.u32 $0x1F40, s26;
	[tilespmem:s25+$0x10] =	vst.msk $0x1, v4  }
0xd8: {  	v4 =	vld [tilespmem:$0x30]  }
0xd9: {  	v5 =	vld [tilespmem:s29+$0x9D40]  }
0xda: {  	v6 =	vld [tilespmem:s25+$0x40];
	_ =	sdelay $0x3  }
0xdb: {  	vm4 =	vmmov vm1;
	v5 =	vadd.f32 v5, v4  }
0xdc: {  	vm5 =	vmmov vm2;
	vm4 =	vmmov @p2 vm2;
	s22 =	sshll.u32 s26, $0x4;
	v4 =	vadd.f32 v6, v4  }
0xdd: {  	s26 =	sor.u32 $0x11A40, s22;
	vm5 =	vmmov @p3 vm1;
	[tilespmem:s29+$0x9D40] =	vst.msk vm4, v5  }
0xde: {  	[tilespmem:s26+$0x0] =	vst.msk vm5, v4  }
0xdf: {  	v4 =	vld [tilespmem:s29+$0x7DF0];
	_ =	sdelay $0x3  }
0xe0: {  	v5 =	vimm.f32 $0.0e+00  }
0xe1: {  	v4 =	vshift.insert v4, v5, s21  }
0xe2: {  	s22 =	sor.u32 $0x40, s2  }
0xe3: {  	[tilespmem:s22+$0x0] =	vst.msk $0x1, v4  }
0xe4: {  	[tilespmem:s29+$0x7DFF] =	vst.msk $0x1, v5  }
0xe5: {  	v4 =	vld [tilespmem:s0+$0x2030];
	_ =	sdelay $0x1  }
0xe6: {  	s22 =	smulhi.u32 $0xAAAAAAAB, s20;
	s0 =	simm.s32 $0x1  }
0xe7: {  	s0 =	simm.s32 @!p0 $0x0  }
0xe8: {  	s22 =	sshrl.u32 s22, $0x1;
	s0 =	smul.u32 $0x7D00, s0  }
0xe9: {  	s22 =	smul.u32 $0xFFFE8900, s22;
	v4 =	vshift.insert v4, v1, s21  }
0xea: {  	s0 =	sshrl.u32 s0, $0x2  }
0xeb: {  	s22 =	sshra.s32 s22, $0x2;
	s30 =	sadd.s32 $0x9D40, s0;
	[tilespmem:s2+$0x10] =	vst.msk $0x1, v4  }
0xec: {  	s22 =	sadd.s32 s22, s19;
	v6 =	vld [tilespmem:s30+$0x0]  }
0xed: {  	v7 =	vld [tilespmem:s22+$0x0];
	_ =	sdelay $0x3  }
0xee: {  	v5 =	vadd.f32 v6, v5  }
0xef: {  	vm4 =	vne.s32 v7, $0xFFFFFFFF  }
0xf0: {  	(xrf2) =	vadd.seg.scan.f32 vm4, v5;
	_ =	sdelay $0x3  }
0xf1: {  	s31 =	sadd.s32 $0x5EC0, s0;
	v5 =	vperm.xlane v4, v1  }
0xf2: {  	v6 =	vld [tilespmem:s31+$0x0]  }
0xf3: {  	vm5 =	veq.s32 v7, v3;
	vm6 =	veq.s32 v7, v5  }
0xf4: {  	vm7 =	vgt.u32 v7, $0xFFFFFFFD;
	vm6 =	vmor vm6, vm5  }
0xf5: {  	vm6 =	vmor vm6, vm7  }
0xf6: {  	v9 =	vld [tilespmem:$0xA0];
	v7 =	vsel vm6, $0xFFFFFFFF, v7  }
0xf7: {  	v10 =	vld [tilespmem:$0x90];
	v6 =	vsel vm5, $0x0, v6;
	v8, _, _ =	vpop (xrf2)  }
0xf8: {  	v6 =	vadd.f32 v8, v6  }
0xf9: {  	s0 =	sadd.s32 $0xDBC0, s0  }
0xfa: {  	vm4 =	vmand vm4, vm3;
	[tilespmem:s0+$0x0] =	vst v6;
	(ifvalue) =	ssetifvalue $0xFFFFFFFF  }
0xfb: {  	vm6 =	veq.s32 v9, $0x1;
	[hbm4b:s1+s16] =	stream.indirect_vreg.scatter [tilespmem:s0], [sflag:$0x2], $0x1, v7, vm0, $0x4038;
	v7 =	vsel vm4, $0x0, v8;
	[tilespmem:$0x11A60] =	vst v63  }
0xfc: {  	s2 =	simm.s32 $0x0;
	s22 =	sadd.s32 $0x10, s22;
	vm4 =	vmor vm6, vm5;
	v6 =	vsel vm5, v8, v10;
	v7 =	vshift.insert v7, v0, s21  }
.LBB3_7:
0xfd: {  	v8 =	vld [tilespmem:s22+$0x0];
	s30 =	sadd.s32 $0x10, s30  }
0xfe: {  	s31 =	sadd.s32 $0x10, s31;
	v9 =	vld [tilespmem:s30+$0x0]  }
0xff: {  	s2 =	sadd.s32 $0x10, s2;
	v10 =	vld [tilespmem:s31+$0x0]  }
0x100: {  	p2 =	slt.u32 s2, $0x1F30;
	_ =	sdelay $0x2  }
0x101: {  	v7 =	vadd.f32 v9, v7  }
0x102: {  	vm5 =	vne.s32 v8, $0xFFFFFFFF  }
0x103: {  	vm6 =	vmand vm5, vm3;
	(xrf2) =	vadd.seg.scan.f32 vm5, v7;
	_ =	sdelay $0x5  }
0x104: {  	vm7 =	veq.s32 v8, v5;
	vm5 =	veq.s32 v8, v3  }
0x105: {  	vm8 =	vgt.u32 v8, $0xFFFFFFFD;
	vm4 =	vmor vm4, vm5;
	vm7 =	vmor vm7, vm5  }
0x106: {  	vm7 =	vmor vm7, vm8  }
0x107: {  	v8 =	vsel vm7, $0xFFFFFFFF, v8  }
.Ltmp11:
0x108: {  	v7 =	vsel vm5, $0x0, v10;
	v9, _, _ =	vpop (xrf2);
	(pc) =	sbr.rel @p2 .LBB3_7-.Ltmp11, $4  }
0x109: {  	v6 =	vsel vm5, v9, v6;
	v10 =	vadd.f32 v9, v7;
	v7 =	vsel vm6, $0x0, v9  }
0x10a: {  	s0 =	sadd.s32 $0x10, s0;
	v7 =	vshift.insert v7, v0, s21  }
0x10b: {  	s22 =	sadd.s32 $0x10, s22;
	[tilespmem:s0+$0x0] =	vst v10;
	(ifvalue) =	ssetifvalue $0xFFFFFFFF  }
0x10c: {  	[hbm4b:s1+s16] =	stream.indirect_vreg.scatter [tilespmem:s0], [sflag:$0x2], $0x1, v8, vm0, $0x4038;
	[tilespmem:$0x11A60] =	vst v63  }
0x10d: {  	v3 =	vld [tilespmem:s29+$0xFAF0];
	_ =	sdelay $0x4  }
0x10e: {  	v3 =	vshift.insert v3, v0, s21  }
0x10f: {  	s0 =	simm.s32 $0x30  }
0x110: {  	[tilespmem:s0+$0x0] =	vst.msk $0x1, v3  }
0x111: {  	v3 =	vsel vm4, $0x1, v1;
	[tilespmem:$0x90] =	vst v6  }
0x112: {  	s0 =	sadd.s32 @!p1 $0xFAFF, s29;
	[tilespmem:$0xA0] =	vst v3  }
0x113: {  	[spmem:s14] =	stream.linear.scatter @!p1 [tilespmem:s0], [sflag:$0x1], $0x1, $0x38;
	[tilespmem:$0x11A60] =	vst v63  }
0x114: {  	s0 =	simm.s32 @!p1 $0x1  }
0x115: {  	v3 =	vmctz.xlane @!p1 vm4;
	_ =	swait.ge @!p1 [sflag:s0], $0x1  }
0x116: {  	(v2sf) =	vpush @!p1 v4, $0x0  }
0x117: {  	(v2sf) =	vpush @!p1 v3, $0x0;
	_ =	sdelay $0xd  }
0x118: {  	s2 =	spop @!p1 (v2sf)  }
0x119: {  	s22 =	spop @!p1 (v2sf)  }
0x11a: {  	p2 =	sne.s32 @!p1 s28, s2;
	p3 =	slt.s32 @!p1 s22, $0xF  }
0x11b: {  	[sflag:s0] =	ssyncset.done @!p1 $0x0;
	p2 =	por p2, p1;
	p3 =	por !p3, p1  }
0x11c: {  	[sflag:s0] =	ssyncadd.s32 @!p1 $0xFFFFFFFF;
	v3 =	vimm.s32 @!p2 $0xFFFFFFFF;
	s22 =	simm.s32 @p3 $0xF  }
0x11d: {  	[tilespmem:$0x80] =	vst @!p2 v3;
	s2 =	sadd.s32 @!p1 $0x90, s22  }
0x11e: {  	[spmem:s10] =	stream.linear.scatter @!p1 [tilespmem:s2], [sflag:$0x1], $0x1, $0x38;
	[tilespmem:$0x11A60] =	vst v63  }
0x11f: {  	_ =	swait.ge @!p1 [sflag:s0], $0x1  }
0x120: {  	[sflag:s0] =	ssyncset.done @!p1 $0x0  }
0x121: {  	s2 =	simm.s32 @!p1 $0x80;
	[sflag:s0] =	ssyncadd.s32 @!p1 $0xFFFFFFFF  }
0x122: {  	[spmem:s15] =	stream.linear.scatter @!p1 [tilespmem:s2], [sflag:$0x1], $0x1, $0x38;
	[tilespmem:$0x11A60] =	vst v63  }
0x123: {  	_ =	swait.ge @!p1 [sflag:s0], $0x1  }
0x124: {  	[sflag:s0] =	ssyncset.done @!p1 $0x0  }
0x125: {  	[sflag:s0] =	ssyncadd.s32 @!p1 $0xFFFFFFFF;
	(ifvalue) =	ssetifvalue $0xFFFFFFFF;
	v3 =	vld [tilespmem:s25+$0x10];
	_ =	sdelay $0x3  }
.Ltmp12:
0x126: {  	_ = 	snop;
	(pc) =	sbr.rel .LBB3_9-.Ltmp12, $3  }
0x127: {  	_ =	sdelay $0x1  }
0x128: {  	(ifvalue) =	ssetifvalue $0xFFFFFFFF  }
0x129: {  	[hbm4b:s1+s16] =	stream.indirect_vreg.scatter [tilespmem:s26], [sflag:$0x9], $0x1, v3, vm0, $0x4038;
	[tilespmem:$0x11A60] =	vst v63  }
.LBB3_10:
0x12a: {  	_ =	sfence.sel $0x180000  }
0x12b: {  	s0 =	simm.s32 $0x7;
	[bflag:$0x0] =	sbarrier.arrive $0xFFFF  }
0x12c: {  	s26 =	simm.s32 $0x8;
	[sflag:s0] =	ssyncpa.u1 $0x1  }
0x12d: {  	s28 =	simm.s32 $0x9;
	[sflag:s26] =	ssyncpa.u1 $0x1  }
0x12e: {  	[sflag:s28] =	ssyncpa.u1 $0x1  }
0x12f: {  	_ =	sfence.stream.spmem  }
0x130: {  	s29 =	simm.s32 $0x3;
	[bflag:$0x0] =	sbarrier.arrive $0xFFFF  }
0x131: {  	s30 =	simm.s32 $0x4;
	[sflag:s29] =	ssyncpa.u1 $0x1  }
0x132: {  	s31 =	simm.s32 $0x3C;
	s2 =	stileid.u32;
	[sflag:s30] =	ssyncpa.u1 $0x1  }
0x133: {  	p0 =	sne.s32 s2, $0x0;
	[sflag:s31] =	ssyncpa.u1 $0x1  }
0x134: {  	s0 =	simm.s32 @p0 $0x1;
	_ =	sfence @p0  }
0x135: {  	[sflag:s0] =	ssyncpa.u1 @p0 $0x1;
	s0 =	simm.s32 @p0 $0x2  }
0x136: {  	[sflag:s0] =	ssyncpa.u1 @p0 $0x1  }
0x137: {  	_ =	strace @p0 $0x90000050  }
0x138: {  	[bflag:$0x2] =	sbarrier.arrive @p0 $0xFFFF  }
0x139: {  	_ =	shalt @p0  }
.LBB3_11:
0x13a: {  	_ =	sfence.stream.spmem;
	s0 =	simm.s32 $0x5  }
0x13b: {  	s2 =	simm.s32 $0x80;
	s3 =	simm.s32 $0xC0;
	[sflag:s0] =	ssyncpa.u1 $0x0  }
0x13c: {  	[tilespmem:s3], [sflag:$0x5] =	stream.linear.gather [spmem:s2], $0x20, $0x38;
	[tilespmem:$0x11A60] =	vst v63  }
0x13d: {  	s2 =	simm.s32 $0x0;
	s3 =	simm.s32 $0xE0  }
0x13e: {  	[tilespmem:s3], [sflag:$0x5] =	stream.linear.gather [spmem:s2], $0x20, $0x38;
	[tilespmem:$0x11A60] =	vst v63  }
.Ltmp13:
0x13f: {  	_ = 	snop;
	(pc) =	sbr.rel .LBB3_12-.Ltmp13, $4  }
0x140: {  	_ =	swait.ge [sflag:s0], $0x40  }
0x141: {  	[sflag:s0] =	ssyncset.done $0x0  }
0x142: {  	s31 =	simm.s32 $0x6;
	[sflag:s0] =	ssyncadd.s32 $0xFFFFFFC0  }
0x143: {  	s4 =	simm.s32 $0x0;
	[sflag:s31] =	ssyncpa.u1 $0x0  }
.LBB3_17:
0x144: {  	p0 =	sgt.u32 s5, $0x187FF  }
0x145: {  	s0 =	sshrl.u32 @!p0 s5, $0x3  }
0x146: {  	s5 =	sand.u32 @!p0 $0x7, s5;
	s6 =	simm.s32 @!p0 $0xB0;
	s0 =	sadd.s32 @!p0 s1, s0  }
0x147: {  	[tilespmem:s6], [sflag:$0x6] =	stream.linear.gather @!p0 [hbm4b:s0+s5], $0x1, $0x38;
	[tilespmem:$0x11A60] =	vst v63  }
0x148: {  	s0 =	simm.s32 @!p0 $0x6  }
0x149: {  	_ =	swait.ge @!p0 [sflag:s0], $0x1  }
0x14a: {  	[sflag:s0] =	ssyncset.done @!p0 $0x0  }
0x14b: {  	[sflag:s0] =	ssyncadd.s32 @!p0 $0xFFFFFFFF  }
0x14c: {  	v2 =	vmov @!p0 s4;
	v1 =	vld.msk @!p0 [tilespmem:$0xB0], $0x1;
	_ =	sdelay $0x3  }
0x14d: {  	s0 =	simm.s32 @!p0 $0xE0  }
0x14e: {  	[tilespmem:v2+s0+$0x0], v1 =	vst.idx.ret.add.f32.msk @!p0 $0x1, v1  }
0x14f: {  	[tilespmem:s2+$0xC0] =	vst.msk $0x1, v0  }
0x150: {  	v0 =	vld.msk [tilespmem:s4+$0xE0], $0x1;
	_ =	sdelay $0x4  }
0x151: {  	[tilespmem:s2+$0xE0] =	vst.msk $0x1, v0;
	s2 =	sadd.s32 $0x1, s2  }
.LBB3_19:
0x152: {  	s4 =	sadd.s32 $0x1, s4  }
0x153: {  	p0 =	sne.s32 s4, $0x20  }
.Ltmp14:
0x154: {  	_ = 	snop;
	(pc) =	sbr.rel @!p0 .LBB3_20-.Ltmp14, $1  }
0x155: {  	_ =	sdelay $0x3  }
.LBB3_12:
0x156: {  	v0 =	vld.msk [tilespmem:s4+$0xC0], $0x1;
	_ =	sdelay $0x4  }
0x157: {  	(v2sf) =	vpush v0, $0x0;
	_ =	sdelay $0xe  }
0x158: {  	s5 =	spop (v2sf)  }
0x159: {  	p0 =	seq.s32 s5, $0xFFFFFFFF  }
.Ltmp15:
0x15a: {  	_ = 	snop;
	(pc) =	sbr.rel @p0 .LBB3_19-.Ltmp15, $1  }
0x15b: {  	_ =	sdelay $0x3  }
0x15c: {  	p0 =	slt.s32 s2, $0x1  }
.Ltmp16:
0x15d: {  	_ = 	snop;
	(pc) =	sbr.rel @p0 .LBB3_17-.Ltmp16, $1  }
0x15e: {  	_ =	sdelay $0x3  }
0x15f: {  	s0 =	simm.s32 $0xC0;
	p0 =	por $0x0, $0x0  }
0x160: {  	v1 =	vld.msk @!p0 [tilespmem:s0+$0x0], $0x1;
	_ =	sdelay $0x4  }
0x161: {  	(v2sf) =	vpush @!p0 v1, $0x0;
	_ =	sdelay $0xd  }
0x162: {  	p2 =	sne.s32 s2, $0x1  }
.Ltmp17:
0x163: {  	s6 =	spop @!p0 (v2sf);
	(pc) =	sbr.rel @!p2 .LBB3_16-.Ltmp17, $4  }
0x164: {  	p1 =	seq.s32 @!p0 s5, s6  }
0x165: {  	s6 =	simm.s32 $0x0;
	p1 =	por !p1, p0  }
0x166: {  	s8 =	simm.s32 $0xFFFFFFFF;
	s6 =	simm.s32 @p1 $0xFFFFFFFF  }
0x167: {  	s7 =	simm.s32 $0x1;
	s6 =	smov.u32 @p0 s8  }
.LBB3_15:
0x168: {  	s8 =	smov.u32 s6;
	p0 =	sne.s32 s6, $0xFFFFFFFF  }
0x169: {  	s0 =	sadd.s32 $0x1, s0;
	s6 =	smov.u32 s7;
	s7 =	sadd.s32 $0x1, s7  }
0x16a: {  	p1 =	sne.s32 s2, s7;
	v1 =	vld.msk @!p0 [tilespmem:s0+$0x0], $0x1;
	_ =	sdelay $0x4  }
0x16b: {  	(v2sf) =	vpush @!p0 v1, $0x0;
	_ =	sdelay $0xe  }
.Ltmp18:
0x16c: {  	s9 =	spop @!p0 (v2sf);
	(pc) =	sbr.rel @p1 .LBB3_15-.Ltmp18, $4  }
0x16d: {  	p2 =	seq.s32 @!p0 s5, s9  }
0x16e: {  	p2 =	por !p2, p0  }
0x16f: {  	s6 =	simm.s32 @p2 $0xFFFFFFFF  }
0x170: {  	s6 =	smov.u32 @p0 s8  }
.LBB3_16:
0x171: {  	p0 =	sne.s32 s6, $0xFFFFFFFF  }
.Ltmp19:
0x172: {  	_ = 	snop;
	(pc) =	sbr.rel @!p0 .LBB3_17-.Ltmp19, $1  }
0x173: {  	_ =	sdelay $0x3  }
0x174: {  	v0 =	vld.msk [tilespmem:s4+$0xE0], $0x1;
	v1 =	vmov s6  }
.Ltmp20:
0x175: {  	_ = 	snop;
	(pc) =	sbr.rel .LBB3_19-.Ltmp20, $2  }
0x176: {  	_ =	sdelay $0x2  }
0x177: {  	[tilespmem:v1+s3+$0x0], v0 =	vst.idx.ret.add.f32.msk $0x1, v0  }
.LBB3_20:
0x178: {  	p0 =	slt.s32 s2, $0x1  }
.Ltmp21:
0x179: {  	_ = 	snop;
	(pc) =	sbr.rel @p0 .LBB3_24-.Ltmp21, $3  }
0x17a: {  	_ =	sdelay $0x1  }
0x17b: {  	s0 =	simm.s32 $0x6  }
0x17c: {  	s3 =	simm.s32 $0x0;
	[sflag:s0] =	ssyncpa.u1 $0x1  }
0x17d: {  	s0 =	simm.s32 $0xC0  }
0x17e: {  	v0 =	vld.msk [tilespmem:s0+$0x0], $0x1;
	_ =	sdelay $0x4  }
0x17f: {  	(v2sf) =	vpush v0, $0x0;
	_ =	sdelay $0xe  }
0x180: {  	s2 =	sadd.s32 $0xFFFFFFFF, s2;
	s4 =	spop (v2sf)  }
0x181: {  	p1 =	sne.s32 s2, $0x0;
	p0 =	sgt.u32 s4, $0x187FF  }
.Ltmp22:
0x182: {  	s5 =	sshrl.u32 @!p0 s4, $0x3;
	(pc) =	sbr.rel @!p1 .LBB3_23-.Ltmp22, $4  }
0x183: {  	s0 =	simm.s32 $0xE0;
	s4 =	sand.u32 @!p0 $0x7, s4;
	s5 =	sadd.s32 @!p0 s1, s5  }
0x184: {  	[hbm4b:s5+s4] =	stream.linear.scatter @!p0 [tilespmem:s0], [sflag:$0x5], $0x1, $0x38;
	[tilespmem:$0x11A60] =	vst v63  }
0x185: {  	s5 =	simm.s32 $0x0  }
0x186: {  	s4 =	simm.s32 $0xC1;
	s5 =	simm.s32 @!p0 $0x4  }
.LBB3_22:
0x187: {  	v0 =	vld.msk [tilespmem:s4+$0x0], $0x1;
	s2 =	sadd.s32 $0xFFFFFFFF, s2;
	s3 =	sadd.s32 s3, s5  }
0x188: {  	p0 =	sne.s32 s2, $0x0;
	_ =	sdelay $0x3  }
0x189: {  	(v2sf) =	vpush v0, $0x0;
	_ =	sdelay $0xe  }
.Ltmp23:
0x18a: {  	s6 =	spop (v2sf);
	(pc) =	sbr.rel @p0 .LBB3_22-.Ltmp23, $4  }
0x18b: {  	s5 =	simm.s32 $0x0;
	p1 =	sgt.u32 s6, $0x187FF  }
0x18c: {  	s0 =	sadd.s32 $0x1, s0;
	s5 =	simm.s32 @!p1 $0x4;
	s7 =	sshrl.u32 @!p1 s6, $0x3  }
0x18d: {  	s4 =	sadd.s32 $0x1, s4;
	s6 =	sand.u32 @!p1 $0x7, s6;
	s7 =	sadd.s32 @!p1 s1, s7  }
0x18e: {  	[hbm4b:s7+s6] =	stream.linear.scatter @!p1 [tilespmem:s0], [sflag:$0x5], $0x1, $0x38;
	[tilespmem:$0x11A60] =	vst v63  }
.LBB3_23:
0x18f: {  	s0 =	sadd.s32 s3, s5  }
0x190: {  	s3 =	sshrl.u32 s0, $0x2  }
.LBB3_24:
0x191: {  	s0 =	simm.s32 $0x5  }
0x192: {  	_ =	swait.ge [sflag:s0], s3  }
0x193: {  	s1 =	ssub.s32 $0x0, s3;
	[sflag:s0] =	ssyncset.done $0x0  }
0x194: {  	[sflag:s0] =	ssyncadd.s32 s1  }
0x195: {  	[sflag:s0] =	ssyncpa.u1 $0x1  }
0x196: {  	s29 =	simm.s32 $0x1;
	_ =	sfence  }
0x197: {  	s30 =	simm.s32 $0x2;
	[sflag:s29] =	ssyncpa.u1 $0x1  }
0x198: {  	[sflag:s30] =	ssyncpa.u1 $0x1  }
0x199: {  	_ =	strace $0x90000050  }
0x19a: {  	[bflag:$0x2] =	sbarrier.arrive $0xFFFF  }
0x19b: {  	s31 =	rddreg [dreg:$0x1]  }
0x19c: {  	s0 =	sadd.s32 $0x100000, s31  }
0x19d: {  	[sflag:s0] =	ssyncadd.tile.s32 $0x1;
	_ =	shalt  }
.Lfunc_end3:
_tile_overlayer_lowered:
.L_overlay_start_3:
0x19e: {  	(tag) =	ssettag $0x3  }
0x19f: {  	s0 =	rddreg [dreg:$0x0];
	s2 =	stileid.u32  }
0x1a0: {  	s1 =	rddreg [dreg:$0x1];
	p0 =	sne.s32 s2, $0x0  }
0x1a1: {  	s3 =	rddreg [dreg:$0x2];
	[bflag:$0x3] =	sbarrier.arrive $0xFFFF;
	s2 =	simm.s32 @!p0 $0x1C01  }
0x1a2: {  	[timem:s3], [sflag:s2] =	dma.local @!p0 [hbm:s0], s1  }
0x1a3: {  	s0 =	simm.s32 @!p0 $0x1  }
0x1a4: {  	_ =	swait.ge @!p0 [sflag:s0], s1  }
0x1a5: {  	s1 =	ssub.s32 @!p0 $0x0, s1;
	[sflag:s0] =	ssyncset.done @!p0 $0x0  }
0x1a6: {  	[sflag:s0] =	ssyncadd.s32 @!p0 s1  }
0x1a7: {  	[bflag:$0x3] =	sbarrier.arrive $0xFFFF  }
0x1a8: {  	_ =	shalt  }

// kernel: scatter_offload_async_start.2
scs
__scs_entry_jumppad:
0x0: {  	(pc) =	sbr.rel $0x88, $3  }
0x1: {  	(tag) =	ssettag $0x0;
	lr =	simm.s32 $0x1  }
0x2: {  	[smem:$0x3F90] =	sst lr;
	_ =	strace $0xD0000000  }
0x3: {  	_ = 	snop  }
0x4: {  	_ = 	snop  }
0x5: {  	_ = 	snop  }
0x6: {  	_ = 	snop  }
0x7: {  	_ = 	snop  }
__scs_overlays_trampoline_lowered:
0x8: {  	[smem:$0x3F9F] =	sst s0  }
0x9: {  	[smem:$0x3FA0] =	sst s1  }
0xa: {  	[smem:$0x3FA1] =	sst s2  }
0xb: {  	[smem:$0x3FA2] =	sst s3  }
0xc: {  	[smem:$0x3FA3] =	sst s4  }
0xd: {  	[smem:$0x3FA4] =	sst s5  }
0xe: {  	[smem:$0x3FA5] =	sst s6  }
0xf: {  	[smem:$0x3FA6] =	sst s7  }
0x10: {  	[smem:$0x3FA7] =	sst s8  }
0x11: {  	[smem:$0x3FA8] =	sst s9;
	s0 =	simm.s32 @!p0 $0x0  }
0x12: {  	s1 =	sld [smem:$0x3F8E];
	s0 =	simm.s32 @p0 $0x1  }
0x13: {  	[smem:$0x3FA9] =	sst s0;
	s0 =	simm.s32 @!p1 $0x0  }
0x14: {  	s2 =	sld [smem:$0x3F8D];
	s0 =	simm.s32 @p1 $0x1  }
0x15: {  	[smem:$0x3FAA] =	sst s0;
	s0 =	simm.s32 @!p2 $0x0  }
0x16: {  	s3 =	sld [smem:$0x3FDB];
	s0 =	simm.s32 @p2 $0x1  }
0x17: {  	s4 =	simm.s32 $0x1BF5;
	[smem:$0x3FAC] =	sst s0  }
0x18: {  	s0 =	sld [smem:$0x3F8F];
	_ =	swait.ge [sflag:s4], $0x0  }
0x19: {  	s7 =	sld [smem:$0x3F90]  }
0x1a: {  	s8 =	sadd.s32 $0xFFFFE003, lr  }
0x1b: {  	s9 =	sadd.s32 $0xFFFFFEF7, lr;
	s5 =	simm.s32 $0xFFFFFFFF;
	p2 =	slt.u32 s8, $0xFFFFF086  }
0x1c: {  	p1 =	slt.u32 s9, $0xF7A;
	s5 =	simm.s32 @!p2 $0x0  }
0x1d: {  	s5 =	simm.s32 @p1 $0x1;
	p0 =	seq.s32 s7, s2  }
0x1e: {  	s7 =	smul.u32 @!p0 $0xF7A, s2;
	p2 =	seq.s32 @!p0 s5, $0x0  }
0x1f: {  	s9 =	smul.u32 $0xF7A, s1;
	s8 =	simm.s32 @!p0 $0x1BF5;
	p2 =	por !p2, p0  }
0x20: {  	[sflag:s8] =	ssyncset.s32 @!p0 $0xFFFFF086;
	s6 =	sadd.s32 @!p0 s3, s7;
	s7 =	simm.s32 @!p0 $0x108  }
0x21: {  	s3 =	sadd.s32 s3, s9;
	s6 =	sadd.s32 @!p0 $0x88, s6;
	s7 =	simm.s32 @p2 $0x1082  }
0x22: {  	[simem:s7], [sflag:s8] =	dma.local @!p0 [hbm:s6], $0xF7A  }
0x23: {  	s9 =	sor.u32 $0xD0000000, s2;
	s6 =	simm.s32 $0x108;
	_ =	swait.ge @!p0 [sflag:s8], $0x0  }
0x24: {  	s3 =	sadd.s32 $0x88, s3;
	s6 =	simm.s32 @!p1 $0x1082;
	[sflag:s4] =	ssyncset.s32 $0xFFFFF086  }
0x25: {  	[simem:s6], [sflag:s4] =	dma.local [hbm:s3], $0xF7A  }
0x26: {  	[smem:$0x3F90] =	sst s1;
	(tag) =	ssettag s2;
	_ =	strace s9  }
0x27: {  	s1 =	sld [smem:$0x3FA0]  }
0x28: {  	s2 =	sld [smem:$0x3FA1]  }
0x29: {  	s4 =	sld [smem:$0x3FA3]  }
0x2a: {  	p0 =	seq.s32 s5, $0x0;
	s5 =	sld [smem:$0x3FA4]  }
0x2b: {  	s6 =	sld [smem:$0x3FA5]  }
0x2c: {  	s7 =	sld [smem:$0x3FA6]  }
0x2d: {  	s3 =	simm.s32 $0x108;
	s8 =	sld [smem:$0x3FA7]  }
0x2e: {  	s3 =	simm.s32 @!p0 $0x1082;
	s9 =	sld [smem:$0x3FA8]  }
0x2f: {  	lr =	sadd.s32 s0, s3;
	s0 =	sld [smem:$0x3F9F]  }
0x30: {  	s3 =	sld [smem:$0x3FA2]  }
0x31: {  	[smem:$0x3FAB] =	sst s10  }
0x32: {  	s10 =	sld [smem:$0x3FA9];
	_ =	sdelay $0x3  }
0x33: {  	p0 =	seq.s32 s10, $0x1;
	s10 =	sld [smem:$0x3FAB];
	_ =	sdelay $0x3  }
0x34: {  	[smem:$0x3FAB] =	sst s10  }
0x35: {  	s10 =	sld [smem:$0x3FAA];
	_ =	sdelay $0x3  }
0x36: {  	p1 =	seq.s32 s10, $0x1;
	s10 =	sld [smem:$0x3FAB];
	_ =	sdelay $0x3  }
0x37: {  	[smem:$0x3FAB] =	sst s10  }
0x38: {  	s10 =	sld [smem:$0x3FAC]  }
0x39: {  	_ = 	snop;
	(pc) =	sbr.ind lr, $3  }
0x3a: {  	_ = 	snop  }
0x3b: {  	_ = 	snop  }
0x3c: {  	p2 =	seq.s32 s10, $0x1;
	s10 =	sld [smem:$0x3FAB]  }
0x3d: {  	_ =	shalt  }
0x3e: {  	_ =	shalt  }
0x3f: {  	_ =	shalt  }
0x40: {  	_ =	shalt  }
0x41: {  	_ =	shalt  }
0x42: {  	_ =	shalt  }
0x43: {  	_ =	shalt  }
0x44: {  	_ =	shalt  }
0x45: {  	_ =	shalt  }
0x46: {  	_ =	shalt  }
0x47: {  	_ =	shalt  }
0x48: {  	_ =	shalt  }
0x49: {  	_ =	shalt  }
0x4a: {  	_ =	shalt  }
0x4b: {  	_ =	shalt  }
0x4c: {  	_ =	shalt  }
0x4d: {  	_ =	shalt  }
0x4e: {  	_ =	shalt  }
0x4f: {  	_ =	shalt  }
0x50: {  	_ =	shalt  }
0x51: {  	_ =	shalt  }
0x52: {  	_ =	shalt  }
0x53: {  	_ =	shalt  }
0x54: {  	_ =	shalt  }
0x55: {  	_ =	shalt  }
0x56: {  	_ =	shalt  }
0x57: {  	_ =	shalt  }
0x58: {  	_ =	shalt  }
0x59: {  	_ =	shalt  }
0x5a: {  	_ =	shalt  }
0x5b: {  	_ =	shalt  }
0x5c: {  	_ =	shalt  }
0x5d: {  	_ =	shalt  }
0x5e: {  	_ =	shalt  }
0x5f: {  	_ =	shalt  }
0x60: {  	_ =	shalt  }
0x61: {  	_ =	shalt  }
0x62: {  	_ =	shalt  }
0x63: {  	_ =	shalt  }
0x64: {  	_ =	shalt  }
0x65: {  	_ =	shalt  }
0x66: {  	_ =	shalt  }
0x67: {  	_ =	shalt  }
0x68: {  	_ =	shalt  }
0x69: {  	_ =	shalt  }
0x6a: {  	_ =	shalt  }
0x6b: {  	_ =	shalt  }
0x6c: {  	_ =	shalt  }
0x6d: {  	_ =	shalt  }
0x6e: {  	_ =	shalt  }
0x6f: {  	_ =	shalt  }
0x70: {  	_ =	shalt  }
0x71: {  	_ =	shalt  }
0x72: {  	_ =	shalt  }
0x73: {  	_ =	shalt  }
0x74: {  	_ =	shalt  }
0x75: {  	_ =	shalt  }
0x76: {  	_ =	shalt  }
0x77: {  	_ =	shalt  }
0x78: {  	_ =	shalt  }
0x79: {  	_ =	shalt  }
0x7a: {  	_ =	shalt  }
0x7b: {  	_ =	shalt  }
0x7c: {  	_ =	shalt  }
0x7d: {  	_ =	shalt  }
0x7e: {  	_ =	shalt  }
0x7f: {  	_ =	shalt  }
0x80: {  	_ =	shalt  }
0x81: {  	_ =	shalt  }
0x82: {  	_ =	shalt  }
0x83: {  	_ =	shalt  }
0x84: {  	_ =	shalt  }
0x85: {  	_ =	shalt  }
0x86: {  	_ =	shalt  }
0x87: {  	_ =	shalt  }
.Lfunc_end0:
.L_simem_size_0:
called_computation.2_lowered:
.L_overlay_start_0:
0x88: {  	s2 =	sld [smem:$0x3FD9]  }
0x89: {  	s3 =	sld [smem:$0x3FFE];
	_ =	sdelay $0x1  }
0x8a: {  	s1 =	srdreg.scid  }
0x8b: {  	s0 =	sand.u32 $0x1, s1  }
0x8c: {  	s17 =	sshll.u32 s0, $0xA;
	s2 =	sadd.s32 s3, s2  }
0x8d: {  	s2 =	sadd.s32 s2, s17  }
0x8e: {  	[smem:$0x3FB7] =	sst s2  }
0x8f: {  	_ = 	snop  }
0x90: {  	(tm) =	ssettm $0x1  }
0x91: {  	s18 =	sld [smem:$0x3FFB];
	_ =	sdelay $0x3  }
0x92: {  	_ =	strace s18  }
0x93: {  	s2 =	sld [smem:$0x3FFC];
	_ =	sdelay $0x3  }
0x94: {  	_ =	strace s2  }
0x95: {  	s2 =	sld [smem:$0x3FFD];
	_ =	sdelay $0x3  }
0x96: {  	_ =	strace s2  }
0x97: {  	_ =	strace $0x8FFFFFFF  }
0x98: {  	s19 =	sld [smem:$0x3FDB];
	_ =	sdelay $0x1  }
0x99: {  	s20 =	simm.s32 $_scs_section_size  }
0x9a: {  	s4 =	simm.s32 $_size__tile_overlayer_lowered;
	s5 =	simm.s32 $_tile_overlayer_lowered  }
0x9b: {  	s6 =	simm.s32 $0x1BFF;
	s21 =	sshll.u32 s5, $0x1;
	s3 =	sadd.s32 s20, s19  }
0x9c: {  	s22 =	simm.s32 $0x0;
	s4 =	sshll.u32 s4, $0x1;
	s5 =	sadd.s32 s21, s3  }
0x9d: {  	[timem:s22], [sflag:s6] =	dma.local [hbm:s5], s4  }
0x9e: {  	_ =	swait.ge [sflag:s6], s4  }
0x9f: {  	s4 =	ssub.s32 $0x0, s4;
	[sflag:s6] =	ssyncset.done $0x0  }
0xa0: {  	[sflag:s6] =	ssyncadd.s32 s4;
	_ =	sdelay $0x1  }
0xa1: {  	s23 =	simm.s32 $0x1B8B  }
0xa2: {  	_ =	swait.ge [sflag:s23], $0x1  }
0xa3: {  	[sflag:s23] =	ssyncset.done $0x0  }
0xa4: {  	[sflag:s23] =	ssyncadd.s32 $0xFFFFFFFF  }
0xa5: {  	s4 =	sld [smem:$0x0]  }
0xa6: {  	s5 =	sand.u32 $0xFFFFFFFE, s1  }
0xa7: {  	p0 =	sne.s32 s1, s5  }
0xa8: {  	s5 =	sshll.u32 @p0 s5, $0xE  }
0xa9: {  	s5 =	sadd.s32 @p0 $0x11B8D, s5;
	s6 =	sshll.u32 @p0 s4, $0x11  }
0xaa: {  	s5 =	sor.u32 @p0 s6, s5  }
0xab: {  	[sflag:s5] =	ssyncadd.remote.s32 @p0 $0x1;
	_ =	sdelay $0x1  }
0xac: {  	s5 =	simm.s32 @p0 $0x1B8D  }
0xad: {  	_ =	swait.eq @p0 [sflag:s5], $0x1  }
0xae: {  	[sflag:s5] =	ssyncadd.s32 @p0 $0xFFFFFFFF  }
0xaf: {  	s6 =	sshll.u32 @!p0 s1, $0xE  }
0xb0: {  	s6 =	sor.u32 @!p0 $0x4000, s6;
	s5 =	simm.s32 @!p0 $0x1B8D  }
0xb1: {  	s7 =	sshll.u32 @!p0 s4, $0x11;
	s6 =	sadd.s32 @!p0 $0x11B8D, s6;
	_ =	swait.eq @!p0 [sflag:s5], $0x1  }
0xb2: {  	[sflag:s5] =	ssyncadd.s32 @!p0 $0xFFFFFFFF;
	s5 =	sor.u32 @!p0 s7, s6  }
0xb3: {  	s25 =	simm.s32 $0x1B8E;
	s24 =	sld [smem:$0x3FFE];
	[sflag:s5] =	ssyncadd.remote.s32 @!p0 $0x1  }
0xb4: {  	s26 =	simm.s32 $execute0_lowered;
	[smem:$0x3FD2] =	sst s25  }
0xb5: {  	s6 =	sshll.u32 s26, $0x1;
	_ =	strace $0x80000052;
	[dreg:$0x1] =	wrdreg $0xFFFFFFFF  }
0xb6: {  	s28 =	simm.s32 $_size_execute0_lowered;
	s3 =	sadd.s32 s3, s6;
	[dreg:$0x0] =	wrdreg $0x0  }
0xb7: {  	s6 =	sshll.u32 s28, $0x1;
	[dreg:$0x2] =	wrdreg s3  }
0xb8: {  	[dreg:$0x3] =	wrdreg s6  }
0xb9: {  	[dreg:$0x4] =	wrdreg $0xC0  }
0xba: {  	_ =	task [dreg:s22], $0x5FFFF  }
0xbb: {  	[dreg:$0x1] =	wrdreg $0xFFFFFFFF  }
0xbc: {  	[dreg:$0x0] =	wrdreg $0x60  }
0xbd: {  	[dreg:$0x2] =	wrdreg s24  }
0xbe: {  	[dreg:$0x3] =	wrdreg s1  }
0xbf: {  	[dreg:$0x4] =	wrdreg s4  }
0xc0: {  	[dreg:$0x5] =	wrdreg $0xB  }
0xc1: {  	_ =	task.clear_ibuf [dreg:s22], $0x6FFFF;
	_ =	strace $0x90000052  }
0xc2: {  	s29 =	simm.s32 $0xB;
	_ =	strace $0x80000054  }
0xc3: {  	_ =	swait.ge [sflag:s29], $0x1  }
0xc4: {  	[sflag:s29] =	ssyncadd.s32 $0xFFFFFFFF  }
0xc5: {  	_ =	strace $0x90000054  }
0xc6: {  	_ =	sfence  }
0xc7: {  	s30 =	sld [smem:$0x0];
	_ =	sdelay $0x2  }
0xc8: {  	s31 =	sshll.u32 s1, $0xD;
	s1 =	sshrl.u32 s1, $0x2  }
0xc9: {  	s4 =	sand.u32 $0x4000, s31;
	s1 =	sadd.s32 s1, s30  }
0xca: {  	s0 =	sor.u32 s4, s0;
	s1 =	sshll.u32 s1, $0x11  }
0xcb: {  	s0 =	sor.u32 s1, s0  }
0xcc: {  	s0 =	sadd.s32 $0x8F2B, s0  }
0xcd: {  	[sflag:s0] =	ssyncadd.remote.s32 $0x1  }
0xce: {  	_ =	sfence.sel $0xFFFF  }
0xcf: {  	[dreg:$0x0] =	wrdreg $0xFFFFFFFF;
	(pc) =	sbr.abs _section_cstart, $3  }
0xd0: {  	[dreg:$0x1] =	wrdreg $0xFFFFFFFF  }
0xd1: {  	_ =	task.clear_ibuf [dreg:s22], $0x2FFFF;
	_ =	strace $0x9FFFFFFF  }
0xd2: {  	(tm) =	ssettm $0x7FFFFFFF  }
0xd3: {  	_ =	shalt  }
tec
execute0_lowered:
.L_overlay_start_1:
0x0: {  	(tag) =	ssettag $0x1  }
0x1: {  	s6 =	rddreg [dreg:$0x0]  }
0x2: {  	s2 =	rddreg [dreg:$0x1];
	_ =	strace $0x80000053;
	s7 =	simm.s32 $0x1  }
0x3: {  	v0 =	vimm.s32 $0x0;
	[sflag:s7] =	ssyncpa.u1 $0x0  }
0x4: {  	[tilespmem:$0x48] =	vst v0  }
0x5: {  	[tilespmem:$0x58] =	vst v0  }
0x6: {  	[tilespmem:$0x68] =	vst v0  }
0x7: {  	[tilespmem:$0x78] =	vst v0  }
0x8: {  	[tilespmem:$0x88] =	vst v0  }
0x9: {  	[tilespmem:$0x98] =	vst v0  }
0xa: {  	[tilespmem:$0xA8] =	vst v0  }
0xb: {  	[tilespmem:$0xB8] =	vst v0  }
0xc: {  	[tilespmem:$0xC8] =	vst v0  }
0xd: {  	[tilespmem:$0xD8] =	vst v0  }
0xe: {  	[tilespmem:$0xE8] =	vst v0  }
0xf: {  	[tilespmem:$0xF8] =	vst v0  }
0x10: {  	[tilespmem:$0x108] =	vst v0  }
0x11: {  	[tilespmem:$0x118] =	vst v0  }
0x12: {  	[tilespmem:$0x128] =	vst v0  }
0x13: {  	[tilespmem:$0x138] =	vst v0  }
0x14: {  	[tilespmem:$0x148] =	vst v0  }
0x15: {  	[tilespmem:$0x158] =	vst v0  }
0x16: {  	[tilespmem:$0x168] =	vst v0  }
0x17: {  	[tilespmem:$0x178] =	vst v0  }
0x18: {  	[tilespmem:$0x188] =	vst v0  }
0x19: {  	[tilespmem:$0x198] =	vst v0  }
0x1a: {  	[tilespmem:$0x1A8] =	vst v0  }
0x1b: {  	[tilespmem:$0x1B8] =	vst v0  }
0x1c: {  	[tilespmem:$0x1C8] =	vst v0  }
0x1d: {  	[tilespmem:$0x1D8] =	vst v0  }
0x1e: {  	[tilespmem:$0x1E8] =	vst v0  }
0x1f: {  	[tilespmem:$0x1F8] =	vst v0  }
0x20: {  	[tilespmem:$0x208] =	vst v0  }
0x21: {  	[tilespmem:$0x218] =	vst v0  }
0x22: {  	[tilespmem:$0x228] =	vst v0  }
0x23: {  	[tilespmem:$0x238] =	vst v0  }
0x24: {  	[tilespmem:$0x248] =	vst v0  }
0x25: {  	[tilespmem:$0x258] =	vst v0  }
0x26: {  	[tilespmem:$0x268] =	vst v0  }
0x27: {  	[tilespmem:$0x278] =	vst v0  }
0x28: {  	[tilespmem:$0x288] =	vst v0  }
0x29: {  	[tilespmem:$0x298] =	vst v0  }
0x2a: {  	[tilespmem:$0x2A8] =	vst v0  }
0x2b: {  	[tilespmem:$0x2B8] =	vst v0  }
0x2c: {  	[tilespmem:$0x2C8] =	vst v0  }
0x2d: {  	[tilespmem:$0x2D8] =	vst v0  }
0x2e: {  	[tilespmem:$0x2E8] =	vst v0  }
0x2f: {  	[tilespmem:$0x2F8] =	vst v0  }
0x30: {  	[tilespmem:$0x308] =	vst v0  }
0x31: {  	[tilespmem:$0x318] =	vst v0  }
0x32: {  	[tilespmem:$0x328] =	vst v0  }
0x33: {  	[tilespmem:$0x338] =	vst v0  }
0x34: {  	[tilespmem:$0x348] =	vst v0  }
0x35: {  	[tilespmem:$0x358] =	vst v0  }
0x36: {  	[tilespmem:$0x368] =	vst v0  }
0x37: {  	[tilespmem:$0x378] =	vst v0  }
0x38: {  	[tilespmem:$0x388] =	vst v0  }
0x39: {  	[tilespmem:$0x398] =	vst v0  }
0x3a: {  	[tilespmem:$0x3A8] =	vst v0  }
0x3b: {  	[tilespmem:$0x3B8] =	vst v0  }
0x3c: {  	[tilespmem:$0x3C8] =	vst v0  }
0x3d: {  	[tilespmem:$0x3D8] =	vst v0  }
0x3e: {  	[tilespmem:$0x3E8] =	vst v0  }
0x3f: {  	[tilespmem:$0x3F8] =	vst v0  }
0x40: {  	[tilespmem:$0x408] =	vst v0  }
0x41: {  	[tilespmem:$0x418] =	vst v0  }
0x42: {  	[tilespmem:$0x428] =	vst v0  }
0x43: {  	[tilespmem:$0x438] =	vst v0  }
0x44: {  	[tilespmem:$0x448] =	vst v0  }
0x45: {  	[tilespmem:$0x458] =	vst v0  }
0x46: {  	[tilespmem:$0x468] =	vst v0  }
0x47: {  	[tilespmem:$0x478] =	vst v0  }
0x48: {  	[tilespmem:$0x488] =	vst v0  }
0x49: {  	[tilespmem:$0x498] =	vst v0  }
0x4a: {  	[tilespmem:$0x4A8] =	vst v0  }
0x4b: {  	[tilespmem:$0x4B8] =	vst v0  }
0x4c: {  	[tilespmem:$0x4C8] =	vst v0  }
0x4d: {  	[tilespmem:$0x4D8] =	vst v0  }
0x4e: {  	[tilespmem:$0x4E8] =	vst v0  }
0x4f: {  	[tilespmem:$0x4F8] =	vst v0  }
0x50: {  	[tilespmem:$0x508] =	vst v0  }
0x51: {  	[tilespmem:$0x518] =	vst v0  }
0x52: {  	[tilespmem:$0x528] =	vst v0  }
0x53: {  	[tilespmem:$0x538] =	vst v0  }
0x54: {  	[tilespmem:$0x548] =	vst v0  }
0x55: {  	[tilespmem:$0x558] =	vst v0  }
0x56: {  	[tilespmem:$0x568] =	vst v0  }
0x57: {  	[tilespmem:$0x578] =	vst v0  }
0x58: {  	[tilespmem:$0x588] =	vst v0  }
0x59: {  	[tilespmem:$0x598] =	vst v0  }
0x5a: {  	[tilespmem:$0x5A8] =	vst v0  }
0x5b: {  	[tilespmem:$0x5B8] =	vst v0  }
0x5c: {  	[tilespmem:$0x5C8] =	vst v0  }
0x5d: {  	[tilespmem:$0x5D8] =	vst v0  }
0x5e: {  	[tilespmem:$0x5E8] =	vst v0  }
0x5f: {  	[tilespmem:$0x5F8] =	vst v0  }
0x60: {  	[tilespmem:$0x608] =	vst v0  }
0x61: {  	[tilespmem:$0x618] =	vst v0  }
0x62: {  	[tilespmem:$0x628] =	vst v0  }
0x63: {  	[tilespmem:$0x638] =	vst v0  }
0x64: {  	[tilespmem:$0x648] =	vst v0  }
0x65: {  	[tilespmem:$0x658] =	vst v0  }
0x66: {  	[tilespmem:$0x668] =	vst v0  }
0x67: {  	[tilespmem:$0x678] =	vst v0  }
0x68: {  	[tilespmem:$0x688] =	vst v0  }
0x69: {  	[tilespmem:$0x698] =	vst v0  }
0x6a: {  	[tilespmem:$0x6A8] =	vst v0  }
0x6b: {  	[tilespmem:$0x6B8] =	vst v0  }
0x6c: {  	[tilespmem:$0x6C8] =	vst v0  }
0x6d: {  	[tilespmem:$0x6D8] =	vst v0  }
0x6e: {  	[tilespmem:$0x6E8] =	vst v0  }
0x6f: {  	[tilespmem:$0x6F8] =	vst v0  }
0x70: {  	[tilespmem:$0x708] =	vst v0  }
0x71: {  	[tilespmem:$0x718] =	vst v0  }
0x72: {  	[tilespmem:$0x728] =	vst v0  }
0x73: {  	[tilespmem:$0x738] =	vst v0  }
0x74: {  	[tilespmem:$0x748] =	vst v0  }
0x75: {  	[tilespmem:$0x758] =	vst v0  }
0x76: {  	[tilespmem:$0x768] =	vst v0  }
0x77: {  	[tilespmem:$0x778] =	vst v0  }
0x78: {  	[tilespmem:$0x788] =	vst v0  }
0x79: {  	[tilespmem:$0x798] =	vst v0  }
0x7a: {  	[tilespmem:$0x7A8] =	vst v0  }
0x7b: {  	[tilespmem:$0x7B8] =	vst v0  }
0x7c: {  	[tilespmem:$0x7C8] =	vst v0  }
0x7d: {  	[tilespmem:$0x7D8] =	vst v0  }
0x7e: {  	[tilespmem:$0x7E8] =	vst v0  }
0x7f: {  	[tilespmem:$0x7F8] =	vst v0  }
0x80: {  	[tilespmem:$0x808] =	vst v0  }
0x81: {  	[tilespmem:$0x818] =	vst v0  }
0x82: {  	[tilespmem:$0x828] =	vst v0  }
0x83: {  	[tilespmem:$0x838] =	vst v0  }
0x84: {  	[tilespmem:$0x848] =	vst v0  }
0x85: {  	[tilespmem:$0x858] =	vst v0  }
0x86: {  	[tilespmem:$0x868] =	vst v0  }
0x87: {  	[tilespmem:$0x878] =	vst v0  }
0x88: {  	[tilespmem:$0x888] =	vst v0  }
0x89: {  	[tilespmem:$0x898] =	vst v0  }
0x8a: {  	[tilespmem:$0x8A8] =	vst v0  }
0x8b: {  	[tilespmem:$0x8B8] =	vst v0  }
0x8c: {  	[tilespmem:$0x8C8] =	vst v0  }
0x8d: {  	[tilespmem:$0x8D8] =	vst v0  }
0x8e: {  	[tilespmem:$0x8E8] =	vst v0  }
0x8f: {  	[tilespmem:$0x8F8] =	vst v0  }
0x90: {  	[tilespmem:$0x908] =	vst v0  }
0x91: {  	[tilespmem:$0x918] =	vst v0  }
0x92: {  	[tilespmem:$0x928] =	vst v0  }
0x93: {  	[tilespmem:$0x938] =	vst v0  }
0x94: {  	[tilespmem:$0x948] =	vst v0  }
0x95: {  	[tilespmem:$0x958] =	vst v0  }
0x96: {  	[tilespmem:$0x968] =	vst v0  }
0x97: {  	[tilespmem:$0x978] =	vst v0  }
0x98: {  	[tilespmem:$0x988] =	vst v0  }
0x99: {  	[tilespmem:$0x998] =	vst v0  }
0x9a: {  	[tilespmem:$0x9A8] =	vst v0  }
0x9b: {  	[tilespmem:$0x9B8] =	vst v0  }
0x9c: {  	[tilespmem:$0x9C8] =	vst v0  }
0x9d: {  	[tilespmem:$0x9D8] =	vst v0  }
0x9e: {  	[tilespmem:$0x9E8] =	vst v0  }
0x9f: {  	[tilespmem:$0x9F8] =	vst v0  }
0xa0: {  	[tilespmem:$0xA08] =	vst v0  }
0xa1: {  	[tilespmem:$0xA18] =	vst v0  }
0xa2: {  	[tilespmem:$0xA28] =	vst v0  }
0xa3: {  	[tilespmem:$0xA38] =	vst v0  }
0xa4: {  	[tilespmem:$0xA48] =	vst v0  }
0xa5: {  	[tilespmem:$0xA58] =	vst v0  }
0xa6: {  	[tilespmem:$0xA68] =	vst v0  }
0xa7: {  	[tilespmem:$0xA78] =	vst v0  }
0xa8: {  	[tilespmem:$0xA88] =	vst v0  }
0xa9: {  	[tilespmem:$0xA98] =	vst v0  }
0xaa: {  	[tilespmem:$0xAA8] =	vst v0  }
0xab: {  	[tilespmem:$0xAB8] =	vst v0  }
0xac: {  	[tilespmem:$0xAC8] =	vst v0  }
0xad: {  	[tilespmem:$0xAD8] =	vst v0  }
0xae: {  	[tilespmem:$0xAE8] =	vst v0  }
0xaf: {  	[tilespmem:$0xAF8] =	vst v0  }
0xb0: {  	[tilespmem:$0xB08] =	vst v0  }
0xb1: {  	[tilespmem:$0xB18] =	vst v0  }
0xb2: {  	[tilespmem:$0xB28] =	vst v0  }
0xb3: {  	[tilespmem:$0xB38] =	vst v0  }
0xb4: {  	[tilespmem:$0xB48] =	vst v0  }
0xb5: {  	[tilespmem:$0xB58] =	vst v0  }
0xb6: {  	[tilespmem:$0xB68] =	vst v0  }
0xb7: {  	[tilespmem:$0xB78] =	vst v0  }
0xb8: {  	[tilespmem:$0xB88] =	vst v0  }
0xb9: {  	[tilespmem:$0xB98] =	vst v0  }
0xba: {  	[tilespmem:$0xBA8] =	vst v0  }
0xbb: {  	[tilespmem:$0xBB8] =	vst v0  }
0xbc: {  	[tilespmem:$0xBC8] =	vst v0  }
0xbd: {  	[tilespmem:$0xBD8] =	vst v0  }
0xbe: {  	[tilespmem:$0xBE8] =	vst v0  }
0xbf: {  	[tilespmem:$0xBF8] =	vst v0  }
0xc0: {  	[tilespmem:$0xC08] =	vst v0  }
0xc1: {  	[tilespmem:$0xC18] =	vst v0  }
0xc2: {  	[tilespmem:$0xC28] =	vst v0  }
0xc3: {  	[tilespmem:$0xC38] =	vst v0  }
0xc4: {  	[tilespmem:$0xC48] =	vst v0  }
0xc5: {  	[tilespmem:$0xC58] =	vst v0  }
0xc6: {  	[tilespmem:$0xC68] =	vst v0  }
0xc7: {  	[tilespmem:$0xC78] =	vst v0  }
0xc8: {  	[tilespmem:$0xC88] =	vst v0  }
0xc9: {  	[tilespmem:$0xC98] =	vst v0  }
0xca: {  	[tilespmem:$0xCA8] =	vst v0  }
0xcb: {  	[tilespmem:$0xCB8] =	vst v0  }
0xcc: {  	[tilespmem:$0xCC8] =	vst v0  }
0xcd: {  	[tilespmem:$0xCD8] =	vst v0  }
0xce: {  	[tilespmem:$0xCE8] =	vst v0  }
0xcf: {  	[tilespmem:$0xCF8] =	vst v0  }
0xd0: {  	[tilespmem:$0xD08] =	vst v0  }
0xd1: {  	[tilespmem:$0xD18] =	vst v0  }
0xd2: {  	[tilespmem:$0xD28] =	vst v0  }
0xd3: {  	[tilespmem:$0xD38] =	vst v0  }
0xd4: {  	[tilespmem:$0xD48] =	vst v0  }
0xd5: {  	[tilespmem:$0xD58] =	vst v0  }
0xd6: {  	[tilespmem:$0xD68] =	vst v0  }
0xd7: {  	[tilespmem:$0xD78] =	vst v0  }
0xd8: {  	[tilespmem:$0xD88] =	vst v0  }
0xd9: {  	[tilespmem:$0xD98] =	vst v0  }
0xda: {  	[tilespmem:$0xDA8] =	vst v0  }
0xdb: {  	[tilespmem:$0xDB8] =	vst v0  }
0xdc: {  	[tilespmem:$0xDC8] =	vst v0  }
0xdd: {  	[tilespmem:$0xDD8] =	vst v0  }
0xde: {  	[tilespmem:$0xDE8] =	vst v0  }
0xdf: {  	[tilespmem:$0xDF8] =	vst v0  }
0xe0: {  	[tilespmem:$0xE08] =	vst v0  }
0xe1: {  	[tilespmem:$0xE18] =	vst v0  }
0xe2: {  	[tilespmem:$0xE28] =	vst v0  }
0xe3: {  	[tilespmem:$0xE38] =	vst v0  }
0xe4: {  	[tilespmem:$0xE48] =	vst v0  }
0xe5: {  	[tilespmem:$0xE58] =	vst v0  }
0xe6: {  	[tilespmem:$0xE68] =	vst v0  }
0xe7: {  	[tilespmem:$0xE78] =	vst v0  }
0xe8: {  	[tilespmem:$0xE88] =	vst v0  }
0xe9: {  	[tilespmem:$0xE98] =	vst v0  }
0xea: {  	[tilespmem:$0xEA8] =	vst v0  }
0xeb: {  	[tilespmem:$0xEB8] =	vst v0  }
0xec: {  	[tilespmem:$0xEC8] =	vst v0  }
0xed: {  	[tilespmem:$0xED8] =	vst v0  }
0xee: {  	[tilespmem:$0xEE8] =	vst v0  }
0xef: {  	[tilespmem:$0xEF8] =	vst v0  }
0xf0: {  	[tilespmem:$0xF08] =	vst v0  }
0xf1: {  	[tilespmem:$0xF18] =	vst v0  }
0xf2: {  	[tilespmem:$0xF28] =	vst v0  }
0xf3: {  	[tilespmem:$0xF38] =	vst v0  }
0xf4: {  	[tilespmem:$0xF48] =	vst v0  }
0xf5: {  	[tilespmem:$0xF58] =	vst v0  }
0xf6: {  	[tilespmem:$0xF68] =	vst v0  }
0xf7: {  	[tilespmem:$0xF78] =	vst v0  }
0xf8: {  	[tilespmem:$0xF88] =	vst v0  }
0xf9: {  	[tilespmem:$0xF98] =	vst v0  }
0xfa: {  	[tilespmem:$0xFA8] =	vst v0  }
0xfb: {  	[tilespmem:$0xFB8] =	vst v0  }
0xfc: {  	[tilespmem:$0xFC8] =	vst v0  }
0xfd: {  	[tilespmem:$0xFD8] =	vst v0  }
0xfe: {  	[tilespmem:$0xFE8] =	vst v0  }
0xff: {  	[tilespmem:$0xFF8] =	vst v0  }
0x100: {  	[tilespmem:$0x1008] =	vst v0  }
0x101: {  	[tilespmem:$0x1018] =	vst v0  }
0x102: {  	[tilespmem:$0x1028] =	vst v0  }
0x103: {  	[tilespmem:$0x1178] =	vst v0  }
0x104: {  	[tilespmem:$0x1038] =	vst v0  }
0x105: {  	[tilespmem:$0x1048] =	vst v0  }
0x106: {  	[tilespmem:$0x1058] =	vst v0  }
0x107: {  	[tilespmem:$0x1068] =	vst v0  }
0x108: {  	[tilespmem:$0x1078] =	vst v0  }
0x109: {  	[tilespmem:$0x1088] =	vst v0  }
0x10a: {  	[tilespmem:$0x1098] =	vst v0  }
0x10b: {  	[tilespmem:$0x10A8] =	vst v0  }
0x10c: {  	[tilespmem:$0x10B8] =	vst v0  }
0x10d: {  	[tilespmem:$0x10C8] =	vst v0  }
0x10e: {  	[tilespmem:$0x10D8] =	vst v0  }
0x10f: {  	[tilespmem:$0x10E8] =	vst v0  }
0x110: {  	[tilespmem:$0x10F8] =	vst v0  }
0x111: {  	[tilespmem:$0x1108] =	vst v0  }
0x112: {  	[tilespmem:$0x1118] =	vst v0  }
0x113: {  	[tilespmem:$0x1128] =	vst v0  }
0x114: {  	[tilespmem:$0x1138] =	vst v0  }
0x115: {  	[tilespmem:$0x1148] =	vst v0  }
0x116: {  	[tilespmem:$0x1158] =	vst v0  }
0x117: {  	[tilespmem:$0x1168] =	vst v0  }
0x118: {  	[tilespmem:$0x1188] =	vst v0  }
0x119: {  	[tilespmem:$0x1198] =	vst v0  }
0x11a: {  	[tilespmem:$0x11A8] =	vst v0  }
0x11b: {  	[tilespmem:$0x11B8] =	vst v0  }
0x11c: {  	[tilespmem:$0x11C8] =	vst v0  }
0x11d: {  	[tilespmem:$0x11D8] =	vst v0  }
0x11e: {  	[tilespmem:$0x11E8] =	vst v0  }
0x11f: {  	[tilespmem:$0x11F8] =	vst v0  }
0x120: {  	[tilespmem:$0x1208] =	vst v0  }
0x121: {  	[tilespmem:$0x1218] =	vst v0  }
0x122: {  	[tilespmem:$0x1228] =	vst v0  }
0x123: {  	[tilespmem:$0x1238] =	vst v0  }
0x124: {  	[tilespmem:$0x1248] =	vst v0  }
0x125: {  	[tilespmem:$0x1258] =	vst v0  }
0x126: {  	[tilespmem:$0x1268] =	vst v0  }
0x127: {  	[tilespmem:$0x1278] =	vst v0  }
0x128: {  	[tilespmem:$0x1288] =	vst v0  }
0x129: {  	[tilespmem:$0x1298] =	vst v0  }
0x12a: {  	[tilespmem:$0x12A8] =	vst v0  }
0x12b: {  	[tilespmem:$0x12B8] =	vst v0  }
0x12c: {  	[tilespmem:$0x12C8] =	vst v0  }
0x12d: {  	[tilespmem:$0x12D8] =	vst v0  }
0x12e: {  	[tilespmem:$0x12E8] =	vst v0  }
0x12f: {  	[tilespmem:$0x12F8] =	vst v0  }
0x130: {  	[tilespmem:$0x1308] =	vst v0  }
0x131: {  	[tilespmem:$0x1318] =	vst v0  }
0x132: {  	[tilespmem:$0x1328] =	vst v0  }
0x133: {  	[tilespmem:$0x1338] =	vst v0  }
0x134: {  	[tilespmem:$0x1348] =	vst v0  }
0x135: {  	[tilespmem:$0x1358] =	vst v0  }
0x136: {  	[tilespmem:$0x1368] =	vst v0  }
0x137: {  	[tilespmem:$0x1378] =	vst v0  }
0x138: {  	[tilespmem:$0x1388] =	vst v0  }
0x139: {  	[tilespmem:$0x1398] =	vst v0  }
0x13a: {  	[tilespmem:$0x13A8] =	vst v0  }
0x13b: {  	[tilespmem:$0x13B8] =	vst v0  }
0x13c: {  	[tilespmem:$0x13C8] =	vst v0  }
0x13d: {  	[tilespmem:$0x13D8] =	vst v0  }
0x13e: {  	[tilespmem:$0x13E8] =	vst v0  }
0x13f: {  	[tilespmem:$0x13F8] =	vst v0  }
0x140: {  	[tilespmem:$0x1408] =	vst v0  }
0x141: {  	[tilespmem:$0x1418] =	vst v0  }
0x142: {  	[tilespmem:$0x1428] =	vst v0  }
0x143: {  	[tilespmem:$0x1438] =	vst v0  }
0x144: {  	[tilespmem:$0x1448] =	vst v0  }
0x145: {  	[tilespmem:$0x1458] =	vst v0  }
0x146: {  	[tilespmem:$0x1468] =	vst v0  }
0x147: {  	[tilespmem:$0x1478] =	vst v0  }
0x148: {  	[tilespmem:$0x1488] =	vst v0  }
0x149: {  	[tilespmem:$0x1498] =	vst v0  }
0x14a: {  	[tilespmem:$0x14A8] =	vst v0  }
0x14b: {  	[tilespmem:$0x14B8] =	vst v0  }
0x14c: {  	[tilespmem:$0x14C8] =	vst v0  }
0x14d: {  	[tilespmem:$0x14D8] =	vst v0  }
0x14e: {  	[tilespmem:$0x14E8] =	vst v0  }
0x14f: {  	[tilespmem:$0x14F8] =	vst v0  }
0x150: {  	[tilespmem:$0x1508] =	vst v0  }
0x151: {  	[tilespmem:$0x1518] =	vst v0  }
0x152: {  	[tilespmem:$0x1528] =	vst v0  }
0x153: {  	[tilespmem:$0x1538] =	vst v0  }
0x154: {  	[tilespmem:$0x1548] =	vst v0  }
0x155: {  	[tilespmem:$0x1558] =	vst v0  }
0x156: {  	[tilespmem:$0x1568] =	vst v0  }
0x157: {  	[tilespmem:$0x1578] =	vst v0  }
0x158: {  	[tilespmem:$0x1588] =	vst v0  }
0x159: {  	[tilespmem:$0x1598] =	vst v0  }
0x15a: {  	[tilespmem:$0x15A8] =	vst v0  }
0x15b: {  	[tilespmem:$0x15B8] =	vst v0  }
0x15c: {  	[tilespmem:$0x15C8] =	vst v0  }
0x15d: {  	[tilespmem:$0x15D8] =	vst v0  }
0x15e: {  	[tilespmem:$0x15E8] =	vst v0  }
0x15f: {  	[tilespmem:$0x15F8] =	vst v0  }
0x160: {  	[tilespmem:$0x1608] =	vst v0  }
0x161: {  	[tilespmem:$0x1618] =	vst v0  }
0x162: {  	[tilespmem:$0x1628] =	vst v0  }
0x163: {  	[tilespmem:$0x1638] =	vst v0  }
0x164: {  	[tilespmem:$0x1648] =	vst v0  }
0x165: {  	[tilespmem:$0x1658] =	vst v0  }
0x166: {  	[tilespmem:$0x1668] =	vst v0  }
0x167: {  	[tilespmem:$0x1678] =	vst v0  }
0x168: {  	[tilespmem:$0x1688] =	vst v0  }
0x169: {  	[tilespmem:$0x1698] =	vst v0  }
0x16a: {  	[tilespmem:$0x16A8] =	vst v0  }
0x16b: {  	[tilespmem:$0x16B8] =	vst v0  }
0x16c: {  	[tilespmem:$0x16C8] =	vst v0  }
0x16d: {  	[tilespmem:$0x16D8] =	vst v0  }
0x16e: {  	[tilespmem:$0x16E8] =	vst v0  }
0x16f: {  	[tilespmem:$0x16F8] =	vst v0  }
0x170: {  	[tilespmem:$0x1708] =	vst v0  }
0x171: {  	[tilespmem:$0x1718] =	vst v0  }
0x172: {  	[tilespmem:$0x1728] =	vst v0  }
0x173: {  	[tilespmem:$0x1738] =	vst v0  }
0x174: {  	[tilespmem:$0x1748] =	vst v0  }
0x175: {  	[tilespmem:$0x1758] =	vst v0  }
0x176: {  	[tilespmem:$0x1768] =	vst v0  }
0x177: {  	[tilespmem:$0x1778] =	vst v0  }
0x178: {  	[tilespmem:$0x1788] =	vst v0  }
0x179: {  	[tilespmem:$0x1798] =	vst v0  }
0x17a: {  	[tilespmem:$0x17A8] =	vst v0  }
0x17b: {  	[tilespmem:$0x17B8] =	vst v0  }
0x17c: {  	[tilespmem:$0x17C8] =	vst v0  }
0x17d: {  	[tilespmem:$0x17D8] =	vst v0  }
0x17e: {  	[tilespmem:$0x17E8] =	vst v0  }
0x17f: {  	[tilespmem:$0x17F8] =	vst v0  }
0x180: {  	[tilespmem:$0x1808] =	vst v0  }
0x181: {  	[tilespmem:$0x1818] =	vst v0  }
0x182: {  	[tilespmem:$0x1828] =	vst v0  }
0x183: {  	[tilespmem:$0x1838] =	vst v0  }
0x184: {  	[tilespmem:$0x1848] =	vst v0  }
0x185: {  	[tilespmem:$0x1858] =	vst v0  }
0x186: {  	[tilespmem:$0x1868] =	vst v0  }
0x187: {  	[tilespmem:$0x1878] =	vst v0  }
0x188: {  	[tilespmem:$0x1888] =	vst v0  }
0x189: {  	[tilespmem:$0x1898] =	vst v0  }
0x18a: {  	[tilespmem:$0x18A8] =	vst v0  }
0x18b: {  	[tilespmem:$0x18B8] =	vst v0  }
0x18c: {  	[tilespmem:$0x18C8] =	vst v0  }
0x18d: {  	[tilespmem:$0x18D8] =	vst v0  }
0x18e: {  	[tilespmem:$0x18E8] =	vst v0  }
0x18f: {  	[tilespmem:$0x18F8] =	vst v0  }
0x190: {  	[tilespmem:$0x1908] =	vst v0  }
0x191: {  	[tilespmem:$0x1918] =	vst v0  }
0x192: {  	[tilespmem:$0x1928] =	vst v0  }
0x193: {  	[tilespmem:$0x1938] =	vst v0  }
0x194: {  	[tilespmem:$0x1948] =	vst v0  }
0x195: {  	[tilespmem:$0x1958] =	vst v0  }
0x196: {  	[tilespmem:$0x1968] =	vst v0  }
0x197: {  	[tilespmem:$0x1978] =	vst v0  }
0x198: {  	[tilespmem:$0x1988] =	vst v0  }
0x199: {  	[tilespmem:$0x1998] =	vst v0  }
0x19a: {  	[tilespmem:$0x19A8] =	vst v0  }
0x19b: {  	[tilespmem:$0x19B8] =	vst v0  }
0x19c: {  	[tilespmem:$0x19C8] =	vst v0  }
0x19d: {  	[tilespmem:$0x19D8] =	vst v0  }
0x19e: {  	[tilespmem:$0x19E8] =	vst v0  }
0x19f: {  	[tilespmem:$0x19F8] =	vst v0  }
0x1a0: {  	[tilespmem:$0x1A08] =	vst v0  }
0x1a1: {  	[tilespmem:$0x1A18] =	vst v0  }
0x1a2: {  	[tilespmem:$0x1A28] =	vst v0  }
0x1a3: {  	[tilespmem:$0x1A38] =	vst v0  }
0x1a4: {  	[tilespmem:$0x1A48] =	vst v0  }
0x1a5: {  	[tilespmem:$0x1A58] =	vst v0  }
0x1a6: {  	[tilespmem:$0x1A68] =	vst v0  }
0x1a7: {  	[tilespmem:$0x1A78] =	vst v0  }
0x1a8: {  	[tilespmem:$0x1A88] =	vst v0  }
0x1a9: {  	[tilespmem:$0x1A98] =	vst v0  }
0x1aa: {  	[tilespmem:$0x1AA8] =	vst v0  }
0x1ab: {  	[tilespmem:$0x1AB8] =	vst v0  }
0x1ac: {  	[tilespmem:$0x1AC8] =	vst v0  }
0x1ad: {  	[tilespmem:$0x1AD8] =	vst v0  }
0x1ae: {  	[tilespmem:$0x1AE8] =	vst v0  }
0x1af: {  	[tilespmem:$0x1AF8] =	vst v0  }
0x1b0: {  	[tilespmem:$0x1B08] =	vst v0  }
0x1b1: {  	[tilespmem:$0x1B18] =	vst v0  }
0x1b2: {  	[tilespmem:$0x1B28] =	vst v0  }
0x1b3: {  	[tilespmem:$0x1B38] =	vst v0  }
0x1b4: {  	[tilespmem:$0x1B48] =	vst v0  }
0x1b5: {  	[tilespmem:$0x1B58] =	vst v0  }
0x1b6: {  	[tilespmem:$0x1B68] =	vst v0  }
0x1b7: {  	[tilespmem:$0x1B78] =	vst v0  }
0x1b8: {  	[tilespmem:$0x1B88] =	vst v0  }
0x1b9: {  	[tilespmem:$0x1B98] =	vst v0  }
0x1ba: {  	[tilespmem:$0x1BA8] =	vst v0  }
0x1bb: {  	[tilespmem:$0x1BB8] =	vst v0  }
0x1bc: {  	[tilespmem:$0x1BC8] =	vst v0  }
0x1bd: {  	[tilespmem:$0x1BD8] =	vst v0  }
0x1be: {  	[tilespmem:$0x1BE8] =	vst v0  }
0x1bf: {  	[tilespmem:$0x1BF8] =	vst v0  }
0x1c0: {  	[tilespmem:$0x1C08] =	vst v0  }
0x1c1: {  	[tilespmem:$0x1C18] =	vst v0  }
0x1c2: {  	[tilespmem:$0x1C28] =	vst v0  }
0x1c3: {  	[tilespmem:$0x1C38] =	vst v0  }
0x1c4: {  	[tilespmem:$0x1C48] =	vst v0  }
0x1c5: {  	[tilespmem:$0x1C58] =	vst v0  }
0x1c6: {  	[tilespmem:$0x1C68] =	vst v0  }
0x1c7: {  	[tilespmem:$0x1C78] =	vst v0  }
0x1c8: {  	[tilespmem:$0x1C88] =	vst v0  }
0x1c9: {  	[tilespmem:$0x1C98] =	vst v0  }
0x1ca: {  	[tilespmem:$0x1CA8] =	vst v0  }
0x1cb: {  	[tilespmem:$0x1CB8] =	vst v0  }
0x1cc: {  	[tilespmem:$0x1CC8] =	vst v0  }
0x1cd: {  	[tilespmem:$0x1CD8] =	vst v0  }
0x1ce: {  	[tilespmem:$0x1CE8] =	vst v0  }
0x1cf: {  	[tilespmem:$0x1CF8] =	vst v0  }
0x1d0: {  	[tilespmem:$0x1D08] =	vst v0  }
0x1d1: {  	[tilespmem:$0x1D18] =	vst v0  }
0x1d2: {  	[tilespmem:$0x1D28] =	vst v0  }
0x1d3: {  	[tilespmem:$0x1D38] =	vst v0  }
0x1d4: {  	[tilespmem:$0x1D48] =	vst v0  }
0x1d5: {  	[tilespmem:$0x1D58] =	vst v0  }
0x1d6: {  	[tilespmem:$0x1D68] =	vst v0  }
0x1d7: {  	[tilespmem:$0x1D78] =	vst v0  }
0x1d8: {  	[tilespmem:$0x1D88] =	vst v0  }
0x1d9: {  	[tilespmem:$0x1D98] =	vst v0  }
0x1da: {  	[tilespmem:$0x1DA8] =	vst v0  }
0x1db: {  	[tilespmem:$0x1DB8] =	vst v0  }
0x1dc: {  	[tilespmem:$0x1DC8] =	vst v0  }
0x1dd: {  	[tilespmem:$0x1DD8] =	vst v0  }
0x1de: {  	[tilespmem:$0x1DE8] =	vst v0  }
0x1df: {  	[tilespmem:$0x1DF8] =	vst v0  }
0x1e0: {  	[tilespmem:$0x1E08] =	vst v0  }
0x1e1: {  	[tilespmem:$0x1E18] =	vst v0  }
0x1e2: {  	[tilespmem:$0x1E28] =	vst v0  }
0x1e3: {  	[tilespmem:$0x1E38] =	vst v0  }
0x1e4: {  	[tilespmem:$0x1E48] =	vst v0  }
0x1e5: {  	[tilespmem:$0x1E58] =	vst v0  }
0x1e6: {  	[tilespmem:$0x1E68] =	vst v0  }
0x1e7: {  	[tilespmem:$0x1E78] =	vst v0  }
0x1e8: {  	[tilespmem:$0x1E88] =	vst v0  }
0x1e9: {  	[tilespmem:$0x1E98] =	vst v0  }
0x1ea: {  	[tilespmem:$0x1EA8] =	vst v0  }
0x1eb: {  	[tilespmem:$0x1EB8] =	vst v0  }
0x1ec: {  	[tilespmem:$0x1EC8] =	vst v0  }
0x1ed: {  	[tilespmem:$0x1ED8] =	vst v0  }
0x1ee: {  	[tilespmem:$0x1EE8] =	vst v0  }
0x1ef: {  	[tilespmem:$0x1EF8] =	vst v0  }
0x1f0: {  	[tilespmem:$0x1F08] =	vst v0  }
0x1f1: {  	[tilespmem:$0x1F18] =	vst v0  }
0x1f2: {  	[tilespmem:$0x1F28] =	vst v0  }
0x1f3: {  	[tilespmem:$0x1F38] =	vst v0  }
0x1f4: {  	[tilespmem:$0x1F48] =	vst v0  }
0x1f5: {  	[tilespmem:$0x1F58] =	vst v0  }
0x1f6: {  	[tilespmem:$0x1F68] =	vst v0  }
0x1f7: {  	[tilespmem:$0x1F78] =	vst v0  }
0x1f8: {  	[tilespmem:$0x1F88] =	vst v0  }
0x1f9: {  	[tilespmem:$0x1F98] =	vst v0  }
0x1fa: {  	[tilespmem:$0x1FA8] =	vst v0  }
0x1fb: {  	[tilespmem:$0x1FB8] =	vst v0  }
0x1fc: {  	[tilespmem:$0x1FC8] =	vst v0  }
0x1fd: {  	[tilespmem:$0x1FD8] =	vst v0  }
0x1fe: {  	[tilespmem:$0x1FE8] =	vst v0  }
0x1ff: {  	[tilespmem:$0x1FF8] =	vst v0  }
0x200: {  	[tilespmem:$0x2008] =	vst v0  }
0x201: {  	[tilespmem:$0x2018] =	vst v0  }
0x202: {  	[tilespmem:$0x2028] =	vst v0  }
0x203: {  	[tilespmem:$0x2038] =	vst v0  }
0x204: {  	[tilespmem:$0x2048] =	vst v0  }
0x205: {  	[tilespmem:$0x2058] =	vst v0  }
0x206: {  	[tilespmem:$0x2068] =	vst v0  }
0x207: {  	[tilespmem:$0x2078] =	vst v0  }
0x208: {  	[tilespmem:$0x2088] =	vst v0  }
0x209: {  	[tilespmem:$0x2098] =	vst v0  }
0x20a: {  	[tilespmem:$0x20A8] =	vst v0  }
0x20b: {  	[tilespmem:$0x20B8] =	vst v0  }
0x20c: {  	[tilespmem:$0x20C8] =	vst v0  }
0x20d: {  	[tilespmem:$0x20D8] =	vst v0  }
0x20e: {  	[tilespmem:$0x20E8] =	vst v0  }
0x20f: {  	[tilespmem:$0x20F8] =	vst v0  }
0x210: {  	[tilespmem:$0x2108] =	vst v0  }
0x211: {  	[tilespmem:$0x2118] =	vst v0  }
0x212: {  	[tilespmem:$0x2128] =	vst v0  }
0x213: {  	[tilespmem:$0x2138] =	vst v0  }
0x214: {  	[tilespmem:$0x2148] =	vst v0  }
0x215: {  	[tilespmem:$0x2158] =	vst v0  }
0x216: {  	[tilespmem:$0x2168] =	vst v0  }
0x217: {  	[tilespmem:$0x2198] =	vst v0  }
0x218: {  	[tilespmem:$0x2258] =	vst v0  }
0x219: {  	[tilespmem:$0x21D8] =	vst v0  }
0x21a: {  	[tilespmem:$0x3058] =	vst v0  }
0x21b: {  	[tilespmem:$0x3048] =	vst v0  }
0x21c: {  	[tilespmem:$0x3038] =	vst v0  }
0x21d: {  	[tilespmem:$0x3028] =	vst v0  }
0x21e: {  	[tilespmem:$0x3018] =	vst v0  }
0x21f: {  	[tilespmem:$0x3008] =	vst v0  }
0x220: {  	[tilespmem:$0x2FF8] =	vst v0  }
0x221: {  	[tilespmem:$0x2FE8] =	vst v0  }
0x222: {  	[tilespmem:$0x2FD8] =	vst v0  }
0x223: {  	[tilespmem:$0x2FC8] =	vst v0  }
0x224: {  	[tilespmem:$0x2FB8] =	vst v0  }
0x225: {  	[tilespmem:$0x2FA8] =	vst v0  }
0x226: {  	[tilespmem:$0x2F98] =	vst v0  }
0x227: {  	[tilespmem:$0x2F88] =	vst v0  }
0x228: {  	[tilespmem:$0x2F78] =	vst v0  }
0x229: {  	[tilespmem:$0x2F68] =	vst v0  }
0x22a: {  	[tilespmem:$0x2F58] =	vst v0  }
0x22b: {  	[tilespmem:$0x2F48] =	vst v0  }
0x22c: {  	[tilespmem:$0x2F38] =	vst v0  }
0x22d: {  	[tilespmem:$0x2F28] =	vst v0  }
0x22e: {  	[tilespmem:$0x2F18] =	vst v0  }
0x22f: {  	[tilespmem:$0x2F08] =	vst v0  }
0x230: {  	[tilespmem:$0x2EF8] =	vst v0  }
0x231: {  	[tilespmem:$0x2EE8] =	vst v0  }
0x232: {  	[tilespmem:$0x2ED8] =	vst v0  }
0x233: {  	[tilespmem:$0x2EC8] =	vst v0  }
0x234: {  	[tilespmem:$0x2EB8] =	vst v0  }
0x235: {  	[tilespmem:$0x2EA8] =	vst v0  }
0x236: {  	[tilespmem:$0x2E98] =	vst v0  }
0x237: {  	[tilespmem:$0x2E88] =	vst v0  }
0x238: {  	[tilespmem:$0x2E78] =	vst v0  }
0x239: {  	[tilespmem:$0x2E68] =	vst v0  }
0x23a: {  	[tilespmem:$0x2E58] =	vst v0  }
0x23b: {  	[tilespmem:$0x2E48] =	vst v0  }
0x23c: {  	[tilespmem:$0x2E38] =	vst v0  }
0x23d: {  	[tilespmem:$0x2E28] =	vst v0  }
0x23e: {  	[tilespmem:$0x2E18] =	vst v0  }
0x23f: {  	[tilespmem:$0x2E08] =	vst v0  }
0x240: {  	[tilespmem:$0x2DF8] =	vst v0  }
0x241: {  	[tilespmem:$0x2DE8] =	vst v0  }
0x242: {  	[tilespmem:$0x2DD8] =	vst v0  }
0x243: {  	[tilespmem:$0x2DC8] =	vst v0  }
0x244: {  	[tilespmem:$0x2DB8] =	vst v0  }
0x245: {  	[tilespmem:$0x2DA8] =	vst v0  }
0x246: {  	[tilespmem:$0x2D98] =	vst v0  }
0x247: {  	[tilespmem:$0x2D88] =	vst v0  }
0x248: {  	[tilespmem:$0x2D78] =	vst v0  }
0x249: {  	[tilespmem:$0x2D68] =	vst v0  }
0x24a: {  	[tilespmem:$0x2D58] =	vst v0  }
0x24b: {  	[tilespmem:$0x2D48] =	vst v0  }
0x24c: {  	[tilespmem:$0x2D38] =	vst v0  }
0x24d: {  	[tilespmem:$0x2D28] =	vst v0  }
0x24e: {  	[tilespmem:$0x2D18] =	vst v0  }
0x24f: {  	[tilespmem:$0x2D08] =	vst v0  }
0x250: {  	[tilespmem:$0x2CF8] =	vst v0  }
0x251: {  	[tilespmem:$0x2CE8] =	vst v0  }
0x252: {  	[tilespmem:$0x2CD8] =	vst v0  }
0x253: {  	[tilespmem:$0x2CC8] =	vst v0  }
0x254: {  	[tilespmem:$0x2CB8] =	vst v0  }
0x255: {  	[tilespmem:$0x2CA8] =	vst v0  }
0x256: {  	[tilespmem:$0x2C98] =	vst v0  }
0x257: {  	[tilespmem:$0x2C88] =	vst v0  }
0x258: {  	[tilespmem:$0x2C78] =	vst v0  }
0x259: {  	[tilespmem:$0x2C68] =	vst v0  }
0x25a: {  	[tilespmem:$0x2C58] =	vst v0  }
0x25b: {  	[tilespmem:$0x2C48] =	vst v0  }
0x25c: {  	[tilespmem:$0x2C38] =	vst v0  }
0x25d: {  	[tilespmem:$0x2C28] =	vst v0  }
0x25e: {  	[tilespmem:$0x2C18] =	vst v0  }
0x25f: {  	[tilespmem:$0x2C08] =	vst v0  }
0x260: {  	[tilespmem:$0x2BF8] =	vst v0  }
0x261: {  	[tilespmem:$0x2BE8] =	vst v0  }
0x262: {  	[tilespmem:$0x2BD8] =	vst v0  }
0x263: {  	[tilespmem:$0x2BC8] =	vst v0  }
0x264: {  	[tilespmem:$0x2BB8] =	vst v0  }
0x265: {  	[tilespmem:$0x2BA8] =	vst v0  }
0x266: {  	[tilespmem:$0x2B98] =	vst v0  }
0x267: {  	[tilespmem:$0x2B88] =	vst v0  }
0x268: {  	[tilespmem:$0x2B78] =	vst v0  }
0x269: {  	[tilespmem:$0x2B68] =	vst v0  }
0x26a: {  	[tilespmem:$0x2B58] =	vst v0  }
0x26b: {  	[tilespmem:$0x2B48] =	vst v0  }
0x26c: {  	[tilespmem:$0x2B38] =	vst v0  }
0x26d: {  	[tilespmem:$0x2B28] =	vst v0  }
0x26e: {  	[tilespmem:$0x2B18] =	vst v0  }
0x26f: {  	[tilespmem:$0x2B08] =	vst v0  }
0x270: {  	[tilespmem:$0x2AF8] =	vst v0  }
0x271: {  	[tilespmem:$0x2AE8] =	vst v0  }
0x272: {  	[tilespmem:$0x2AD8] =	vst v0  }
0x273: {  	[tilespmem:$0x2AC8] =	vst v0  }
0x274: {  	[tilespmem:$0x2AB8] =	vst v0  }
0x275: {  	[tilespmem:$0x2AA8] =	vst v0  }
0x276: {  	[tilespmem:$0x2A98] =	vst v0  }
0x277: {  	[tilespmem:$0x2A88] =	vst v0  }
0x278: {  	[tilespmem:$0x2A78] =	vst v0  }
0x279: {  	[tilespmem:$0x2A68] =	vst v0  }
0x27a: {  	[tilespmem:$0x2A58] =	vst v0  }
0x27b: {  	[tilespmem:$0x2A48] =	vst v0  }
0x27c: {  	[tilespmem:$0x2A38] =	vst v0  }
0x27d: {  	[tilespmem:$0x2A28] =	vst v0  }
0x27e: {  	[tilespmem:$0x2A18] =	vst v0  }
0x27f: {  	[tilespmem:$0x2A08] =	vst v0  }
0x280: {  	[tilespmem:$0x29F8] =	vst v0  }
0x281: {  	[tilespmem:$0x29E8] =	vst v0  }
0x282: {  	[tilespmem:$0x29D8] =	vst v0  }
0x283: {  	[tilespmem:$0x29C8] =	vst v0  }
0x284: {  	[tilespmem:$0x29B8] =	vst v0  }
0x285: {  	[tilespmem:$0x29A8] =	vst v0  }
0x286: {  	[tilespmem:$0x2998] =	vst v0  }
0x287: {  	[tilespmem:$0x2988] =	vst v0  }
0x288: {  	[tilespmem:$0x2978] =	vst v0  }
0x289: {  	[tilespmem:$0x2968] =	vst v0  }
0x28a: {  	[tilespmem:$0x2958] =	vst v0  }
0x28b: {  	[tilespmem:$0x2948] =	vst v0  }
0x28c: {  	[tilespmem:$0x2938] =	vst v0  }
0x28d: {  	[tilespmem:$0x2928] =	vst v0  }
0x28e: {  	[tilespmem:$0x2918] =	vst v0  }
0x28f: {  	[tilespmem:$0x2908] =	vst v0  }
0x290: {  	[tilespmem:$0x28F8] =	vst v0  }
0x291: {  	[tilespmem:$0x28E8] =	vst v0  }
0x292: {  	[tilespmem:$0x28D8] =	vst v0  }
0x293: {  	[tilespmem:$0x28C8] =	vst v0  }
0x294: {  	[tilespmem:$0x28B8] =	vst v0  }
0x295: {  	[tilespmem:$0x28A8] =	vst v0  }
0x296: {  	[tilespmem:$0x2898] =	vst v0  }
0x297: {  	[tilespmem:$0x2888] =	vst v0  }
0x298: {  	[tilespmem:$0x2878] =	vst v0  }
0x299: {  	[tilespmem:$0x2868] =	vst v0  }
0x29a: {  	[tilespmem:$0x2858] =	vst v0  }
0x29b: {  	[tilespmem:$0x2848] =	vst v0  }
0x29c: {  	[tilespmem:$0x2838] =	vst v0  }
0x29d: {  	[tilespmem:$0x2828] =	vst v0  }
0x29e: {  	[tilespmem:$0x2818] =	vst v0  }
0x29f: {  	[tilespmem:$0x2808] =	vst v0  }
0x2a0: {  	[tilespmem:$0x27F8] =	vst v0  }
0x2a1: {  	[tilespmem:$0x27E8] =	vst v0  }
0x2a2: {  	[tilespmem:$0x27D8] =	vst v0  }
0x2a3: {  	[tilespmem:$0x27C8] =	vst v0  }
0x2a4: {  	[tilespmem:$0x27B8] =	vst v0  }
0x2a5: {  	[tilespmem:$0x27A8] =	vst v0  }
0x2a6: {  	[tilespmem:$0x2798] =	vst v0  }
0x2a7: {  	[tilespmem:$0x2788] =	vst v0  }
0x2a8: {  	[tilespmem:$0x2778] =	vst v0  }
0x2a9: {  	[tilespmem:$0x2768] =	vst v0  }
0x2aa: {  	[tilespmem:$0x2758] =	vst v0  }
0x2ab: {  	[tilespmem:$0x2748] =	vst v0  }
0x2ac: {  	[tilespmem:$0x2738] =	vst v0  }
0x2ad: {  	[tilespmem:$0x2728] =	vst v0  }
0x2ae: {  	[tilespmem:$0x2718] =	vst v0  }
0x2af: {  	[tilespmem:$0x2708] =	vst v0  }
0x2b0: {  	[tilespmem:$0x26F8] =	vst v0  }
0x2b1: {  	[tilespmem:$0x26E8] =	vst v0  }
0x2b2: {  	[tilespmem:$0x26D8] =	vst v0  }
0x2b3: {  	[tilespmem:$0x26C8] =	vst v0  }
0x2b4: {  	[tilespmem:$0x26B8] =	vst v0  }
0x2b5: {  	[tilespmem:$0x26A8] =	vst v0  }
0x2b6: {  	[tilespmem:$0x2698] =	vst v0  }
0x2b7: {  	[tilespmem:$0x2688] =	vst v0  }
0x2b8: {  	[tilespmem:$0x2678] =	vst v0  }
0x2b9: {  	[tilespmem:$0x2668] =	vst v0  }
0x2ba: {  	[tilespmem:$0x2658] =	vst v0  }
0x2bb: {  	[tilespmem:$0x2648] =	vst v0  }
0x2bc: {  	[tilespmem:$0x2638] =	vst v0  }
0x2bd: {  	[tilespmem:$0x2628] =	vst v0  }
0x2be: {  	[tilespmem:$0x2618] =	vst v0  }
0x2bf: {  	[tilespmem:$0x2608] =	vst v0  }
0x2c0: {  	[tilespmem:$0x25F8] =	vst v0  }
0x2c1: {  	[tilespmem:$0x25E8] =	vst v0  }
0x2c2: {  	[tilespmem:$0x25D8] =	vst v0  }
0x2c3: {  	[tilespmem:$0x25C8] =	vst v0  }
0x2c4: {  	[tilespmem:$0x25B8] =	vst v0  }
0x2c5: {  	[tilespmem:$0x25A8] =	vst v0  }
0x2c6: {  	[tilespmem:$0x2598] =	vst v0  }
0x2c7: {  	[tilespmem:$0x2588] =	vst v0  }
0x2c8: {  	[tilespmem:$0x2578] =	vst v0  }
0x2c9: {  	[tilespmem:$0x2568] =	vst v0  }
0x2ca: {  	[tilespmem:$0x2558] =	vst v0  }
0x2cb: {  	[tilespmem:$0x2548] =	vst v0  }
0x2cc: {  	[tilespmem:$0x2538] =	vst v0  }
0x2cd: {  	[tilespmem:$0x2528] =	vst v0  }
0x2ce: {  	[tilespmem:$0x2518] =	vst v0  }
0x2cf: {  	[tilespmem:$0x2508] =	vst v0  }
0x2d0: {  	[tilespmem:$0x24F8] =	vst v0  }
0x2d1: {  	[tilespmem:$0x24E8] =	vst v0  }
0x2d2: {  	[tilespmem:$0x24D8] =	vst v0  }
0x2d3: {  	[tilespmem:$0x24C8] =	vst v0  }
0x2d4: {  	[tilespmem:$0x24B8] =	vst v0  }
0x2d5: {  	[tilespmem:$0x24A8] =	vst v0  }
0x2d6: {  	[tilespmem:$0x2498] =	vst v0  }
0x2d7: {  	[tilespmem:$0x2488] =	vst v0  }
0x2d8: {  	[tilespmem:$0x2478] =	vst v0  }
0x2d9: {  	[tilespmem:$0x2468] =	vst v0  }
0x2da: {  	[tilespmem:$0x2458] =	vst v0  }
0x2db: {  	[tilespmem:$0x2448] =	vst v0  }
0x2dc: {  	[tilespmem:$0x2438] =	vst v0  }
0x2dd: {  	[tilespmem:$0x2428] =	vst v0  }
0x2de: {  	[tilespmem:$0x2418] =	vst v0  }
0x2df: {  	[tilespmem:$0x2408] =	vst v0  }
0x2e0: {  	[tilespmem:$0x23F8] =	vst v0  }
0x2e1: {  	[tilespmem:$0x23E8] =	vst v0  }
0x2e2: {  	[tilespmem:$0x23D8] =	vst v0  }
0x2e3: {  	[tilespmem:$0x23C8] =	vst v0  }
0x2e4: {  	[tilespmem:$0x23B8] =	vst v0  }
0x2e5: {  	[tilespmem:$0x23A8] =	vst v0  }
0x2e6: {  	[tilespmem:$0x2398] =	vst v0  }
0x2e7: {  	[tilespmem:$0x2388] =	vst v0  }
0x2e8: {  	[tilespmem:$0x2378] =	vst v0  }
0x2e9: {  	[tilespmem:$0x2368] =	vst v0  }
0x2ea: {  	[tilespmem:$0x2358] =	vst v0  }
0x2eb: {  	[tilespmem:$0x2348] =	vst v0  }
0x2ec: {  	[tilespmem:$0x2338] =	vst v0  }
0x2ed: {  	[tilespmem:$0x2328] =	vst v0  }
0x2ee: {  	[tilespmem:$0x2318] =	vst v0  }
0x2ef: {  	[tilespmem:$0x2308] =	vst v0  }
0x2f0: {  	[tilespmem:$0x22F8] =	vst v0  }
0x2f1: {  	[tilespmem:$0x22E8] =	vst v0  }
0x2f2: {  	[tilespmem:$0x22D8] =	vst v0  }
0x2f3: {  	[tilespmem:$0x22C8] =	vst v0  }
0x2f4: {  	[tilespmem:$0x22B8] =	vst v0  }
0x2f5: {  	[tilespmem:$0x22A8] =	vst v0  }
0x2f6: {  	[tilespmem:$0x2298] =	vst v0  }
0x2f7: {  	[tilespmem:$0x2288] =	vst v0  }
0x2f8: {  	s4 =	stileid.u32;
	[tilespmem:$0x2278] =	vst v0  }
0x2f9: {  	s0 =	smul.u32 $0x82, s4;
	[tilespmem:$0x2268] =	vst v0  }
0x2fa: {  	s1 =	smin.u32 s4, $0x4;
	[tilespmem:$0x2238] =	vst v0  }
0x2fb: {  	[tilespmem:$0x2248] =	vst v0;
	s0 =	sadd.s32 s1, s0  }
0x2fc: {  	p0 =	slt.u32 s4, $0x4;
	[tilespmem:$0x2228] =	vst v0;
	s1 =	simm.s32 $0xC480;
	s8 =	smul.u32 $0x180, s0  }
0x2fd: {  	s1 =	simm.s32 @!p0 $0xC300;
	[tilespmem:$0x21A8] =	vst v0  }
0x2fe: {  	[tilespmem:$0x2218] =	vst v0;
	s0 =	sadd.s32 s1, s8  }
0x2ff: {  	s3 =	simm.s32 $0x2;
	[tilespmem:$0x2208] =	vst v0;
	s9 =	smin.u32 s0, $0xC3500  }
0x300: {  	s11 =	simm.s32 $0x9;
	s12 =	simm.s32 $0xA;
	[tilespmem:$0x21F8] =	vst v0;
	s0 =	ssub.s32 s9, s8  }
0x301: {  	s16 =	simm.s32 $0x0;
	p4 =	por $0x0, $0x0;
	[tilespmem:$0x21E8] =	vst v0;
	p0 =	sgt.s32 s0, $0x0  }
0x302: {  	s17 =	simm.s32 $0xC;
	s21 =	simm.s32 $0x0;
	[tilespmem:$0x21C8] =	vst v0;
	s0 =	simm.s32 @!p0 $0x0  }
0x303: {  	s18 =	simm.s32 $0x0;
	s2 =	sand.u32 $0x1, s2;
	[tilespmem:$0x21B8] =	vst v0;
	s30 =	smulhi.u32 $0x2AAAAAAB, s0  }
0x304: {  	s20 =	simm.s32 $0x0;
	s31 =	sshll.u32 s4, $0x6;
	[tilespmem:$0x2188] =	vst v0;
	[dreg:$0x5] =	wrdreg s2  }
0x305: {  	s2 =	smul.u32 $0x186A0, s2;
	[tilespmem:$0x2178] =	vst v0;
	[sflag:s3] =	ssyncpa.u1 $0x0;
	s1 =	sshrl.u32 s30, $0x6  }
0x306: {  	v0 =	vimm.s32 $0xFFFFFFFF;
	s3 =	sadd.s32 $0x18A200, s6;
	[dreg:$0x4] =	wrdreg s31;
	s5 =	smul.u32 $0x180, s1  }
.Ltmp0:
0x307: {  	[tilespmem:$0x6088] =	vst v0;
	[sflag:s11] =	ssyncpa.u1 $0x0;
	s2 =	sadd.s32 s2, s6;
	(pc) =	sbr.rel .LBB2_1-.Ltmp0, $4  }
0x308: {  	[sflag:s12] =	ssyncpa.u1 $0x0;
	s12 =	simm.s32 $0xB;
	p0 =	sne.s32 s0, s5  }
0x309: {  	s6 =	sadd.s32 $0x310C00, s6;
	[sflag:s12] =	ssyncpa.u1 $0x0;
	s7 =	simm.s32 @!p0 $0x0  }
0x30a: {  	s13 =	sadd.s32 $0x159400, s2;
	s14 =	sadd.s32 $0x61C00, s2;
	s7 =	sadd.s32 s7, s1  }
0x30b: {  	v0 =	vlaneseq.u32;
	s19 =	smov.u32 s8;
	p0 =	por $0x1, $0x1;
	s15 =	sadd.s32 $0x1, s7  }
.LBB2_18:
0x30c: {  	s0 =	simm.s32 $0x2  }
0x30d: {  	_ =	swait.ge [sflag:s0], $0x0  }
0x30e: {  	[sflag:s0] =	ssyncset.done $0x0;
	s0 =	simm.s32 $0x0  }
.LBB2_19:
0x30f: {  	_ =	swait.ge [sflag:s17], s0  }
0x310: {  	s31 =	ssub.s32 $0x0, s0;
	v1 =	vmov s23;
	vm0 =	veq.s32 v0, $0x0;
	[sflag:s17] =	ssyncset.done $0x0  }
0x311: {  	vm15 =	veq.s32 v0, $0x2;
	v1 =	vsel vm0, s28, v1;
	[sflag:s17] =	ssyncadd.s32 s31  }
0x312: {  	v1 =	vsel vm15, s21, v1;
	[sflag:s17] =	ssyncpa.u1 $0x1  }
0x313: {  	[tilespmem:$0x6088] =	vst v1  }
.LBB2_20:
0x314: {  	s0 =	sadd.s32 $0x180, s19  }
0x315: {  	s1 =	smov.u32 s8;
	p1 =	slt.s32 s0, s9  }
0x316: {  	s1 =	smov.u32 @p1 s0;
	p1 =	sne.s32 s20, s15  }
.Ltmp1:
0x317: {  	_ = 	snop;
	(pc) =	sbr.rel @!p1 .LBB2_21-.Ltmp1, $4  }
0x318: {  	_ = 	snop  }
0x319: {  	s21 =	smov.u32 s18  }
0x31a: {  	s31 =	sadd.s32 $0x1, s20;
	s18 =	smov.u32 s19;
	p0 =	por !p0, !p0  }
0x31b: {  	p4 =	por !p4, !p4;
	s20 =	smov.u32 s31;
	s19 =	smov.u32 s1  }
.LBB2_1:
0x31c: {  	p2 =	sge.u32 s20, s7  }
0x31d: {  	s0 =	smulhi.u32 @!p2 $0xAAAAAAAB, s20  }
0x31e: {  	s1 =	smov.u32 s19;
	p3 =	sgt.s32 @!p2 s19, $0xC3380  }
0x31f: {  	s2 =	sshra.s32 @!p2 s19, $0x1F;
	p3 =	por !p3, p2;
	s0 =	sshrl.u32 @!p2 s0, $0x1  }
0x320: {  	s2 =	sand.u32 @!p2 s2, s19;
	s1 =	simm.s32 @p3 $0xC3380;
	s0 =	smul.u32 @!p2 $0x3, s0  }
0x321: {  	s1 =	ssub.s32 @!p2 s1, s2  }
0x322: {  	s22 =	sadd.s32 $0xFFFFFFFF, s20;
	s1 =	sadd.s32 @!p2 $0xFFF3CC80, s1;
	s0 =	ssub.s32 @!p2 s20, s0  }
0x323: {  	s2 =	sshll.u32 @!p2 s1, $0x2;
	p3 =	sgt.s32 @!p2 s1, $0x17F;
	s0 =	smul.u32 @!p2 $0x600, s0  }
0x324: {  	s5 =	sand.u32 @!p2 $0x7, s19;
	s1 =	ssub.s32 @!p2 $0x600, s2;
	p3 =	por !p3, p2  }
0x325: {  	s2 =	sshrl.u32 @!p2 s19, $0x3;
	s1 =	sshrl.u32 @!p2 s1, $0x2;
	s0 =	sshrl.u32 @!p2 s0, $0x2  }
0x326: {  	s2 =	sadd.s32 @!p2 s2, s13;
	s1 =	simm.s32 @!p3 $0x0;
	s0 =	sadd.s32 @!p2 $0x64C8, s0  }
0x327: {  	[tilespmem:s0], [sflag:$0xA] =	stream.linear.gather @!p2 [hbm4b:s2+s5], s1, $0x38;
	[tilespmem:$0x1EC48] =	vst v63  }
0x328: {  	p2 =	sge.u32 s22, s7  }
0x329: {  	p3 =	sgt.s32 @!p2 s18, $0xC3380  }
0x32a: {  	s0 =	smov.u32 s18;
	s1 =	sshra.s32 @!p2 s18, $0x1F;
	p3 =	por !p3, p2  }
0x32b: {  	s1 =	sand.u32 @!p2 s1, s18;
	s0 =	simm.s32 @p3 $0xC3380  }
0x32c: {  	s0 =	ssub.s32 @!p2 s0, s1  }
0x32d: {  	s0 =	sadd.s32 @!p2 $0xFFF3CC80, s0  }
0x32e: {  	s1 =	sshll.u32 @!p2 s0, $0x2  }
0x32f: {  	p3 =	sgt.s32 @!p2 s0, $0x17F;
	s0 =	ssub.s32 @!p2 $0x600, s1  }
0x330: {  	p3 =	por !p3, p2;
	s0 =	sshrl.u32 @!p2 s0, $0x2  }
0x331: {  	s2 =	simm.s32 @!p2 $0xA;
	s1 =	sand.u32 @!p2 $0x1, s22;
	s0 =	simm.s32 @!p3 $0x0  }
0x332: {  	s1 =	smul.u32 @!p2 $0x600, s1;
	_ =	swait.ge @!p2 [sflag:s2], s0  }
0x333: {  	s5 =	ssub.s32 @!p2 $0x0, s0;
	[sflag:s2] =	ssyncset.done @!p2 $0x0  }
0x334: {  	s1 =	sshrl.u32 @!p2 s1, $0x2;
	[sflag:s2] =	ssyncadd.s32 @!p2 s5;
	s2 =	sshrl.u32 @!p2 s18, $0x3  }
0x335: {  	s1 =	sadd.s32 @!p2 $0x6948, s1;
	s5 =	sand.u32 @!p2 $0x7, s18;
	s2 =	sadd.s32 @!p2 s2, s14  }
0x336: {  	[tilespmem:s1], [sflag:$0xB] =	stream.linear.gather @!p2 [hbm4b:s2+s5], s0, $0x38;
	[tilespmem:$0x1EC48] =	vst v63  }
0x337: {  	s0 =	ssub.s32 @!p2 $0xC3500, s18  }
0x338: {  	p3 =	slt.s32 @!p2 s0, $0x1  }
0x339: {  	p3 =	por p2, p3  }
.Ltmp2:
0x33a: {  	_ = 	snop;
	(pc) =	sbr.rel @p3 .LBB2_7-.Ltmp2, $1  }
0x33b: {  	_ =	sdelay $0x3  }
0x33c: {  	s1 =	smulhi.u32 $0xAAAAAAAB, s22;
	_ =	sdelay $0x1  }
0x33d: {  	s1 =	sshrl.u32 s1, $0x1  }
0x33e: {  	s1 =	smul.u32 $0x3, s1;
	_ =	sdelay $0x1  }
0x33f: {  	s1 =	ssub.s32 s22, s1  }
0x340: {  	s2 =	simm.s32 $0x1;
	s1 =	smul.u32 $0x600, s1  }
.Ltmp3:
0x341: {  	s2 =	simm.s32 @!p0 $0x0;
	(pc) =	sbr.rel .LBB2_4-.Ltmp3, $4  }
0x342: {  	s2 =	smul.u32 $0x30000, s2  }
0x343: {  	p3 =	slt.s32 @!p2 s0, $0x180;
	s1 =	sshrl.u32 s1, $0x2  }
0x344: {  	p2 =	por !p3, p2;
	s2 =	sshrl.u32 s2, $0x2;
	s1 =	sadd.s32 $0x64C8, s1  }
0x345: {  	s23 =	simm.s32 $0x0;
	s0 =	simm.s32 @p2 $0x180;
	s22 =	sadd.s32 $0x6C48, s2;
	v1 =	vmov s1  }
.LBB2_3:
0x346: {  	p2 =	sge.s32 s23, s0  }
.Ltmp4:
0x347: {  	_ = 	snop;
	(pc) =	sbr.rel @p2 .LBB2_7-.Ltmp4, $2  }
0x348: {  	_ =	sdelay $0x2  }
0x349: {  	s22 =	sadd.s32 $0x800, s22  }
.LBB2_4:
0x34a: {  	p2 =	sle.s32 s0, s23  }
.Ltmp5:
0x34b: {  	_ = 	snop;
	(pc) =	sbr.rel @p2 .LBB2_3-.Ltmp5, $2  }
0x34c: {  	_ =	sdelay $0x2  }
0x34d: {  	s24 =	smov.u32 s23;
	s23 =	sadd.s32 $0x10, s23  }
0x34e: {  	s1 =	ssub.s32 s0, s24  }
0x34f: {  	p2 =	slt.s32 s1, $0x10  }
0x350: {  	s1 =	simm.s32 @!p2 $0x10  }
0x351: {  	v2 =	vmov s1  }
0x352: {  	vm0 =	vgt.s32 v2, v0;
	_ =	sdelay $0x5  }
0x353: {  	v2 =	vld.idx.msk [tilespmem:v1+s24+$0x0 ss:$0x1], vm0;
	_ =	sdelay $0x2  }
0x354: {  	p2 =	slt.s32 s23, s0;
	s1 =	smov.u32 s0  }
0x355: {  	s2 =	smov.u32 s22;
	s25 =	simm.s32 $0x0;
	s1 =	smov.u32 @p2 s23  }
.LBB2_6:
0x356: {  	(v2sf) =	vpush v2, s25;
	_ =	sdelay $0xc  }
0x357: {  	s25 =	sadd.s32 $0x1, s25  }
0x358: {  	s31 =	sadd.s32 s25, s24  }
0x359: {  	p2 =	slt.s32 s31, s1;
	s5 =	spop (v2sf)  }
.Ltmp6:
0x35a: {  	s5 =	sshll.u32 s5, $0x4;
	(pc) =	sbr.rel @p2 .LBB2_6-.Ltmp6, $4  }
0x35b: {  	s5 =	sand.u32 $0x1FFFFFF0, s5  }
0x35c: {  	s5 =	sadd.s32 s6, s5  }
0x35d: {  	[tilespmem:s2], [sflag:$0x9] =	stream.linear.gather [hbm4b:s5+s16], $0x15, $0x38;
	[tilespmem:$0x1EC48] =	vst v63  }
0x35e: {  	s2 =	sadd.s32 $0x80, s2  }
.Ltmp7:
0x35f: {  	_ = 	snop;
	(pc) =	sbr.rel .LBB2_3-.Ltmp7, $1  }
0x360: {  	_ =	sdelay $0x3  }
.LBB2_7:
0x361: {  	p2 =	slt.u32 s20, $0x2  }
.Ltmp8:
0x362: {  	_ = 	snop;
	(pc) =	sbr.rel @p2 .LBB2_20-.Ltmp8, $1  }
0x363: {  	_ =	sdelay $0x3  }
0x364: {  	s0 =	ssub.s32 $0xC3500, s21;
	p2 =	sgt.s32 s21, $0xC3380  }
0x365: {  	s1 =	smov.u32 s21;
	s2 =	sshra.s32 s21, $0x1F;
	p3 =	slt.s32 s0, $0x180  }
0x366: {  	s1 =	simm.s32 @!p2 $0xC3380;
	s2 =	sand.u32 s2, s21;
	s0 =	simm.s32 @!p3 $0x180  }
0x367: {  	s1 =	ssub.s32 s1, s2;
	s0 =	smul.u32 $0x54, s0  }
0x368: {  	s1 =	sadd.s32 $0xFFF3CC80, s1  }
0x369: {  	s26 =	sshll.u32 s1, $0x2;
	s0 =	sshrl.u32 s0, $0x2  }
0x36a: {  	p2 =	sgt.s32 s1, $0x17F;
	s28 =	ssub.s32 $0x600, s26;
	_ =	swait.ge [sflag:s11], s0  }
0x36b: {  	s0 =	ssub.s32 $0x0, s0;
	s1 =	sshrl.u32 s28, $0x2;
	[sflag:s11] =	ssyncset.done $0x0  }
0x36c: {  	s1 =	simm.s32 @p2 $0x0;
	[sflag:s11] =	ssyncadd.s32 s0  }
0x36d: {  	_ =	swait.ge [sflag:s12], s1  }
0x36e: {  	s29 =	ssub.s32 $0x0, s1;
	[sflag:s12] =	ssyncset.done $0x0  }
0x36f: {  	[sflag:s12] =	ssyncadd.s32 s29  }
0x370: {  	v1 =	vld [tilespmem:$0x6088];
	_ =	sdelay $0x4  }
0x371: {  	(v2sf) =	vpush v1, $0x0  }
0x372: {  	(v2sf) =	vpush v1, $0x1  }
0x373: {  	(v2sf) =	vpush v1, $0x2;
	_ =	sdelay $0x3  }
0x374: {  	s0 =	sadd.s32 $0x180, s21  }
0x375: {  	p2 =	slt.s32 s9, s0;
	s1 =	ssub.s32 $0x186A00, s21  }
0x376: {  	s0 =	smov.u32 @p2 s9;
	p2 =	sgt.s32 s1, $0x0  }
0x377: {  	s0 =	ssub.s32 s0, s21;
	s1 =	simm.s32 @!p2 $0x0  }
0x378: {  	p2 =	slt.s32 s1, s0  }
0x379: {  	s0 =	smov.u32 @p2 s1  }
0x37a: {  	s24 =	simm.s32 $0x1;
	p2 =	slt.s32 s0, $0x1  }
.Ltmp9:
0x37b: {  	s24 =	simm.s32 @!p4 $0x0;
	(pc) =	sbr.rel @p2 .LBB2_12-.Ltmp9, $4  }
0x37c: {  	s30 =	smul.u32 $0x600, s24  }
0x37d: {  	s25 =	spop (v2sf)  }
0x37e: {  	s31 =	sshrl.u32 s30, $0x2;
	s26 =	spop (v2sf)  }
0x37f: {  	s22 =	sadd.s32 $0x6948, s31;
	s21 =	spop (v2sf)  }
0x380: {  	s1 =	smin.u32 s0, $0x10  }
0x381: {  	v1 =	vmov s1  }
0x382: {  	p3 =	sgt.s32 s0, $0x10;
	vm1 =	vgt.u32 v1, v0  }
.Ltmp10:
0x383: {  	_ = 	snop;
	(pc) =	sbr.rel @!p3 .LBB2_11-.Ltmp10, $2  }
0x384: {  	_ =	sdelay $0x2  }
0x385: {  	s28 =	simm.s32 $0x10;
	s29 =	sadd.s32 $0xFFFFFFF0, s0;
	s23 =	smov.u32 s22;
	vm0 =	vmmov vm1  }
.LBB2_10:
0x386: {  	s1 =	smin.u32 s29, $0x10;
	s28 =	sadd.s32 $0x10, s28;
	v1 =	vld.msk [tilespmem:s23+$0x0 ss:$0x1], vm1  }
0x387: {  	v2 =	vmov s1;
	p3 =	slt.s32 s28, s0  }
0x388: {  	vm1 =	vgt.u32 v2, v0  }
.Ltmp11:
0x389: {  	(pc) =	sbr.rel @p3 .LBB2_10-.Ltmp11, $3  }
0x38a: {  	_ =	sdelay $0x1  }
0x38b: {  	v1 =	vshll.u32 v1, $0x4  }
0x38c: {  	s29 =	sadd.s32 $0xFFFFFFF0, s29;
	[tilespmem:s23+$0x0] =	vst.msk vm0, v1;
	s23 =	sadd.s32 $0x10, s23;
	vm0 =	vmmov vm1  }
.LBB2_11:
0x38d: {  	_ =	sdelay $0x4  }
0x38e: {  	v1 =	vld.msk [tilespmem:s23+$0x0 ss:$0x1], vm1;
	_ =	sdelay $0x4  }
0x38f: {  	v1 =	vshll.u32 v1, $0x4  }
0x390: {  	[tilespmem:s23+$0x0] =	vst.msk vm0, v1  }
.LBB2_12:
0x391: {  	s1 =	sand.u32 $0x1, s20  }
0x392: {  	s1 =	smul.u32 $0x180, s1  }
0x393: {  	p3 =	sne.s32 s26, $0xFFFFFFFF  }
0x394: {  	v1 =	vld.msk @!p3 [tilespmem:s1+$0x6948], $0x1;
	_ =	sdelay $0x4  }
0x395: {  	(v2sf) =	vpush @!p3 v1, $0x0;
	_ =	sdelay $0xc  }
.Ltmp12:
0x396: {  	_ = 	snop;
	(pc) =	sbr.rel @p2 .LBB2_18-.Ltmp12, $4  }
0x397: {  	_ = 	snop  }
0x398: {  	s28 =	spop @!p3 (v2sf)  }
0x399: {  	s21 =	simm.s32 @!p3 $0x0;
	s23 =	smov.u32 s28  }
0x39a: {  	[sflag:s17] =	ssyncpa.u1 $0x0;
	s28 =	smov.u32 @p3 s25;
	s23 =	smov.u32 @p3 s26  }
0x39b: {  	v1 =	vld.msk [tilespmem:s22+$0x0], $0x1;
	_ =	sdelay $0x4  }
0x39c: {  	(v2sf) =	vpush v1, $0x0;
	_ =	sdelay $0xd  }
0x39d: {  	s1 =	simm.s32 @!p4 $0x0  }
0x39e: {  	s26 =	smul.u32 $0x30000, s24;
	s29 =	ssub.s32 $0x0, s0;
	s30 =	spop (v2sf)  }
0x39f: {  	s1 =	simm.s32 @p4 $0x1;
	s0 =	sadd.s32 $0x1, s29;
	p2 =	seq.s32 s28, s30  }
0x3a0: {  	[smem:$0x7FD] =	sst s1;
	s1 =	sshrl.u32 s26, $0x2;
	p3 =	sgt.s32 @!p2 s28, $0x0  }
0x3a1: {  	s24 =	sadd.s32 $0x6C58, s1;
	s1 =	smov.u32 s28;
	p3 =	por !p3, p2  }
0x3a2: {  	s1 =	simm.s32 @p3 $0x0;
	p3 =	seq.s32 s0, $0x0  }
.Ltmp13:
0x3a3: {  	_ = 	snop;
	(pc) =	sbr.rel @p3 .LBB2_15-.Ltmp13, $4  }
0x3a4: {  	_ = 	snop  }
0x3a5: {  	s25 =	simm.s32 $0x0;
	s31 =	simm.s32 @!p2 $0x1;
	s2 =	smin.u32 @!p2 s1, $0x1869FD  }
0x3a6: {  	s26 =	sadd.s32 $0x1, s22;
	s31 =	smov.u32 @p2 s25;
	s5 =	sand.u32 @!p2 $0x1FFFF8, s2  }
0x3a7: {  	s1 =	simm.s32 @!p2 $0x3068;
	s2 =	sand.u32 @!p2 $0x7, s2;
	s5 =	sadd.s32 @!p2 s3, s5  }
.LBB2_14:
0x3a8: {  	s4 =	smov.u32 s31  }
0x3a9: {  	[tilespmem:s1], [sflag:$0x2] =	stream.linear.gather @!p2 [hbm4b:s5+s2], $0x15, $0x38;
	[tilespmem:$0x1EC48] =	vst v63  }
0x3aa: {  	s0 =	sadd.s32 $0x1, s0;
	s2 =	smov.u32 s30;
	v1 =	vld.msk [tilespmem:s26+$0x0], $0x1  }
0x3ab: {  	p3 =	seq.s32 s0, $0x0;
	_ =	sdelay $0x3  }
0x3ac: {  	(v2sf) =	vpush v1, $0x0;
	_ =	sdelay $0xe  }
0x3ad: {  	s30 =	spop (v2sf)  }
0x3ae: {  	p2 =	seq.s32 s2, s30  }
0x3af: {  	p4 =	sgt.s32 @!p2 s2, $0x0;
	s1 =	sshll.u32 @!p2 s31, $0x7;
	s31 =	sadd.s32 @!p2 $0x1, s31  }
.Ltmp14:
0x3b0: {  	p4 =	por !p4, p2;
	s1 =	sshra.s32 @!p2 s1, $0x2;
	(pc) =	sbr.rel @!p3 .LBB2_14-.Ltmp14, $4  }
0x3b1: {  	s31 =	smov.u32 @p2 s4;
	s2 =	simm.s32 @p4 $0x0;
	s1 =	sadd.s32 @!p2 $0x3068, s1  }
0x3b2: {  	s2 =	smin.u32 @!p2 s2, $0x1869FD  }
0x3b3: {  	s4 =	sand.u32 @!p2 $0x1FFFF8, s2;
	s2 =	sand.u32 @!p2 $0x7, s2  }
0x3b4: {  	s26 =	sadd.s32 $0x1, s26;
	s5 =	sadd.s32 @!p2 s3, s4  }
.LBB2_15:
0x3b5: {  	s0 =	smul.u32 $0x54, s31  }
0x3b6: {  	[tilespmem:s1], [sflag:$0x2] =	stream.linear.gather @!p2 [hbm4b:s5+s2], $0x15, $0x38;
	[tilespmem:$0x1EC48] =	vst v63  }
0x3b7: {  	s31 =	simm.s32 $0x2;
	s0 =	sshrl.u32 s0, $0x2  }
0x3b8: {  	_ =	swait.ge [sflag:s31], s0  }
0x3b9: {  	s0 =	ssub.s32 $0x0, s0;
	[sflag:s31] =	ssyncset.done $0x0  }
0x3ba: {  	[sflag:s31] =	ssyncadd.s32 s0  }
0x3bb: {  	v1 =	vld.msk [tilespmem:s22+$0x0], $0x1;
	_ =	sdelay $0x4  }
0x3bc: {  	(v2sf) =	vpush v1, $0x0;
	_ =	sdelay $0xe  }
0x3bd: {  	s26 =	spop (v2sf)  }
0x3be: {  	p2 =	sne.s32 s28, s26  }
0x3bf: {  	p4 =	sne.s32 @p2 s28, s23  }
0x3c0: {  	p3 =	por !p4, !p2  }
0x3c1: {  	s0 =	simm.s32 @!p3 $0x0  }
0x3c2: {  	v1 =	vld @!p3 [tilespmem:s0+$0x3068];
	_ =	sdelay $0x2  }
0x3c3: {  	s1 =	sshll.u32 @!p3 s21, $0x7  }
0x3c4: {  	s1 =	sshra.s32 @!p3 s1, $0x2  }
0x3c5: {  	[tilespmem:s1+$0x48] =	vst.add.f32.msk @!p3 $0xffff, v1  }
0x3c6: {  	v1 =	vld.msk @!p3 [tilespmem:s0+$0x3078], $0x1f  }
0x3c7: {  	p5 =	sgt.u32 @!p3 s28, $0x1869FD  }
0x3c8: {  	p6 =	por @p2 p5, !p4  }
0x3c9: {  	p1 =	por p6, !p2;
	p6 =	por p4, !p2  }
0x3ca: {  	s4 =	sand.u32 @!p1 $0x1FFFF8, s28;
	s5 =	sshll.u32 @!p6 s21, $0x7;
	s28 =	sand.u32 @!p1 $0x7, s28  }
0x3cb: {  	s0 =	sadd.s32 @!p3 $0x48, s1;
	[tilespmem:s1+$0x58] =	vst.add.f32.msk @!p3 $0x1f, v1;
	s1 =	sadd.s32 @!p1 s3, s4;
	s4 =	sshra.s32 @!p6 s5, $0x2  }
0x3cc: {  	[hbm4b:s1+s28] =	stream.linear.scatter @!p1 [tilespmem:s0], [sflag:$0xC], $0x15, $0x38;
	[tilespmem:$0x1EC48] =	vst v63  }
0x3cd: {  	s2 =	rddreg [dreg:$0x4];
	s0 =	sadd.s32 @!p6 $0x48, s4;
	s1 =	simm.s32 @!p6 $0x1  }
0x3ce: {  	[spmem:s2] =	stream.linear.scatter @!p6 [tilespmem:s0], [sflag:$0x1], $0x15, $0x38;
	[tilespmem:$0x1EC48] =	vst v63  }
0x3cf: {  	s0 =	sadd.s32 @p2 $0x1, s21;
	_ =	swait.ge @!p6 [sflag:s1], $0x15  }
0x3d0: {  	s2 =	smulhi.u32 @p2 $0xAAAAAAAB, s0;
	[sflag:s1] =	ssyncset.done @!p6 $0x0  }
0x3d1: {  	[sflag:s1] =	ssyncadd.s32 @!p6 $0xFFFFFFEB  }
0x3d2: {  	s1 =	sshrl.u32 @p2 s2, $0x8;
	v1 =	vld @p2 [tilespmem:s24+$0xFFFFFFF0]  }
0x3d3: {  	s1 =	smul.u32 @p2 $0x180, s1;
	_ =	sdelay $0x1  }
0x3d4: {  	s1 =	ssub.s32 @p2 s0, s1  }
0x3d5: {  	s0 =	sshll.u32 @p2 s1, $0x5  }
0x3d6: {  	[tilespmem:s0+$0x48] =	vst @p2 v1  }
0x3d7: {  	v1 =	vld.msk @p2 [tilespmem:s24+$0x0], $0x1f;
	_ =	sdelay $0x4  }
0x3d8: {  	p1 =	por @p2 !p5, !p4;
	[tilespmem:s0+$0x58] =	vst.msk @p2 $0x1f, v1  }
0x3d9: {  	s28 =	sadd.s32 $0x1, s29;
	p1 =	por !p1, !p2;
	s0 =	simm.s32 @!p3 $0x0;
	v1 =	vld @!p2 [tilespmem:s24+$0xFFFFFFF0]  }
0x3da: {  	s0 =	simm.s32 @!p1 $0x54;
	p1 =	seq.s32 s28, $0x0  }
.Ltmp15:
0x3db: {  	_ = 	snop;
	(pc) =	sbr.rel @p1 .LBB2_17-.Ltmp15, $4  }
0x3dc: {  	s2 =	sshll.u32 @!p2 s21, $0x7  }
0x3dd: {  	s5 =	sadd.s32 @!p3 $0x0, s0;
	s0 =	sshra.s32 @!p2 s2, $0x2  }
0x3de: {  	s4 =	simm.s32 @p2 $0x1;
	s29 =	simm.s32 $0x0;
	s5 =	smov.u32 @p3 s25;
	[tilespmem:s0+$0x48] =	vst.add.f32.msk @!p2 $0xffff, v1  }
0x3df: {  	s29 =	smov.u32 @p2 s4;
	s21 =	smov.u32 @p2 s1;
	s25 =	smov.u32 @p2 s5;
	v1 =	vld.msk @!p2 [tilespmem:s24+$0x0], $0x1f  }
.LBB2_16:
0x3e0: {  	_ =	sdelay $0x3  }
0x3e1: {  	s22 =	sadd.s32 $0x1, s22;
	[tilespmem:s0+$0x58] =	vst.add.f32.msk @!p2 $0x1f, v1  }
0x3e2: {  	v1 =	vld.msk [tilespmem:s22+$0x0], $0x1;
	_ =	sdelay $0x4  }
0x3e3: {  	(v2sf) =	vpush v1, $0x0;
	_ =	sdelay $0xe  }
0x3e4: {  	s31 =	smov.u32 s26;
	s26 =	spop (v2sf)  }
0x3e5: {  	p2 =	sne.s32 s31, s26  }
0x3e6: {  	p5 =	sne.s32 @p2 s31, s23  }
0x3e7: {  	p4 =	por !p5, !p2  }
0x3e8: {  	s1 =	sadd.s32 @p2 $0x1, s21;
	s4 =	sadd.s32 @p2 $0x1, s29;
	s5 =	sshll.u32 @!p4 s29, $0x7  }
0x3e9: {  	s2 =	smulhi.u32 @p2 $0xAAAAAAAB, s1;
	s29 =	smov.u32 @p2 s4;
	s4 =	sshra.s32 @!p4 s5, $0x2  }
0x3ea: {  	v1 =	vld @!p4 [tilespmem:s4+$0x3068]  }
0x3eb: {  	s2 =	sshrl.u32 @p2 s2, $0x8  }
0x3ec: {  	s2 =	smul.u32 @p2 $0x180, s2  }
0x3ed: {  	s10 =	sshll.u32 @!p4 s21, $0x7  }
0x3ee: {  	p1 =	sgt.u32 @!p4 s31, $0x1869FD;
	s1 =	ssub.s32 @p2 s1, s2;
	s2 =	sshra.s32 @!p4 s10, $0x2  }
0x3ef: {  	p6 =	por @p2 p1, !p5;
	p1 =	por @p2 !p1, !p5;
	[tilespmem:s2+$0x48] =	vst.add.f32.msk @!p4 $0xffff, v1  }
0x3f0: {  	s5 =	simm.s32 @!p4 $0x0;
	p1 =	por !p1, !p2;
	v1 =	vld.msk @!p4 [tilespmem:s4+$0x3078], $0x1f  }
0x3f1: {  	s5 =	simm.s32 @!p1 $0x54  }
0x3f2: {  	s0 =	smov.u32 s21;
	p5 =	por p5, !p2;
	s5 =	sadd.s32 @!p4 s5, s25  }
0x3f3: {  	s0 =	sshll.u32 @!p5 s0, $0x7;
	p1 =	por p6, !p2;
	s5 =	smov.u32 @p4 s25  }
0x3f4: {  	s0 =	sshra.s32 @!p5 s0, $0x2;
	s25 =	smov.u32 @p2 s5;
	s5 =	sand.u32 @!p1 $0x1FFFF8, s31  }
0x3f5: {  	s10 =	sadd.s32 @!p4 $0x48, s2;
	s31 =	sand.u32 @!p1 $0x7, s31;
	[tilespmem:s2+$0x58] =	vst.add.f32.msk @!p4 $0x1f, v1;
	s2 =	sadd.s32 @!p1 s3, s5  }
0x3f6: {  	[hbm4b:s2+s31] =	stream.linear.scatter @!p1 [tilespmem:s10], [sflag:$0xC], $0x15, $0x38;
	[tilespmem:$0x1EC48] =	vst v63  }
0x3f7: {  	s0 =	sadd.s32 @!p5 $0x48, s0;
	s4 =	rddreg [dreg:$0x4];
	s2 =	simm.s32 @!p5 $0x1  }
0x3f8: {  	[spmem:s4] =	stream.linear.scatter @!p5 [tilespmem:s0], [sflag:$0x1], $0x15, $0x38;
	[tilespmem:$0x1EC48] =	vst v63  }
0x3f9: {  	_ =	swait.ge @!p5 [sflag:s2], $0x15  }
0x3fa: {  	[sflag:s2] =	ssyncset.done @!p5 $0x0  }
0x3fb: {  	s24 =	sadd.s32 $0x80, s24;
	[sflag:s2] =	ssyncadd.s32 @!p5 $0xFFFFFFEB  }
0x3fc: {  	v1 =	vld @p2 [tilespmem:s24+$0xFFFFFFF0];
	_ =	sdelay $0x3  }
0x3fd: {  	s0 =	sshll.u32 @p2 s1, $0x5  }
0x3fe: {  	[tilespmem:s0+$0x48] =	vst @p2 v1  }
0x3ff: {  	v1 =	vld.msk @p2 [tilespmem:s24+$0x0], $0x1f;
	_ =	sdelay $0x4  }
0x400: {  	[tilespmem:s0+$0x58] =	vst.msk @p2 $0x1f, v1  }
0x401: {  	s28 =	sadd.s32 $0x1, s28;
	v1 =	vld @!p2 [tilespmem:s24+$0xFFFFFFF0]  }
0x402: {  	p3 =	seq.s32 s28, $0x0  }
.Ltmp16:
0x403: {  	_ = 	snop;
	(pc) =	sbr.rel @!p3 .LBB2_16-.Ltmp16, $4  }
0x404: {  	s30 =	sshll.u32 @!p2 s21, $0x7  }
0x405: {  	s0 =	sshra.s32 @!p2 s30, $0x2  }
0x406: {  	[tilespmem:s0+$0x48] =	vst.add.f32.msk @!p2 $0xffff, v1  }
0x407: {  	s21 =	smov.u32 @p2 s1;
	v1 =	vld.msk @!p2 [tilespmem:s24+$0x0], $0x1f  }
.LBB2_17:
.Ltmp17:
0x408: {  	_ = 	snop;
	(pc) =	sbr.rel .LBB2_19-.Ltmp17, $2  }
0x409: {  	s1 =	sld [smem:$0x7FD];
	_ =	sdelay $0x2  }
0x40a: {  	s28 =	smov.u32 s26;
	p4 =	seq.s32 s1, $0x1;
	[tilespmem:s0+$0x58] =	vst.add.f32.msk @!p2 $0x1f, v1;
	s0 =	sshrl.u32 s25, $0x2  }
.LBB2_21:
0x40b: {  	_ =	sfence.sel $0x180000  }
0x40c: {  	s0 =	simm.s32 $0x9;
	[bflag:$0x0] =	sbarrier.arrive $0xFFFF  }
0x40d: {  	s24 =	simm.s32 $0xA;
	[sflag:s0] =	ssyncpa.u1 $0x1  }
0x40e: {  	s25 =	simm.s32 $0xB;
	[sflag:s24] =	ssyncpa.u1 $0x1  }
0x40f: {  	s26 =	simm.s32 $0x2;
	[sflag:s25] =	ssyncpa.u1 $0x1  }
0x410: {  	[sflag:s26] =	ssyncpa.u1 $0x1  }
0x411: {  	v0 =	vld [tilespmem:$0x6088];
	_ =	sdelay $0x4  }
0x412: {  	(v2sf) =	vpush v0, $0x0  }
0x413: {  	(v2sf) =	vpush v0, $0x1;
	_ =	sdelay $0x1  }
0x414: {  	(v2sf) =	vpush v0, $0x2;
	_ =	sdelay $0xb  }
0x415: {  	s0 =	spop (v2sf)  }
0x416: {  	s1 =	spop (v2sf)  }
0x417: {  	s2 =	smov.u32 s0;
	p0 =	sne.s32 s0, s1  }
0x418: {  	s4 =	spop (v2sf);
	s2 =	simm.s32 @!p0 $0xFFFFFFFF  }
0x419: {  	v2 =	vimm.s32 $0x1;
	v3 =	vlaneseq.u32;
	p0 =	seq.s32 s4, $0xFFFFFFFF;
	v1 =	vmov s2  }
0x41a: {  	s15 =	stileid.u32;
	v0 =	vperm.xlane v0, v2;
	p1 =	sne.s32 @!p0 s0, s1;
	v1 =	vperm.xlane v1, v3  }
0x41b: {  	vm0 =	vcmask $0x3F04;
	s6 =	simm.s32 $0x6088;
	s0 =	simm.s32 @!p0 $0x1;
	p1 =	por !p1, p0  }
0x41c: {  	s2 =	sshll.u32 s15, $0x1;
	s1 =	sshll.u32 @!p0 s4, $0x7;
	s0 =	simm.s32 @p1 $0x0;
	v0 =	vsel vm0, v1, v0  }
0x41d: {  	s5 =	sor.u32 $0x400, s2;
	s1 =	sshra.s32 @!p0 s1, $0x2;
	s0 =	sor.u32 @!p0 s0, s2;
	[tilespmem:$0x6088] =	vst v0  }
0x41e: {  	[spmem:s5] =	stream.linear.scatter [tilespmem:s6], [sflag:$0x1], $0x2, $0x38;
	[tilespmem:$0x1EC48] =	vst v63  }
0x41f: {  	s1 =	sadd.s32 @!p0 $0x48, s1;
	s0 =	sshll.u32 @!p0 s0, $0x5  }
0x420: {  	[spmem:s0] =	stream.linear.scatter @!p0 [tilespmem:s1], [sflag:$0x1], $0x20, $0x38;
	[tilespmem:$0x1EC48] =	vst v63  }
0x421: {  	s0 =	simm.s32 @!p0 $0x22  }
0x422: {  	s28 =	simm.s32 $0x1;
	s0 =	simm.s32 @p0 $0x2  }
0x423: {  	_ =	swait.ge [sflag:s28], s0  }
0x424: {  	s0 =	ssub.s32 $0x0, s0;
	[sflag:s28] =	ssyncset.done $0x0  }
0x425: {  	p0 =	sne.s32 s15, $0x0;
	[sflag:s28] =	ssyncadd.s32 s0  }
.Ltmp18:
0x426: {  	_ =	sfence.stream.spmem;
	(pc) =	sbr.rel @p0 .LBB2_38-.Ltmp18, $4  }
0x427: {  	s29 =	simm.s32 $0x3;
	[bflag:$0x0] =	sbarrier.arrive $0xFFFF  }
0x428: {  	s30 =	simm.s32 $0x4;
	[sflag:s29] =	ssyncpa.u1 $0x1  }
0x429: {  	s31 =	simm.s32 $0x3C;
	[sflag:s30] =	ssyncpa.u1 $0x1  }
0x42a: {  	s16 =	rddreg [dreg:$0x5];
	[sflag:s31] =	ssyncpa.u1 $0x1  }
0x42b: {  	_ =	sfence.stream.spmem;
	s0 =	simm.s32 $0x5  }
0x42c: {  	s1 =	simm.s32 $0x400;
	s2 =	simm.s32 $0x6098;
	[sflag:s0] =	ssyncpa.u1 $0x0  }
0x42d: {  	[tilespmem:s2], [sflag:$0x5] =	stream.linear.gather [spmem:s1], $0x20, $0x38;
	[tilespmem:$0x1EC48] =	vst v63  }
0x42e: {  	s26 =	simm.s32 $0x0;
	s28 =	simm.s32 $0x60B8  }
0x42f: {  	[tilespmem:s28], [sflag:$0x5] =	stream.linear.gather [spmem:s26], $0x400, $0x38;
	[tilespmem:$0x1EC48] =	vst v63  }
0x430: {  	_ =	swait.ge [sflag:s0], $0x420  }
0x431: {  	[sflag:s0] =	ssyncset.done $0x0  }
0x432: {  	s29 =	simm.s32 $0x0;
	[sflag:s0] =	ssyncadd.s32 $0xFFFFFBE0  }
0x433: {  	v0 =	vld.msk [tilespmem:s29+$0x6098], $0x1;
	_ =	sdelay $0x1  }
0x434: {  	s30 =	simm.s32 $0x1  }
0x435: {  	v1 =	vld.msk [tilespmem:s30+$0x6098], $0x1;
	_ =	sdelay $0x1  }
0x436: {  	(v2sf) =	vpush v0, $0x0;
	_ =	sdelay $0x2  }
0x437: {  	(v2sf) =	vpush v1, $0x0;
	_ =	sdelay $0x2  }
0x438: {  	s31 =	simm.s32 $0x2  }
0x439: {  	v0 =	vld.msk [tilespmem:s31+$0x6098], $0x1;
	_ =	sdelay $0x2  }
0x43a: {  	s6 =	simm.s32 $0xFFFFFFFF;
	s1 =	simm.s32 $0xFFFFFFFF;
	s0 =	simm.s32 $0xC  }
.LBB2_23:
0x43b: {  	s2 =	smov.u32 s6;
	s4 =	smov.u32 s1  }
0x43c: {  	s1 =	sshra.s32 s0, $0x2;
	p1 =	sne.s32 s0, $0x7C;
	s0 =	sadd.s32 $0x4, s0;
	(v2sf) =	vpush v0, $0x0  }
0x43d: {  	v0 =	vld.msk [tilespmem:s1+$0x6098], $0x1  }
.Ltmp19:
0x43e: {  	(pc) =	sbr.rel @p1 .LBB2_23-.Ltmp19, $4  }
0x43f: {  	s6 =	spop (v2sf)  }
0x440: {  	p2 =	sne.s32 s4, $0xFFFFFFFF;
	s1 =	smov.u32 s6  }
0x441: {  	p3 =	seq.s32 s6, $0xFFFFFFFF;
	s1 =	smov.u32 @p2 s4  }
0x442: {  	s6 =	smov.u32 @p3 s2;
	s1 =	smov.u32 @p3 s4  }
0x443: {  	(v2sf) =	vpush v0, $0x0;
	_ =	sdelay $0x8  }
0x444: {  	s0 =	spop (v2sf)  }
0x445: {  	p1 =	sne.s32 s1, $0xFFFFFFFF;
	s2 =	smov.u32 s0  }
0x446: {  	s9 =	simm.s32 $0x6;
	p2 =	seq.s32 s0, $0xFFFFFFFF;
	s2 =	smov.u32 @p1 s1  }
0x447: {  	s10 =	simm.s32 $0x6068;
	s2 =	smov.u32 @p2 s1;
	s1 =	spop (v2sf)  }
0x448: {  	s0 =	smov.u32 @p2 s6;
	p1 =	sne.s32 s2, $0xFFFFFFFF;
	s4 =	smov.u32 s1  }
.Ltmp20:
0x449: {  	p2 =	seq.s32 s1, $0xFFFFFFFF;
	s4 =	smov.u32 @p1 s2;
	(pc) =	sbr.rel .LBB2_25-.Ltmp20, $4  }
0x44a: {  	s11 =	simm.s32 $0x0;
	s4 =	smov.u32 @p2 s2;
	s7 =	spop (v2sf)  }
0x44b: {  	[sflag:s9] =	ssyncpa.u1 $0x0;
	p1 =	sne.s32 s4, $0xFFFFFFFF;
	s8 =	smov.u32 s7  }
0x44c: {  	s1 =	smov.u32 @p2 s0;
	p2 =	seq.s32 s7, $0xFFFFFFFF;
	s8 =	smov.u32 @p1 s4  }
0x44d: {  	s6 =	simm.s32 $0x0;
	s7 =	smov.u32 @p2 s1;
	s8 =	smov.u32 @p2 s4  }
.LBB2_31:
0x44e: {  	p1 =	sgt.u32 s12, $0x1869FD  }
0x44f: {  	p2 =	seq.s32 @!p1 s12, s8  }
0x450: {  	p1 =	por p1, p2  }
0x451: {  	p2 =	sne.s32 @!p1 s12, s7  }
0x452: {  	p1 =	por p1, !p2  }
0x453: {  	s0 =	sshll.u32 @p1 s11, $0x7  }
0x454: {  	s0 =	sand.u32 @!p1 $0x1FFFF8, s12  }
0x455: {  	s1 =	sand.u32 @!p1 $0x7, s12;
	s0 =	sadd.s32 @!p1 s3, s0  }
0x456: {  	[tilespmem:s10], [sflag:$0x6] =	stream.linear.gather @!p1 [hbm4b:s0+s1], $0x15, $0x38;
	[tilespmem:$0x1EC48] =	vst v63  }
0x457: {  	_ =	swait.ge @!p1 [sflag:s9], $0x15  }
0x458: {  	[sflag:s9] =	ssyncset.done @!p1 $0x0  }
0x459: {  	[sflag:s9] =	ssyncadd.s32 @!p1 $0xFFFFFFEB  }
0x45a: {  	v1 =	vld @!p1 [tilespmem:$0x6068];
	_ =	sdelay $0x2  }
0x45b: {  	s0 =	sshll.u32 @!p1 s11, $0x7  }
0x45c: {  	s1 =	sshrl.u32 @!p1 s0, $0x2  }
0x45d: {  	[tilespmem:s1+$0x60B8] =	vst.add.f32.msk @!p1 $0xffff, v1  }
0x45e: {  	v1 =	vld @!p1 [tilespmem:$0x6078];
	_ =	sdelay $0x4  }
0x45f: {  	[tilespmem:s1+$0x60C8] =	vst.add.f32.msk @!p1 $0xffff, v1  }
0x460: {  	s0 =	sshrl.u32 s0, $0x2;
	[tilespmem:s6+$0x6098] =	vst.msk $0x1, v0  }
0x461: {  	v0 =	vld [tilespmem:s0+$0x60B8];
	_ =	sdelay $0x2  }
0x462: {  	s31 =	sshll.u32 s6, $0x7  }
0x463: {  	s1 =	sshra.s32 s31, $0x2  }
0x464: {  	[tilespmem:s1+$0x60B8] =	vst v0  }
0x465: {  	v0 =	vld [tilespmem:s0+$0x60C8];
	_ =	sdelay $0x4  }
0x466: {  	s6 =	sadd.s32 $0x1, s6;
	[tilespmem:s1+$0x60C8] =	vst v0  }
.LBB2_32:
0x467: {  	s11 =	sadd.s32 $0x1, s11  }
0x468: {  	p1 =	sne.s32 s11, $0x20  }
.Ltmp21:
0x469: {  	_ = 	snop;
	(pc) =	sbr.rel @!p1 .LBB2_33-.Ltmp21, $1  }
0x46a: {  	_ =	sdelay $0x3  }
.LBB2_25:
0x46b: {  	v0 =	vld.msk [tilespmem:s11+$0x6098], $0x1;
	_ =	sdelay $0x4  }
0x46c: {  	(v2sf) =	vpush v0, $0x0;
	_ =	sdelay $0xe  }
0x46d: {  	s12 =	spop (v2sf)  }
0x46e: {  	p1 =	seq.s32 s12, $0xFFFFFFFF  }
.Ltmp22:
0x46f: {  	_ = 	snop;
	(pc) =	sbr.rel @p1 .LBB2_32-.Ltmp22, $1  }
0x470: {  	_ =	sdelay $0x3  }
0x471: {  	p1 =	slt.s32 s6, $0x1  }
.Ltmp23:
0x472: {  	_ = 	snop;
	(pc) =	sbr.rel @p1 .LBB2_31-.Ltmp23, $1  }
0x473: {  	_ =	sdelay $0x3  }
0x474: {  	s0 =	simm.s32 $0x6098;
	p1 =	por $0x0, $0x0  }
0x475: {  	v1 =	vld.msk @!p1 [tilespmem:s0+$0x0], $0x1;
	_ =	sdelay $0x4  }
0x476: {  	(v2sf) =	vpush @!p1 v1, $0x0;
	_ =	sdelay $0xd  }
0x477: {  	p3 =	sne.s32 s6, $0x1  }
.Ltmp24:
0x478: {  	s1 =	spop @!p1 (v2sf);
	(pc) =	sbr.rel @!p3 .LBB2_29-.Ltmp24, $4  }
0x479: {  	p2 =	seq.s32 @!p1 s12, s1  }
0x47a: {  	s13 =	simm.s32 $0x0;
	p2 =	por !p2, p1  }
0x47b: {  	s1 =	simm.s32 $0xFFFFFFFF;
	s13 =	simm.s32 @p2 $0xFFFFFFFF  }
0x47c: {  	s14 =	simm.s32 $0x1;
	s13 =	smov.u32 @p1 s1  }
.LBB2_28:
0x47d: {  	s1 =	smov.u32 s13;
	p1 =	sne.s32 s13, $0xFFFFFFFF  }
0x47e: {  	s0 =	sadd.s32 $0x1, s0;
	s13 =	smov.u32 s14;
	s14 =	sadd.s32 $0x1, s14  }
0x47f: {  	p2 =	sne.s32 s6, s14;
	v1 =	vld.msk @!p1 [tilespmem:s0+$0x0], $0x1;
	_ =	sdelay $0x4  }
0x480: {  	(v2sf) =	vpush @!p1 v1, $0x0;
	_ =	sdelay $0xe  }
.Ltmp25:
0x481: {  	s2 =	spop @!p1 (v2sf);
	(pc) =	sbr.rel @p2 .LBB2_28-.Ltmp25, $4  }
0x482: {  	p3 =	seq.s32 @!p1 s12, s2  }
0x483: {  	p3 =	por !p3, p1  }
0x484: {  	s13 =	simm.s32 @p3 $0xFFFFFFFF  }
0x485: {  	s13 =	smov.u32 @p1 s1  }
.LBB2_29:
0x486: {  	p1 =	seq.s32 s13, $0xFFFFFFFF  }
.Ltmp26:
0x487: {  	_ = 	snop;
	(pc) =	sbr.rel @p1 .LBB2_31-.Ltmp26, $1  }
0x488: {  	_ =	sdelay $0x3  }
0x489: {  	s0 =	sshll.u32 s11, $0x5  }
0x48a: {  	s0 =	sand.u32 $0x3FFFFFE0, s0  }
0x48b: {  	v0 =	vld [tilespmem:s0+$0x60B8];
	_ =	sdelay $0x2  }
0x48c: {  	s1 =	sshll.u32 s13, $0x7  }
0x48d: {  	s1 =	sshra.s32 s1, $0x2  }
0x48e: {  	[tilespmem:s1+$0x60B8] =	vst.add.f32.msk $0xffff, v0  }
0x48f: {  	v0 =	vld [tilespmem:s0+$0x60C8]  }
.Ltmp27:
0x490: {  	_ = 	snop;
	(pc) =	sbr.rel .LBB2_32-.Ltmp27, $2  }
0x491: {  	_ =	sdelay $0x2  }
0x492: {  	[tilespmem:s1+$0x60C8] =	vst.add.f32.msk $0xffff, v0  }
.LBB2_33:
0x493: {  	s0 =	simm.s32 $0x6;
	p1 =	seq.s32 s6, $0x0  }
0x494: {  	[sflag:s0] =	ssyncpa.u1 $0x1;
	v0 =	vimm.s32 @p1 $0xFFFFFFFF  }
0x495: {  	s0 =	sadd.s32 $0xFFFFFFFF, s6;
	[tilespmem:$0x64B8] =	vst @p1 v0  }
0x496: {  	v0 =	vld.msk @!p1 [tilespmem:s0+$0x6098], $0x1;
	_ =	sdelay $0x1  }
0x497: {  	v1 =	vld.msk @!p1 [tilespmem:$0x6098], $0x1;
	_ =	sdelay $0x2  }
0x498: {  	p2 =	seq.s32 @!p1 s0, $0x0;
	v0 =	vbroadcast @!p1 v0, $0x0  }
0x499: {  	vm0 =	vmmov @!p1 $0x1;
	p2 =	por !p2, p1  }
0x49a: {  	v1 =	vnsel @!p1 vm0, $0xFFFFFFFF, v1;
	vm0 =	vcmask @!p1 $0x308;
	v0 =	vpsel !p2, $0xFFFFFFFF, v0  }
0x49b: {  	p2 =	sne.s32 @!p1 s8, s7;
	v0 =	vsel @!p1 vm0, v1, v0  }
0x49c: {  	s1 =	simm.s32 @!p1 $0x60B8;
	s2 =	simm.s32 @!p1 $0x0;
	p3 =	por !p2, p1;
	[tilespmem:$0x64B8] =	vst @!p1 v0  }
0x49d: {  	[spmem:s2] =	stream.linear.scatter @!p1 [tilespmem:s1], [sflag:$0x1], $0x20, $0x38;
	[tilespmem:$0x1EC48] =	vst v63  }
0x49e: {  	s1 =	sshll.u32 @!p3 s0, $0x7  }
0x49f: {  	s1 =	sshra.s32 @!p3 s1, $0x2  }
0x4a0: {  	s2 =	simm.s32 @!p3 $0x20;
	s1 =	sadd.s32 @!p3 $0x60B8, s1  }
0x4a1: {  	[spmem:s2] =	stream.linear.scatter @!p3 [tilespmem:s1], [sflag:$0x1], $0x20, $0x38;
	[tilespmem:$0x1EC48] =	vst v63  }
0x4a2: {  	s1 =	simm.s32 @!p3 $0x1  }
0x4a3: {  	_ =	swait.ge @!p3 [sflag:s1], $0x40  }
0x4a4: {  	p1 =	por p2, p1;
	[sflag:s1] =	ssyncset.done @!p3 $0x0  }
0x4a5: {  	[sflag:s1] =	ssyncadd.s32 @!p3 $0xFFFFFFC0;
	s1 =	simm.s32 @!p1 $0x1  }
0x4a6: {  	_ =	swait.ge @!p1 [sflag:s1], $0x20  }
0x4a7: {  	s29 =	simm.s32 $0x64B8;
	[sflag:s1] =	ssyncset.done @!p1 $0x0  }
0x4a8: {  	s30 =	simm.s32 $0x400;
	s31 =	simm.s32 $0x1;
	[sflag:s1] =	ssyncadd.s32 @!p1 $0xFFFFFFE0  }
0x4a9: {  	[spmem:s30] =	stream.linear.scatter [tilespmem:s29], [sflag:$0x1], $0x10, $0x38;
	[tilespmem:$0x1EC48] =	vst v63  }
0x4aa: {  	_ =	swait.ge [sflag:s31], $0x10  }
0x4ab: {  	[sflag:s31] =	ssyncset.done $0x0  }
0x4ac: {  	p1 =	seq.s32 s16, $0x0;
	s9 =	rddreg [dreg:$0x1];
	[sflag:s31] =	ssyncadd.s32 $0xFFFFFFF0  }
0x4ad: {  	s2 =	sshll.u32 @p1 s9, $0xE;
	s8 =	rddreg [dreg:$0x2]  }
0x4ae: {  	s1 =	sadd.s32 @p1 $0x15C3C, s2;
	s2 =	sshll.u32 @p1 s8, $0x11  }
0x4af: {  	_ =	sfence.stream.spmem;
	s1 =	sor.u32 @p1 s2, s1  }
0x4b0: {  	[sflag:s1] =	ssyncadd.remote.s32 @p1 $0x1;
	s1 =	simm.s32 @p1 $0x4  }
0x4b1: {  	s4 =	simm.s32 @!p1 $0x3C;
	s2 =	sand.u32 $0xFFFFFFFE, s9;
	_ =	swait.ge @p1 [sflag:s1], $0xA  }
0x4b2: {  	s5 =	simm.s32 @!p1 $0x0;
	s2 =	sadd.s32 @!p1 $0x4, s2;
	[sflag:s1] =	ssyncset.done @p1 $0x0  }
0x4b3: {  	s7 =	simm.s32 @!p1 $0x40;
	[sflag:s1] =	ssyncadd.s32 @p1 $0xFFFFFFF6;
	s1 =	sshll.u32 @!p1 s2, $0x1A  }
0x4b4: {  	s2 =	sshll.u32 @!p1 s2, $0xD;
	s1 =	sor.u32 @!p1 s1, s8;
	_ =	swait.eq @!p1 [sflag:s4], $0x1  }
0x4b5: {  	s2 =	sor.u32 @!p1 $0x1C04, s2;
	s4 =	simm.s32 @!p1 $0x1C03;
	s1 =	sor.u32 @!p1 $0x80004000, s1  }
0x4b6: {  	[spmem:s7], [sflag:s2] =	dma.general @!p1 [spmem:s5], [sflag:s4], length:$0x8, [dreg:$0x0], stride_count:$0x0, ici_dest:s1, dma_misc:DstOpCode:WRITE  }
0x4b7: {  	p2 =	slt.s32 s0, $0x2;
	s5 =	simm.s32 @!p1 $0x80;
	s7 =	simm.s32 @!p1 $0x82  }
0x4b8: {  	[spmem:s7], [sflag:s2] =	dma.general @!p1 [spmem:s5], [sflag:s4], length:$0x2, [dreg:$0x0], stride_count:$0x0, ici_dest:s1, dma_misc:DstOpCode:WRITE  }
.Ltmp28:
0x4b9: {  	s1 =	simm.s32 @!p1 $0x3;
	(pc) =	sbr.rel @p2 .LBB2_37-.Ltmp28, $4  }
0x4ba: {  	s2 =	sshll.u32 @!p1 s9, $0xE;
	_ =	swait.ge @!p1 [sflag:s1], $0xA  }
0x4bb: {  	s4 =	sshll.u32 @!p1 s8, $0x11;
	s2 =	sadd.s32 @!p1 $0x11C3C, s2;
	[sflag:s1] =	ssyncset.done @!p1 $0x0  }
0x4bc: {  	[sflag:s1] =	ssyncadd.s32 @!p1 $0xFFFFFFF6;
	s1 =	sor.u32 @!p1 s4, s2  }
0x4bd: {  	s0 =	simm.s32 $0x0;
	[sflag:s1] =	ssyncadd.remote.s32 @!p1 $0xFFFFFFFF  }
0x4be: {  	s0 =	simm.s32 $0x6099  }
0x4bf: {  	v0 =	vld.msk [tilespmem:s0+$0x0], $0x1;
	_ =	sdelay $0x4  }
0x4c0: {  	(v2sf) =	vpush v0, $0x0;
	_ =	sdelay $0xc  }
0x4c1: {  	s1 =	sadd.s32 $0xFFFFFFFE, s6  }
0x4c2: {  	s1 =	sadd.s32 $0xFFFFFFFF, s1  }
0x4c3: {  	p2 =	sne.s32 s1, $0x0;
	s2 =	spop (v2sf)  }
.Ltmp29:
0x4c4: {  	p1 =	sgt.u32 s2, $0x1869FD;
	(pc) =	sbr.rel @!p2 .LBB2_36-.Ltmp29, $4  }
0x4c5: {  	s7 =	simm.s32 $0x0;
	s4 =	sand.u32 @!p1 $0x1FFFF8, s2  }
0x4c6: {  	s0 =	simm.s32 $0x60D8;
	s2 =	sand.u32 @!p1 $0x7, s2;
	s4 =	sadd.s32 @!p1 s3, s4  }
0x4c7: {  	[hbm4b:s4+s2] =	stream.linear.scatter @!p1 [tilespmem:s0], [sflag:$0x5], $0x15, $0x38;
	[tilespmem:$0x1EC48] =	vst v63  }
0x4c8: {  	s6 =	simm.s32 $0x609A;
	s7 =	simm.s32 @!p1 $0x54;
	s2 =	simm.s32 $0x0  }
.LBB2_35:
0x4c9: {  	v0 =	vld.msk [tilespmem:s6+$0x0], $0x1;
	s1 =	sadd.s32 $0xFFFFFFFF, s1;
	s2 =	sadd.s32 s2, s7  }
0x4ca: {  	p1 =	sne.s32 s1, $0x0;
	_ =	sdelay $0x3  }
0x4cb: {  	(v2sf) =	vpush v0, $0x0;
	_ =	sdelay $0xe  }
.Ltmp30:
0x4cc: {  	s4 =	spop (v2sf);
	(pc) =	sbr.rel @p1 .LBB2_35-.Ltmp30, $4  }
0x4cd: {  	s7 =	simm.s32 $0x0;
	p2 =	sgt.u32 s4, $0x1869FD  }
0x4ce: {  	s0 =	sadd.s32 $0x20, s0;
	s7 =	simm.s32 @!p2 $0x54;
	s5 =	sand.u32 @!p2 $0x1FFFF8, s4  }
0x4cf: {  	s6 =	sadd.s32 $0x1, s6;
	s4 =	sand.u32 @!p2 $0x7, s4;
	s5 =	sadd.s32 @!p2 s3, s5  }
0x4d0: {  	[hbm4b:s5+s4] =	stream.linear.scatter @!p2 [tilespmem:s0], [sflag:$0x5], $0x15, $0x38;
	[tilespmem:$0x1EC48] =	vst v63  }
.LBB2_36:
0x4d1: {  	s0 =	sadd.s32 s2, s7  }
0x4d2: {  	s0 =	sshrl.u32 s0, $0x2  }
.LBB2_37:
0x4d3: {  	s1 =	simm.s32 $0x5  }
0x4d4: {  	_ =	swait.ge [sflag:s1], s0  }
0x4d5: {  	s31 =	ssub.s32 $0x0, s0;
	[sflag:s1] =	ssyncset.done $0x0  }
0x4d6: {  	[sflag:s1] =	ssyncadd.s32 s31  }
0x4d7: {  	[sflag:s1] =	ssyncpa.u1 $0x1  }
.LBB2_38:
0x4d8: {  	s0 =	sor.u32 s16, s15  }
0x4d9: {  	p1 =	sne.s32 s0, $0x0  }
.Ltmp31:
0x4da: {  	_ = 	snop;
	(pc) =	sbr.rel @p1 .LBB2_53-.Ltmp31, $3  }
0x4db: {  	_ =	sdelay $0x1  }
0x4dc: {  	[bflag:$0x0] =	sbarrier.arrive $0xFFFF  }
0x4dd: {  	_ =	sfence  }
0x4de: {  	s0 =	simm.s32 $0x7  }
0x4df: {  	s1 =	simm.s32 $0x400;
	s2 =	simm.s32 $0x6098;
	[sflag:s0] =	ssyncpa.u1 $0x0  }
0x4e0: {  	[tilespmem:s2], [sflag:$0x7] =	stream.linear.gather [spmem:s1], $0x20, $0x38;
	[tilespmem:$0x1EC48] =	vst v63  }
0x4e1: {  	s30 =	simm.s32 $0x60B8;
	s1 =	simm.s32 $0x0  }
0x4e2: {  	[tilespmem:s30], [sflag:$0x7] =	stream.linear.gather [spmem:s1], $0x400, $0x38;
	[tilespmem:$0x1EC48] =	vst v63  }
.Ltmp32:
0x4e3: {  	_ = 	snop;
	(pc) =	sbr.rel .LBB2_40-.Ltmp32, $4  }
0x4e4: {  	_ =	swait.ge [sflag:s0], $0x420  }
0x4e5: {  	[sflag:s0] =	ssyncset.done $0x0  }
0x4e6: {  	s31 =	simm.s32 $0x8;
	[sflag:s0] =	ssyncadd.s32 $0xFFFFFBE0  }
0x4e7: {  	s2 =	simm.s32 $0x0;
	[sflag:s31] =	ssyncpa.u1 $0x0  }
.LBB2_46:
0x4e8: {  	p1 =	slt.u32 s0, $0x1869FE  }
0x4e9: {  	s4 =	sand.u32 @p1 $0x1FFFF8, s0  }
0x4ea: {  	s0 =	sand.u32 @p1 $0x7, s0;
	s5 =	simm.s32 @p1 $0x6068;
	s4 =	sadd.s32 @p1 s3, s4  }
0x4eb: {  	[tilespmem:s5], [sflag:$0x8] =	stream.linear.gather @p1 [hbm4b:s4+s0], $0x15, $0x38;
	[tilespmem:$0x1EC48] =	vst v63  }
0x4ec: {  	s0 =	simm.s32 @p1 $0x8  }
0x4ed: {  	_ =	swait.ge @p1 [sflag:s0], $0x15  }
0x4ee: {  	[sflag:s0] =	ssyncset.done @p1 $0x0  }
0x4ef: {  	[sflag:s0] =	ssyncadd.s32 @p1 $0xFFFFFFEB  }
0x4f0: {  	v1 =	vld @p1 [tilespmem:$0x6068];
	_ =	sdelay $0x2  }
0x4f1: {  	s0 =	sshll.u32 @p1 s2, $0x7  }
0x4f2: {  	s4 =	sshrl.u32 @p1 s0, $0x2  }
0x4f3: {  	[tilespmem:s4+$0x60B8] =	vst.add.f32.msk @p1 $0xffff, v1  }
0x4f4: {  	v1 =	vld @p1 [tilespmem:$0x6078];
	_ =	sdelay $0x3  }
0x4f5: {  	s5 =	sshll.u32 @!p1 s2, $0x7  }
0x4f6: {  	s5 =	smov.u32 @p1 s0;
	[tilespmem:s4+$0x60C8] =	vst.add.f32.msk @p1 $0xffff, v1  }
0x4f7: {  	s0 =	sshrl.u32 s5, $0x2;
	[tilespmem:s1+$0x6098] =	vst.msk $0x1, v0  }
0x4f8: {  	v0 =	vld [tilespmem:s0+$0x60B8];
	_ =	sdelay $0x2  }
0x4f9: {  	s31 =	sshll.u32 s1, $0x7  }
0x4fa: {  	s4 =	sshra.s32 s31, $0x2  }
0x4fb: {  	[tilespmem:s4+$0x60B8] =	vst v0  }
0x4fc: {  	v0 =	vld [tilespmem:s0+$0x60C8];
	_ =	sdelay $0x4  }
0x4fd: {  	s1 =	sadd.s32 $0x1, s1;
	[tilespmem:s4+$0x60C8] =	vst v0  }
.LBB2_47:
0x4fe: {  	s2 =	sadd.s32 $0x1, s2  }
0x4ff: {  	p1 =	sne.s32 s2, $0x20  }
.Ltmp33:
0x500: {  	_ = 	snop;
	(pc) =	sbr.rel @!p1 .LBB2_48-.Ltmp33, $1  }
0x501: {  	_ =	sdelay $0x3  }
.LBB2_40:
0x502: {  	v0 =	vld.msk [tilespmem:s2+$0x6098], $0x1;
	_ =	sdelay $0x4  }
0x503: {  	(v2sf) =	vpush v0, $0x0;
	_ =	sdelay $0xe  }
0x504: {  	s0 =	spop (v2sf)  }
0x505: {  	p1 =	seq.s32 s0, $0xFFFFFFFF  }
.Ltmp34:
0x506: {  	_ = 	snop;
	(pc) =	sbr.rel @p1 .LBB2_47-.Ltmp34, $1  }
0x507: {  	_ =	sdelay $0x3  }
0x508: {  	p1 =	slt.s32 s1, $0x1  }
.Ltmp35:
0x509: {  	_ = 	snop;
	(pc) =	sbr.rel @p1 .LBB2_46-.Ltmp35, $1  }
0x50a: {  	_ =	sdelay $0x3  }
0x50b: {  	s4 =	simm.s32 $0x6098;
	p1 =	por $0x0, $0x0  }
0x50c: {  	v1 =	vld.msk @!p1 [tilespmem:s4+$0x0], $0x1;
	_ =	sdelay $0x4  }
0x50d: {  	(v2sf) =	vpush @!p1 v1, $0x0;
	_ =	sdelay $0xd  }
0x50e: {  	p3 =	sne.s32 s1, $0x1  }
.Ltmp36:
0x50f: {  	s5 =	spop @!p1 (v2sf);
	(pc) =	sbr.rel @!p3 .LBB2_44-.Ltmp36, $4  }
0x510: {  	p2 =	seq.s32 @!p1 s0, s5  }
0x511: {  	s5 =	simm.s32 $0x0;
	p2 =	por !p2, p1  }
0x512: {  	s7 =	simm.s32 $0xFFFFFFFF;
	s5 =	simm.s32 @p2 $0xFFFFFFFF  }
0x513: {  	s6 =	simm.s32 $0x1;
	s5 =	smov.u32 @p1 s7  }
.LBB2_43:
0x514: {  	s7 =	smov.u32 s5;
	p1 =	sne.s32 s5, $0xFFFFFFFF  }
0x515: {  	s4 =	sadd.s32 $0x1, s4;
	s5 =	smov.u32 s6;
	s6 =	sadd.s32 $0x1, s6  }
0x516: {  	p2 =	sne.s32 s1, s6;
	v1 =	vld.msk @!p1 [tilespmem:s4+$0x0], $0x1;
	_ =	sdelay $0x4  }
0x517: {  	(v2sf) =	vpush @!p1 v1, $0x0;
	_ =	sdelay $0xe  }
.Ltmp37:
0x518: {  	s8 =	spop @!p1 (v2sf);
	(pc) =	sbr.rel @p2 .LBB2_43-.Ltmp37, $4  }
0x519: {  	p3 =	seq.s32 @!p1 s0, s8  }
0x51a: {  	p3 =	por !p3, p1  }
0x51b: {  	s5 =	simm.s32 @p3 $0xFFFFFFFF  }
0x51c: {  	s5 =	smov.u32 @p1 s7  }
.LBB2_44:
0x51d: {  	p1 =	seq.s32 s5, $0xFFFFFFFF  }
.Ltmp38:
0x51e: {  	_ = 	snop;
	(pc) =	sbr.rel @p1 .LBB2_46-.Ltmp38, $1  }
0x51f: {  	_ =	sdelay $0x3  }
0x520: {  	s0 =	sshll.u32 s2, $0x5  }
0x521: {  	s0 =	sand.u32 $0x3FFFFFE0, s0  }
0x522: {  	v0 =	vld [tilespmem:s0+$0x60B8];
	_ =	sdelay $0x2  }
0x523: {  	s4 =	sshll.u32 s5, $0x7  }
0x524: {  	s4 =	sshra.s32 s4, $0x2  }
0x525: {  	[tilespmem:s4+$0x60B8] =	vst.add.f32.msk $0xffff, v0  }
0x526: {  	v0 =	vld [tilespmem:s0+$0x60C8]  }
.Ltmp39:
0x527: {  	_ = 	snop;
	(pc) =	sbr.rel .LBB2_47-.Ltmp39, $2  }
0x528: {  	_ =	sdelay $0x2  }
0x529: {  	[tilespmem:s4+$0x60C8] =	vst.add.f32.msk $0xffff, v0  }
.LBB2_48:
0x52a: {  	p1 =	slt.s32 s1, $0x1  }
.Ltmp40:
0x52b: {  	_ = 	snop;
	(pc) =	sbr.rel @p1 .LBB2_52-.Ltmp40, $3  }
0x52c: {  	_ =	sdelay $0x1  }
0x52d: {  	s0 =	simm.s32 $0x8  }
0x52e: {  	[sflag:s0] =	ssyncpa.u1 $0x1;
	s0 =	simm.s32 $0x0  }
0x52f: {  	s2 =	simm.s32 $0x6098  }
0x530: {  	v0 =	vld.msk [tilespmem:s2+$0x0], $0x1;
	_ =	sdelay $0x4  }
0x531: {  	(v2sf) =	vpush v0, $0x0;
	_ =	sdelay $0xe  }
0x532: {  	s1 =	sadd.s32 $0xFFFFFFFF, s1;
	s4 =	spop (v2sf)  }
0x533: {  	p2 =	sne.s32 s1, $0x0;
	p1 =	sgt.u32 s4, $0x1869FD  }
.Ltmp41:
0x534: {  	s5 =	sand.u32 @!p1 $0x1FFFF8, s4;
	(pc) =	sbr.rel @!p2 .LBB2_51-.Ltmp41, $4  }
0x535: {  	s2 =	simm.s32 $0x60B8;
	s4 =	sand.u32 @!p1 $0x7, s4;
	s5 =	sadd.s32 @!p1 s3, s5  }
0x536: {  	[hbm4b:s5+s4] =	stream.linear.scatter @!p1 [tilespmem:s2], [sflag:$0x7], $0x15, $0x38;
	[tilespmem:$0x1EC48] =	vst v63  }
0x537: {  	s5 =	simm.s32 $0x0  }
0x538: {  	s4 =	simm.s32 $0x6099;
	s5 =	simm.s32 @!p1 $0x54  }
.LBB2_50:
0x539: {  	v0 =	vld.msk [tilespmem:s4+$0x0], $0x1;
	s1 =	sadd.s32 $0xFFFFFFFF, s1;
	s0 =	sadd.s32 s0, s5  }
0x53a: {  	p1 =	sne.s32 s1, $0x0;
	_ =	sdelay $0x3  }
0x53b: {  	(v2sf) =	vpush v0, $0x0;
	_ =	sdelay $0xe  }
.Ltmp42:
0x53c: {  	s6 =	spop (v2sf);
	(pc) =	sbr.rel @p1 .LBB2_50-.Ltmp42, $4  }
0x53d: {  	s5 =	simm.s32 $0x0;
	p2 =	sgt.u32 s6, $0x1869FD  }
0x53e: {  	s2 =	sadd.s32 $0x20, s2;
	s5 =	simm.s32 @!p2 $0x54;
	s7 =	sand.u32 @!p2 $0x1FFFF8, s6  }
0x53f: {  	s4 =	sadd.s32 $0x1, s4;
	s6 =	sand.u32 @!p2 $0x7, s6;
	s7 =	sadd.s32 @!p2 s3, s7  }
0x540: {  	[hbm4b:s7+s6] =	stream.linear.scatter @!p2 [tilespmem:s2], [sflag:$0x7], $0x15, $0x38;
	[tilespmem:$0x1EC48] =	vst v63  }
.LBB2_51:
0x541: {  	s0 =	sadd.s32 s0, s5  }
0x542: {  	s0 =	sshrl.u32 s0, $0x2  }
.LBB2_52:
0x543: {  	s1 =	simm.s32 $0x7  }
0x544: {  	_ =	swait.ge [sflag:s1], s0  }
0x545: {  	s31 =	ssub.s32 $0x0, s0;
	[sflag:s1] =	ssyncset.done $0x0  }
0x546: {  	[sflag:s1] =	ssyncadd.s32 s31  }
0x547: {  	[sflag:s1] =	ssyncpa.u1 $0x1  }
.LBB2_53:
0x548: {  	_ =	sfence;
	s0 =	simm.s32 $0x1  }
0x549: {  	[sflag:s0] =	ssyncpa.u1 $0x1  }
0x54a: {  	_ =	strace $0x90000053  }
0x54b: {  	[bflag:$0x2] =	sbarrier.arrive $0xFFFF  }
0x54c: {  	s0 =	rddreg [dreg:$0x3]  }
0x54d: {  	s0 =	sadd.s32 @!p0 $0x100000, s0  }
0x54e: {  	[sflag:s0] =	ssyncadd.tile.s32 @!p0 $0x1;
	_ =	shalt  }
.Lfunc_end2:
_tile_overlayer_lowered:
.L_overlay_start_2:
0x54f: {  	(tag) =	ssettag $0x2  }
0x550: {  	s0 =	rddreg [dreg:$0x0];
	s2 =	stileid.u32  }
0x551: {  	s1 =	rddreg [dreg:$0x1];
	p0 =	sne.s32 s2, $0x0  }
0x552: {  	s3 =	rddreg [dreg:$0x2];
	[bflag:$0x3] =	sbarrier.arrive $0xFFFF;
	s2 =	simm.s32 @!p0 $0x1C01  }
0x553: {  	[timem:s3], [sflag:s2] =	dma.local @!p0 [hbm:s0], s1  }
0x554: {  	s0 =	simm.s32 @!p0 $0x1  }
0x555: {  	_ =	swait.ge @!p0 [sflag:s0], s1  }
0x556: {  	s1 =	ssub.s32 @!p0 $0x0, s1;
	[sflag:s0] =	ssyncset.done @!p0 $0x0  }
0x557: {  	[sflag:s0] =	ssyncadd.s32 @!p0 s1  }
0x558: {  	[bflag:$0x3] =	sbarrier.arrive $0xFFFF  }
0x559: {  	_ =	shalt  }

// kernel: scatter_offload_async_start.3
scs
__scs_entry_jumppad:
0x0: {  	(pc) =	sbr.rel $0x88, $3  }
0x1: {  	(tag) =	ssettag $0x0;
	lr =	simm.s32 $0x1  }
0x2: {  	[smem:$0x3F90] =	sst lr;
	_ =	strace $0xD0000000  }
0x3: {  	_ = 	snop  }
0x4: {  	_ = 	snop  }
0x5: {  	_ = 	snop  }
0x6: {  	_ = 	snop  }
0x7: {  	_ = 	snop  }
__scs_overlays_trampoline_lowered:
0x8: {  	[smem:$0x3F9F] =	sst s0  }
0x9: {  	[smem:$0x3FA0] =	sst s1  }
0xa: {  	[smem:$0x3FA1] =	sst s2  }
0xb: {  	[smem:$0x3FA2] =	sst s3  }
0xc: {  	[smem:$0x3FA3] =	sst s4  }
0xd: {  	[smem:$0x3FA4] =	sst s5  }
0xe: {  	[smem:$0x3FA5] =	sst s6  }
0xf: {  	[smem:$0x3FA6] =	sst s7  }
0x10: {  	[smem:$0x3FA7] =	sst s8  }
0x11: {  	[smem:$0x3FA8] =	sst s9;
	s0 =	simm.s32 @!p0 $0x0  }
0x12: {  	s1 =	sld [smem:$0x3F8E];
	s0 =	simm.s32 @p0 $0x1  }
0x13: {  	[smem:$0x3FA9] =	sst s0;
	s0 =	simm.s32 @!p1 $0x0  }
0x14: {  	s2 =	sld [smem:$0x3F8D];
	s0 =	simm.s32 @p1 $0x1  }
0x15: {  	[smem:$0x3FAA] =	sst s0;
	s0 =	simm.s32 @!p2 $0x0  }
0x16: {  	s3 =	sld [smem:$0x3FDB];
	s0 =	simm.s32 @p2 $0x1  }
0x17: {  	s4 =	simm.s32 $0x1BF5;
	[smem:$0x3FAC] =	sst s0  }
0x18: {  	s0 =	sld [smem:$0x3F8F];
	_ =	swait.ge [sflag:s4], $0x0  }
0x19: {  	s7 =	sld [smem:$0x3F90]  }
0x1a: {  	s8 =	sadd.s32 $0xFFFFE003, lr  }
0x1b: {  	s9 =	sadd.s32 $0xFFFFFEF7, lr;
	s5 =	simm.s32 $0xFFFFFFFF;
	p2 =	slt.u32 s8, $0xFFFFF086  }
0x1c: {  	p1 =	slt.u32 s9, $0xF7A;
	s5 =	simm.s32 @!p2 $0x0  }
0x1d: {  	s5 =	simm.s32 @p1 $0x1;
	p0 =	seq.s32 s7, s2  }
0x1e: {  	s7 =	smul.u32 @!p0 $0xF7A, s2;
	p2 =	seq.s32 @!p0 s5, $0x0  }
0x1f: {  	s9 =	smul.u32 $0xF7A, s1;
	s8 =	simm.s32 @!p0 $0x1BF5;
	p2 =	por !p2, p0  }
0x20: {  	[sflag:s8] =	ssyncset.s32 @!p0 $0xFFFFF086;
	s6 =	sadd.s32 @!p0 s3, s7;
	s7 =	simm.s32 @!p0 $0x108  }
0x21: {  	s3 =	sadd.s32 s3, s9;
	s6 =	sadd.s32 @!p0 $0x88, s6;
	s7 =	simm.s32 @p2 $0x1082  }
0x22: {  	[simem:s7], [sflag:s8] =	dma.local @!p0 [hbm:s6], $0xF7A  }
0x23: {  	s9 =	sor.u32 $0xD0000000, s2;
	s6 =	simm.s32 $0x108;
	_ =	swait.ge @!p0 [sflag:s8], $0x0  }
0x24: {  	s3 =	sadd.s32 $0x88, s3;
	s6 =	simm.s32 @!p1 $0x1082;
	[sflag:s4] =	ssyncset.s32 $0xFFFFF086  }
0x25: {  	[simem:s6], [sflag:s4] =	dma.local [hbm:s3], $0xF7A  }
0x26: {  	[smem:$0x3F90] =	sst s1;
	(tag) =	ssettag s2;
	_ =	strace s9  }
0x27: {  	s1 =	sld [smem:$0x3FA0]  }
0x28: {  	s2 =	sld [smem:$0x3FA1]  }
0x29: {  	s4 =	sld [smem:$0x3FA3]  }
0x2a: {  	p0 =	seq.s32 s5, $0x0;
	s5 =	sld [smem:$0x3FA4]  }
0x2b: {  	s6 =	sld [smem:$0x3FA5]  }
0x2c: {  	s7 =	sld [smem:$0x3FA6]  }
0x2d: {  	s3 =	simm.s32 $0x108;
	s8 =	sld [smem:$0x3FA7]  }
0x2e: {  	s3 =	simm.s32 @!p0 $0x1082;
	s9 =	sld [smem:$0x3FA8]  }
0x2f: {  	lr =	sadd.s32 s0, s3;
	s0 =	sld [smem:$0x3F9F]  }
0x30: {  	s3 =	sld [smem:$0x3FA2]  }
0x31: {  	[smem:$0x3FAB] =	sst s10  }
0x32: {  	s10 =	sld [smem:$0x3FA9];
	_ =	sdelay $0x3  }
0x33: {  	p0 =	seq.s32 s10, $0x1;
	s10 =	sld [smem:$0x3FAB];
	_ =	sdelay $0x3  }
0x34: {  	[smem:$0x3FAB] =	sst s10  }
0x35: {  	s10 =	sld [smem:$0x3FAA];
	_ =	sdelay $0x3  }
0x36: {  	p1 =	seq.s32 s10, $0x1;
	s10 =	sld [smem:$0x3FAB];
	_ =	sdelay $0x3  }
0x37: {  	[smem:$0x3FAB] =	sst s10  }
0x38: {  	s10 =	sld [smem:$0x3FAC]  }
0x39: {  	_ = 	snop;
	(pc) =	sbr.ind lr, $3  }
0x3a: {  	_ = 	snop  }
0x3b: {  	_ = 	snop  }
0x3c: {  	p2 =	seq.s32 s10, $0x1;
	s10 =	sld [smem:$0x3FAB]  }
0x3d: {  	_ =	shalt  }
0x3e: {  	_ =	shalt  }
0x3f: {  	_ =	shalt  }
0x40: {  	_ =	shalt  }
0x41: {  	_ =	shalt  }
0x42: {  	_ =	shalt  }
0x43: {  	_ =	shalt  }
0x44: {  	_ =	shalt  }
0x45: {  	_ =	shalt  }
0x46: {  	_ =	shalt  }
0x47: {  	_ =	shalt  }
0x48: {  	_ =	shalt  }
0x49: {  	_ =	shalt  }
0x4a: {  	_ =	shalt  }
0x4b: {  	_ =	shalt  }
0x4c: {  	_ =	shalt  }
0x4d: {  	_ =	shalt  }
0x4e: {  	_ =	shalt  }
0x4f: {  	_ =	shalt  }
0x50: {  	_ =	shalt  }
0x51: {  	_ =	shalt  }
0x52: {  	_ =	shalt  }
0x53: {  	_ =	shalt  }
0x54: {  	_ =	shalt  }
0x55: {  	_ =	shalt  }
0x56: {  	_ =	shalt  }
0x57: {  	_ =	shalt  }
0x58: {  	_ =	shalt  }
0x59: {  	_ =	shalt  }
0x5a: {  	_ =	shalt  }
0x5b: {  	_ =	shalt  }
0x5c: {  	_ =	shalt  }
0x5d: {  	_ =	shalt  }
0x5e: {  	_ =	shalt  }
0x5f: {  	_ =	shalt  }
0x60: {  	_ =	shalt  }
0x61: {  	_ =	shalt  }
0x62: {  	_ =	shalt  }
0x63: {  	_ =	shalt  }
0x64: {  	_ =	shalt  }
0x65: {  	_ =	shalt  }
0x66: {  	_ =	shalt  }
0x67: {  	_ =	shalt  }
0x68: {  	_ =	shalt  }
0x69: {  	_ =	shalt  }
0x6a: {  	_ =	shalt  }
0x6b: {  	_ =	shalt  }
0x6c: {  	_ =	shalt  }
0x6d: {  	_ =	shalt  }
0x6e: {  	_ =	shalt  }
0x6f: {  	_ =	shalt  }
0x70: {  	_ =	shalt  }
0x71: {  	_ =	shalt  }
0x72: {  	_ =	shalt  }
0x73: {  	_ =	shalt  }
0x74: {  	_ =	shalt  }
0x75: {  	_ =	shalt  }
0x76: {  	_ =	shalt  }
0x77: {  	_ =	shalt  }
0x78: {  	_ =	shalt  }
0x79: {  	_ =	shalt  }
0x7a: {  	_ =	shalt  }
0x7b: {  	_ =	shalt  }
0x7c: {  	_ =	shalt  }
0x7d: {  	_ =	shalt  }
0x7e: {  	_ =	shalt  }
0x7f: {  	_ =	shalt  }
0x80: {  	_ =	shalt  }
0x81: {  	_ =	shalt  }
0x82: {  	_ =	shalt  }
0x83: {  	_ =	shalt  }
0x84: {  	_ =	shalt  }
0x85: {  	_ =	shalt  }
0x86: {  	_ =	shalt  }
0x87: {  	_ =	shalt  }
.Lfunc_end0:
.L_simem_size_0:
called_computation.3_lowered:
.L_overlay_start_0:
0x88: {  	s0 =	sld [smem:$0x3FD9]  }
0x89: {  	s1 =	sld [smem:$0x3FFE];
	_ =	sdelay $0x3  }
0x8a: {  	s0 =	sadd.s32 s1, s0  }
0x8b: {  	[smem:$0x3FB7] =	sst s0  }
0x8c: {  	_ = 	snop  }
0x8d: {  	s0 =	sld [smem:$0x3FD0];
	(tm) =	ssettm $0x1  }
0x8e: {  	s16 =	sld [smem:$0x3FFB];
	_ =	sdelay $0x3  }
0x8f: {  	_ =	strace s16  }
0x90: {  	s1 =	sld [smem:$0x3FFC];
	_ =	sdelay $0x3  }
0x91: {  	_ =	strace s1  }
0x92: {  	s1 =	sld [smem:$0x3FFD];
	_ =	sdelay $0x3  }
0x93: {  	_ =	strace s1  }
0x94: {  	_ =	strace $0x8FFFFFFF  }
0x95: {  	s17 =	sld [smem:$0x3FDB];
	_ =	sdelay $0x1  }
0x96: {  	s2 =	simm.s32 $_scs_section_size  }
0x97: {  	s3 =	simm.s32 $_size__tile_overlayer_lowered;
	s4 =	simm.s32 $_tile_overlayer_lowered  }
0x98: {  	s20 =	simm.s32 $0x1BFF;
	s19 =	sshll.u32 s4, $0x1;
	s1 =	sadd.s32 s2, s17  }
0x99: {  	s5 =	simm.s32 $0x0;
	s18 =	sshll.u32 s3, $0x1;
	s3 =	sadd.s32 s19, s1  }
0x9a: {  	[timem:s5], [sflag:s20] =	dma.local [hbm:s3], s18  }
0x9b: {  	_ =	swait.ge [sflag:s20], s18  }
0x9c: {  	s2 =	ssub.s32 $0x0, s18;
	[sflag:s20] =	ssyncset.done $0x0  }
0x9d: {  	[sflag:s20] =	ssyncadd.s32 s2;
	_ =	sdelay $0x1  }
0x9e: {  	s21 =	simm.s32 $0x1B8B  }
0x9f: {  	_ =	swait.ge [sflag:s21], $0x1  }
0xa0: {  	[sflag:s21] =	ssyncset.done $0x0  }
0xa1: {  	s23 =	simm.s32 $0x1B8E;
	s22 =	sld [smem:$0x3FFE];
	[sflag:s21] =	ssyncadd.s32 $0xFFFFFFFF  }
0xa2: {  	s24 =	simm.s32 $execute0_lowered;
	[smem:$0x3FD2] =	sst s23  }
0xa3: {  	s3 =	sshll.u32 s24, $0x1;
	_ =	strace $0x80000055;
	[dreg:$0x1] =	wrdreg $0xFFFFFFFF  }
0xa4: {  	s25 =	simm.s32 $_size_execute0_lowered;
	s1 =	sadd.s32 s1, s3;
	[dreg:$0x0] =	wrdreg $0x0  }
0xa5: {  	s3 =	sshll.u32 s25, $0x1;
	[dreg:$0x2] =	wrdreg s1  }
0xa6: {  	[dreg:$0x3] =	wrdreg s3  }
0xa7: {  	[dreg:$0x4] =	wrdreg $0xC0  }
0xa8: {  	_ =	task [dreg:s5], $0x5FFFF  }
0xa9: {  	[dreg:$0x1] =	wrdreg $0xFFFFFFFF  }
0xaa: {  	[dreg:$0x0] =	wrdreg $0x60  }
0xab: {  	[dreg:$0x2] =	wrdreg s0  }
0xac: {  	[dreg:$0x3] =	wrdreg s22  }
0xad: {  	[dreg:$0x4] =	wrdreg $0x9  }
0xae: {  	_ =	task.clear_ibuf [dreg:s5], $0x5FFFF;
	_ =	strace $0x90000055  }
0xaf: {  	s26 =	simm.s32 $0x9;
	_ =	strace $0x80000057  }
0xb0: {  	_ =	swait.ge [sflag:s26], $0x1  }
0xb1: {  	[sflag:s26] =	ssyncadd.s32 $0xFFFFFFFF  }
0xb2: {  	_ =	strace $0x90000057  }
0xb3: {  	_ =	sfence  }
0xb4: {  	s28 =	sld [smem:$0x0];
	_ =	sdelay $0x1  }
0xb5: {  	s29 =	srdreg.scid  }
0xb6: {  	s30 =	sshll.u32 s29, $0xD;
	s31 =	sshrl.u32 s29, $0x2  }
0xb7: {  	s2 =	sand.u32 $0x4000, s30;
	s1 =	sand.u32 $0x1, s29;
	s0 =	sadd.s32 s31, s28  }
0xb8: {  	s1 =	sor.u32 s2, s1;
	s0 =	sshll.u32 s0, $0x11  }
0xb9: {  	s0 =	sor.u32 s0, s1  }
0xba: {  	s0 =	sadd.s32 $0x8F2B, s0  }
0xbb: {  	[sflag:s0] =	ssyncadd.remote.s32 $0x1  }
0xbc: {  	_ =	sfence.sel $0xFFFF  }
0xbd: {  	[dreg:$0x0] =	wrdreg $0xFFFFFFFF;
	(pc) =	sbr.abs _section_cstart, $3  }
0xbe: {  	[dreg:$0x1] =	wrdreg $0xFFFFFFFF  }
0xbf: {  	_ =	task.clear_ibuf [dreg:s5], $0x2FFFF;
	_ =	strace $0x9FFFFFFF  }
0xc0: {  	(tm) =	ssettm $0x7FFFFFFF  }
0xc1: {  	_ =	shalt  }
tec
execute0_lowered:
.L_overlay_start_1:
0x0: {  	(tag) =	ssettag $0x1  }
0x1: {  	s1 =	rddreg [dreg:$0x0];
	s14 =	stileid.u32  }
0x2: {  	s6 =	rddreg [dreg:$0x1];
	s0 =	smul.u32 $0xC, s14  }
0x3: {  	_ =	strace $0x80000056;
	s2 =	simm.s32 $0x1;
	s3 =	smin.u32 s14, $0x8  }
0x4: {  	[sflag:s2] =	ssyncpa.u1 $0x0;
	s0 =	sadd.s32 s3, s0  }
0x5: {  	v1 =	vimm.s32 $0xFFFFFFFF;
	p0 =	slt.u32 s14, $0x8;
	s4 =	smul.u32 $0x1F40, s0;
	s0 =	simm.s32 $0x19640  }
0x6: {  	[tilespmem:$0x10] =	vst v1;
	s0 =	simm.s32 @!p0 $0x17700  }
0x7: {  	v0 =	vimm.f32 $0.0e+00;
	[tilespmem:$0x20] =	vst v1;
	s0 =	sadd.s32 s0, s4  }
0x8: {  	[tilespmem:$0x30] =	vst v0;
	s5 =	smin.u32 s0, $0x186A00  }
0x9: {  	s7 =	simm.s32 $0x2;
	s8 =	simm.s32 $0x8;
	[tilespmem:$0x40] =	vst v0;
	s0 =	ssub.s32 s5, s4  }
0xa: {  	s31 =	simm.s32 $0x9;
	s16 =	simm.s32 $0x0;
	[tilespmem:$0x50] =	vst v0;
	p0 =	sgt.s32 s0, $0x0  }
0xb: {  	s17 =	simm.s32 $0xF0;
	s18 =	simm.s32 $0xFFFFFFFF;
	[tilespmem:$0x60] =	vst v1;
	s0 =	simm.s32 @!p0 $0x0  }
0xc: {  	s19 =	simm.s32 $0xFFFFC280;
	s20 =	simm.s32 $0xFFFFFFFE;
	[tilespmem:$0x70] =	vst v1;
	s30 =	smulhi.u32 $0x10624DD3, s0  }
0xd: {  	s21 =	simm.s32 $0xF;
	s22 =	simm.s32 $0x30;
	s25 =	simm.s32 $0x0;
	[tilespmem:$0x80] =	vst v1  }
0xe: {  	s24 =	simm.s32 $0x0;
	s6 =	sadd.s32 $0x98E00, s6;
	v1 =	vimm.s32 $0x0;
	[tilespmem:$0xB0] =	vst v0;
	s3 =	sshrl.u32 s30, $0x9  }
0xf: {  	s10 =	sshll.u32 s14, $0x1;
	s14 =	sshllo.u32 s14, $0x1;
	[tilespmem:$0x90] =	vst v1;
	s9 =	smul.u32 $0x1F40, s3  }
.Ltmp0:
0x10: {  	[tilespmem:$0xA0] =	vst v1;
	[sflag:s7] =	ssyncpa.u1 $0x0;
	s7 =	simm.s32 $0x7;
	(pc) =	sbr.rel .LBB2_1-.Ltmp0, $4  }
0x11: {  	s13 =	sor.u32 $0x81, s10;
	[sflag:s7] =	ssyncpa.u1 $0x0;
	p0 =	sne.s32 s0, s9  }
0x12: {  	s15 =	sor.u32 $0x80, s10;
	[sflag:s8] =	ssyncpa.u1 $0x0;
	s2 =	simm.s32 @!p0 $0x0  }
0x13: {  	vm0 =	vmmov $0xffff;
	v2 =	vlaneseq.u32;
	[sflag:s31] =	ssyncpa.u1 $0x0;
	s23 =	smov.u32 s4;
	s9 =	sadd.s32 s2, s3  }
0x14: {  	vm1 =	vmxor vm1, vm1;
	vm2 =	vmmov $0x1;
	vm3 =	vcmask $0x3F3C;
	p0 =	por $0x0, $0x0;
	s11 =	sadd.s32 $0x1, s9;
	s12 =	sadd.s32 $0x2, s9  }
.LBB2_9:
0x15: {  	p1 =	slt.u32 s24, $0x3  }
0x16: {  	s0 =	simm.s32 @!p1 $0x2  }
0x17: {  	_ =	swait.ge @!p1 [sflag:s0], $0x1F40  }
0x18: {  	[sflag:s0] =	ssyncset.done @!p1 $0x0  }
0x19: {  	[sflag:s0] =	ssyncadd.s32 @!p1 $0xFFFFE0C0;
	s0 =	simm.s32 @!p1 $0x9  }
0x1a: {  	_ =	swait.ge @!p1 [sflag:s0], $0x10  }
0x1b: {  	[sflag:s0] =	ssyncset.done @!p1 $0x0  }
0x1c: {  	[sflag:s0] =	ssyncadd.s32 @!p1 $0xFFFFFFF0;
	p1 =	sne.s32 s24, s12  }
.Ltmp1:
0x1d: {  	s2 =	sadd.s32 $0x1F40, s23;
	(pc) =	sbr.rel @!p1 .LBB2_10-.Ltmp1, $4  }
0x1e: {  	s3 =	smov.u32 s4;
	s31 =	sadd.s32 $0x1, s24;
	s17 =	sadd.s32 $0x1F40, s17  }
0x1f: {  	s18 =	sadd.s32 $0x1, s18;
	s25 =	smov.u32 s23;
	p2 =	slt.s32 s2, s5  }
0x20: {  	p0 =	por !p0, !p0;
	s19 =	sadd.s32 $0x1F40, s19;
	s3 =	smov.u32 @p2 s2  }
0x21: {  	s20 =	sadd.s32 $0x1, s20;
	s23 =	smov.u32 s3;
	s24 =	smov.u32 s31  }
.LBB2_1:
0x22: {  	p1 =	sge.u32 s24, s9  }
0x23: {  	s0 =	smulhi.u32 @!p1 $0xAAAAAAAB, s24;
	_ =	sdelay $0x1  }
0x24: {  	s0 =	sshrl.u32 @!p1 s0, $0x1  }
0x25: {  	s0 =	smul.u32 @!p1 $0x3, s0;
	_ =	sdelay $0x1  }
0x26: {  	s0 =	ssub.s32 @!p1 s24, s0  }
0x27: {  	s0 =	smul.u32 @!p1 $0x7D00, s0;
	_ =	sdelay $0x1  }
0x28: {  	s2 =	sshrl.u32 @!p1 s23, $0x3;
	s0 =	sshrl.u32 @!p1 s0, $0x2  }
0x29: {  	s3 =	sand.u32 @!p1 $0x7, s23;
	s2 =	sadd.s32 @!p1 s6, s2;
	s0 =	sadd.s32 @!p1 $0x100, s0  }
0x2a: {  	[tilespmem:s0], [sflag:$0x7] =	stream.linear.gather @!p1 [hbm4b:s2+s3], $0x1F40, $0x38;
	[tilespmem:$0x11A60] =	vst v63  }
0x2b: {  	s0 =	sadd.s32 $0xFFFFFFFF, s24  }
0x2c: {  	p1 =	sge.u32 s0, s9  }
.Ltmp2:
0x2d: {  	_ = 	snop;
	(pc) =	sbr.rel @p1 .LBB2_5-.Ltmp2, $1  }
0x2e: {  	_ =	sdelay $0x3  }
0x2f: {  	s2 =	smulhi.u32 $0xAAAAAAAB, s0;
	_ =	sdelay $0x1  }
0x30: {  	s2 =	sshrl.u32 s2, $0x1  }
0x31: {  	s2 =	smul.u32 $0x3, s2;
	_ =	sdelay $0x1  }
0x32: {  	s2 =	ssub.s32 s0, s2  }
0x33: {  	s2 =	smul.u32 $0x7D00, s2  }
0x34: {  	_ =	swait.ge [sflag:s7], $0x1F40  }
0x35: {  	[sflag:s7] =	ssyncset.done $0x0;
	s2 =	sshrl.u32 s2, $0x2  }
0x36: {  	[sflag:s7] =	ssyncadd.s32 $0xFFFFE0C0;
	(ifvalue) =	ssetifvalue $0xFFFFFFFF;
	v3 =	vld.msk [tilespmem:s2+$0x100 ss:$0x1], $0xffff;
	_ =	sdelay $0x2  }
0x37: {  	s30 =	smulhi.u32 $0xAAAAAAAB, s18;
	p1 =	sne.s32 s24, $0x1  }
0x38: {  	v4 =	vimm.s32 @!p1 $0x0  }
0x39: {  	s2 =	sshrl.u32 s30, $0x1;
	v4 =	vperm.xlane @!p1 v3, v4  }
0x3a: {  	s3 =	sshll.u32 s24, $0x4;
	s2 =	smul.u32 $0xFFFE8900, s2;
	vm4 =	vlt.u32 v3, $0x18800  }
0x3b: {  	s3 =	sand.u32 $0x10, s3;
	v3 =	vnsel vm4, $0xFFFFFFFE, v3;
	vm4 =	vlt.u32 @!p1 v4, $0x18800  }
0x3c: {  	s2 =	sshra.s32 s2, $0x2;
	[tilespmem:s3+$0x60] =	vst v3;
	v3 =	vnsel @!p1 vm4, $0xFFFFFFFE, v4  }
0x3d: {  	s28 =	sadd.s32 s2, s17;
	[tilespmem:$0x80] =	vst @!p1 v3  }
0x3e: {  	v3 =	vld.msk [tilespmem:s28+$0x0 ss:$0x1], $0xffff;
	_ =	sdelay $0x4  }
0x3f: {  	(xrf1) =	vunique.msk.u32 $0xffff, v3;
	_ =	sdelay $0xd  }
0x40: {  	v4 =	vimm.s32 $0xFFFFFFFF;
	v5, _, _ =	vpop (xrf1)  }
0x41: {  	vm5 =	vne.s32 v3, v4;
	vm4 =	veq.s32 v5, v2  }
0x42: {  	vm6 =	vlt.u32 v3, $0x18800;
	vm4 =	vmand vm5, vm4  }
0x43: {  	vm4 =	vmand vm6, vm4  }
0x44: {  	v4 =	vnsel vm4, $0xFFFFFFFF, v3  }
0x45: {  	s31 =	sand.u32 $0x1, s0  }
0x46: {  	s0 =	simm.s32 $0x1F40;
	p1 =	seq.s32 s31, $0x1  }
0x47: {  	s0 =	simm.s32 @!p1 $0x0  }
0x48: {  	s26 =	sadd.s32 $0x7DF0, s0;
	(ifvalue) =	ssetifvalue $0xFFFFFFFF  }
0x49: {  	v3 =	vperm.xlane v3, v1;
	[tilespmem:s26], [sflag:$0x8] =	stream.indirect_vreg.gather [hbm4b:s1+s16], $0x1, v4, vm0, $0x4038;
	v4 =	vnsel vm6, $0xFFFFFFFE, v4;
	[tilespmem:$0x11A60] =	vst v63  }
0x4a: {  	s2 =	simm.s32 $0x0;
	s3 =	sadd.s32 $0xFFFFFFF0, s28;
	[tilespmem:s28+$0x0] =	vst v4  }
.LBB2_3:
0x4b: {  	v4 =	vld.msk [tilespmem:s3+$0x0 ss:$0x1], $0xffff;
	s2 =	sadd.s32 $0x10, s2;
	v5 =	vmov v3;
	s28 =	smov.u32 s3  }
0x4c: {  	p1 =	slt.u32 s2, $0x1F30;
	_ =	sdelay $0x4  }
0x4d: {  	v3 =	vperm.xlane v4, v1;
	(xrf1) =	vunique.msk.u32 $0xffff, v4;
	_ =	sdelay $0xd  }
0x4e: {  	v6, _, _ =	vpop (xrf1)  }
0x4f: {  	vm5 =	vne.s32 v4, v5;
	vm4 =	veq.s32 v6, v2  }
0x50: {  	vm6 =	vlt.u32 v4, $0x18800;
	vm4 =	vmand vm5, vm4  }
0x51: {  	vm4 =	vmand vm6, vm4  }
0x52: {  	v4 =	vnsel vm4, $0xFFFFFFFF, v4  }
.Ltmp3:
0x53: {  	v5 =	vnsel vm6, $0xFFFFFFFE, v4;
	(pc) =	sbr.rel @p1 .LBB2_3-.Ltmp3, $3  }
0x54: {  	_ =	sdelay $0x1  }
0x55: {  	s3 =	sadd.s32 $0xFFFFFFF0, s3;
	s26 =	sadd.s32 $0xFFFFFFF0, s26;
	(ifvalue) =	ssetifvalue $0xFFFFFFFF  }
0x56: {  	[tilespmem:s26], [sflag:$0x8] =	stream.indirect_vreg.gather [hbm4b:s1+s16], $0x1, v4, vm0, $0x4038;
	[tilespmem:s28+$0x0] =	vst v5  }
0x57: {  	s2 =	sshrl.u32 s25, $0x3;
	s3 =	rddreg [dreg:$0x1]  }
0x58: {  	s0 =	sadd.s32 $0x9D40, s0;
	s2 =	sadd.s32 s3, s2  }
0x59: {  	[tilespmem:s0], [sflag:$0x8] =	stream.linear.gather [hbm:s2], $0x1F40, $0x38;
	[tilespmem:$0x11A60] =	vst v63  }
.LBB2_5:
0x5a: {  	p1 =	slt.u32 s24, $0x2  }
0x5b: {  	p2 =	sge.u32 @!p1 s24, s12  }
0x5c: {  	p1 =	por p1, p2  }
.Ltmp4:
0x5d: {  	_ = 	snop;
	(pc) =	sbr.rel @p1 .LBB2_9-.Ltmp4, $1  }
0x5e: {  	_ =	sdelay $0x3  }
0x5f: {  	s0 =	sadd.s32 $0xFFFFFFFE, s24  }
0x60: {  	s2 =	smulhi.u32 $0xAAAAAAAB, s0;
	_ =	sdelay $0x1  }
0x61: {  	s2 =	sshrl.u32 s2, $0x1  }
0x62: {  	s2 =	smul.u32 $0x3, s2;
	_ =	sdelay $0x1  }
0x63: {  	s0 =	ssub.s32 s0, s2  }
0x64: {  	_ =	swait.ge [sflag:s8], $0x3E80;
	s0 =	smul.u32 $0x1F40, s0  }
0x65: {  	p1 =	sne.s32 s24, s11;
	[sflag:s8] =	ssyncset.done $0x0  }
0x66: {  	[sflag:s8] =	ssyncadd.s32 $0xFFFFC180;
	s2 =	sadd.s32 @!p1 $0x203F, s0  }
0x67: {  	[spmem:s13] =	stream.linear.scatter @!p1 [tilespmem:s2], [sflag:$0x1], $0x1, $0x38;
	[tilespmem:$0x11A60] =	vst v63  }
0x68: {  	s2 =	simm.s32 @!p1 $0x1  }
0x69: {  	_ =	swait.ge @!p1 [sflag:s2], $0x1  }
0x6a: {  	s3 =	sshll.u32 s24, $0x4;
	[sflag:s2] =	ssyncset.done @!p1 $0x0  }
0x6b: {  	s25 =	sand.u32 $0x10, s3;
	[sflag:s2] =	ssyncadd.s32 @!p1 $0xFFFFFFFF  }
0x6c: {  	s2 =	sxor.u32 $0x10, s25;
	v4 =	vld [tilespmem:s25+$0x10]  }
0x6d: {  	v5 =	vld [tilespmem:s2+$0x60]  }
0x6e: {  	v3 =	vld [tilespmem:$0x80];
	_ =	sdelay $0x2  }
0x6f: {  	(v2sf) =	vpush v4, $0x0  }
0x70: {  	(v2sf) =	vpush v5, $0x0  }
0x71: {  	(v2sf) =	vpush v3, $0x0;
	_ =	sdelay $0xc  }
0x72: {  	s3 =	spop (v2sf)  }
0x73: {  	s26 =	spop (v2sf)  }
0x74: {  	s28 =	spop (v2sf)  }
0x75: {  	p2 =	seq.s32 s3, s26;
	p3 =	seq.s32 s28, s3  }
0x76: {  	p3 =	por p2, p3  }
0x77: {  	s26 =	sand.u32 $0x1, s24;
	v4 =	vpsel p3, $0xFFFFFFFF, v4  }
0x78: {  	s29 =	smul.u32 $0x1F40, s26;
	[tilespmem:s25+$0x10] =	vst.msk $0x1, v4  }
0x79: {  	v4 =	vld [tilespmem:$0x30]  }
0x7a: {  	v5 =	vld [tilespmem:s29+$0x9D40]  }
0x7b: {  	v6 =	vld [tilespmem:s25+$0x40];
	_ =	sdelay $0x3  }
0x7c: {  	vm4 =	vmmov vm1;
	v5 =	vadd.f32 v5, v4  }
0x7d: {  	vm5 =	vmmov vm2;
	vm4 =	vmmov @p2 vm2;
	s3 =	sshll.u32 s26, $0x4;
	v4 =	vadd.f32 v6, v4  }
0x7e: {  	s26 =	sor.u32 $0x11A40, s3;
	vm5 =	vmmov @p3 vm1;
	[tilespmem:s29+$0x9D40] =	vst.msk vm4, v5  }
0x7f: {  	[tilespmem:s26+$0x0] =	vst.msk vm5, v4  }
0x80: {  	v4 =	vld [tilespmem:s29+$0x7DF0];
	_ =	sdelay $0x3  }
0x81: {  	v5 =	vimm.f32 $0.0e+00  }
0x82: {  	v4 =	vshift.insert v4, v5, s21  }
0x83: {  	s3 =	sor.u32 $0x40, s2  }
0x84: {  	[tilespmem:s3+$0x0] =	vst.msk $0x1, v4  }
0x85: {  	[tilespmem:s29+$0x7DFF] =	vst.msk $0x1, v5  }
0x86: {  	v4 =	vld [tilespmem:s0+$0x2030];
	_ =	sdelay $0x1  }
0x87: {  	s3 =	smulhi.u32 $0xAAAAAAAB, s20;
	s0 =	simm.s32 $0x1  }
0x88: {  	s0 =	simm.s32 @!p0 $0x0  }
0x89: {  	s3 =	sshrl.u32 s3, $0x1;
	s0 =	smul.u32 $0x7D00, s0  }
0x8a: {  	s3 =	smul.u32 $0xFFFE8900, s3;
	v4 =	vshift.insert v4, v1, s21  }
0x8b: {  	s0 =	sshrl.u32 s0, $0x2  }
0x8c: {  	s3 =	sshra.s32 s3, $0x2;
	s30 =	sadd.s32 $0x9D40, s0;
	[tilespmem:s2+$0x10] =	vst.msk $0x1, v4  }
0x8d: {  	s3 =	sadd.s32 s3, s19;
	v6 =	vld [tilespmem:s30+$0x0]  }
0x8e: {  	v7 =	vld [tilespmem:s3+$0x0];
	_ =	sdelay $0x3  }
0x8f: {  	v5 =	vadd.f32 v6, v5  }
0x90: {  	vm4 =	vne.s32 v7, $0xFFFFFFFF  }
0x91: {  	(xrf2) =	vadd.seg.scan.f32 vm4, v5;
	_ =	sdelay $0x3  }
0x92: {  	s31 =	sadd.s32 $0x5EC0, s0;
	v5 =	vperm.xlane v4, v1  }
0x93: {  	v6 =	vld [tilespmem:s31+$0x0]  }
0x94: {  	vm5 =	veq.s32 v7, v3;
	vm6 =	veq.s32 v7, v5  }
0x95: {  	vm7 =	vgt.u32 v7, $0xFFFFFFFD;
	vm6 =	vmor vm6, vm5  }
0x96: {  	vm6 =	vmor vm6, vm7  }
0x97: {  	v9 =	vld [tilespmem:$0xA0];
	v7 =	vsel vm6, $0xFFFFFFFF, v7  }
0x98: {  	v10 =	vld [tilespmem:$0x90];
	v6 =	vsel vm5, $0x0, v6;
	v8, _, _ =	vpop (xrf2)  }
0x99: {  	v6 =	vadd.f32 v8, v6  }
0x9a: {  	s0 =	sadd.s32 $0xDBC0, s0  }
0x9b: {  	vm4 =	vmand vm4, vm3;
	[tilespmem:s0+$0x0] =	vst v6;
	(ifvalue) =	ssetifvalue $0xFFFFFFFF  }
0x9c: {  	vm6 =	veq.s32 v9, $0x1;
	[hbm4b:s1+s16] =	stream.indirect_vreg.scatter [tilespmem:s0], [sflag:$0x2], $0x1, v7, vm0, $0x4038;
	v7 =	vsel vm4, $0x0, v8;
	[tilespmem:$0x11A60] =	vst v63  }
0x9d: {  	s2 =	simm.s32 $0x0;
	s3 =	sadd.s32 $0x10, s3;
	vm4 =	vmor vm6, vm5;
	v6 =	vsel vm5, v8, v10;
	v7 =	vshift.insert v7, v0, s21  }
.LBB2_7:
0x9e: {  	v8 =	vld [tilespmem:s3+$0x0];
	s30 =	sadd.s32 $0x10, s30  }
0x9f: {  	s31 =	sadd.s32 $0x10, s31;
	v9 =	vld [tilespmem:s30+$0x0]  }
0xa0: {  	s2 =	sadd.s32 $0x10, s2;
	v10 =	vld [tilespmem:s31+$0x0]  }
0xa1: {  	p2 =	slt.u32 s2, $0x1F30;
	_ =	sdelay $0x2  }
0xa2: {  	v7 =	vadd.f32 v9, v7  }
0xa3: {  	vm5 =	vne.s32 v8, $0xFFFFFFFF  }
0xa4: {  	vm6 =	vmand vm5, vm3;
	(xrf2) =	vadd.seg.scan.f32 vm5, v7;
	_ =	sdelay $0x5  }
0xa5: {  	vm7 =	veq.s32 v8, v5;
	vm5 =	veq.s32 v8, v3  }
0xa6: {  	vm8 =	vgt.u32 v8, $0xFFFFFFFD;
	vm4 =	vmor vm4, vm5;
	vm7 =	vmor vm7, vm5  }
0xa7: {  	vm7 =	vmor vm7, vm8  }
0xa8: {  	v8 =	vsel vm7, $0xFFFFFFFF, v8  }
.Ltmp5:
0xa9: {  	v7 =	vsel vm5, $0x0, v10;
	v9, _, _ =	vpop (xrf2);
	(pc) =	sbr.rel @p2 .LBB2_7-.Ltmp5, $4  }
0xaa: {  	v6 =	vsel vm5, v9, v6;
	v10 =	vadd.f32 v9, v7;
	v7 =	vsel vm6, $0x0, v9  }
0xab: {  	s0 =	sadd.s32 $0x10, s0;
	v7 =	vshift.insert v7, v0, s21  }
0xac: {  	s3 =	sadd.s32 $0x10, s3;
	[tilespmem:s0+$0x0] =	vst v10;
	(ifvalue) =	ssetifvalue $0xFFFFFFFF  }
0xad: {  	[hbm4b:s1+s16] =	stream.indirect_vreg.scatter [tilespmem:s0], [sflag:$0x2], $0x1, v8, vm0, $0x4038;
	[tilespmem:$0x11A60] =	vst v63  }
0xae: {  	v3 =	vld [tilespmem:s29+$0xFAF0];
	_ =	sdelay $0x4  }
0xaf: {  	v3 =	vshift.insert v3, v0, s21;
	_ =	sdelay $0x1  }
0xb0: {  	[tilespmem:s22+$0x0] =	vst.msk $0x1, v3  }
0xb1: {  	v3 =	vsel vm4, $0x1, v1;
	[tilespmem:$0x90] =	vst v6  }
0xb2: {  	s0 =	sadd.s32 @!p1 $0xFAFF, s29;
	[tilespmem:$0xA0] =	vst v3  }
0xb3: {  	[spmem:s14] =	stream.linear.scatter @!p1 [tilespmem:s0], [sflag:$0x1], $0x1, $0x38;
	[tilespmem:$0x11A60] =	vst v63  }
0xb4: {  	s0 =	simm.s32 @!p1 $0x1  }
0xb5: {  	v3 =	vmctz.xlane @!p1 vm4;
	_ =	swait.ge @!p1 [sflag:s0], $0x1  }
0xb6: {  	(v2sf) =	vpush @!p1 v4, $0x0  }
0xb7: {  	(v2sf) =	vpush @!p1 v3, $0x0;
	_ =	sdelay $0xd  }
0xb8: {  	s2 =	spop @!p1 (v2sf)  }
0xb9: {  	s3 =	spop @!p1 (v2sf)  }
0xba: {  	p2 =	sne.s32 @!p1 s28, s2;
	p3 =	slt.s32 @!p1 s3, $0xF  }
0xbb: {  	[sflag:s0] =	ssyncset.done @!p1 $0x0;
	p2 =	por p2, p1;
	p3 =	por !p3, p1  }
0xbc: {  	[sflag:s0] =	ssyncadd.s32 @!p1 $0xFFFFFFFF;
	v3 =	vimm.s32 @!p2 $0xFFFFFFFF;
	s3 =	simm.s32 @p3 $0xF  }
0xbd: {  	[tilespmem:$0x80] =	vst @!p2 v3;
	s2 =	sadd.s32 @!p1 $0x90, s3  }
0xbe: {  	[spmem:s10] =	stream.linear.scatter @!p1 [tilespmem:s2], [sflag:$0x1], $0x1, $0x38;
	[tilespmem:$0x11A60] =	vst v63  }
0xbf: {  	_ =	swait.ge @!p1 [sflag:s0], $0x1  }
0xc0: {  	[sflag:s0] =	ssyncset.done @!p1 $0x0  }
0xc1: {  	s2 =	simm.s32 @!p1 $0x80;
	[sflag:s0] =	ssyncadd.s32 @!p1 $0xFFFFFFFF  }
0xc2: {  	[spmem:s15] =	stream.linear.scatter @!p1 [tilespmem:s2], [sflag:$0x1], $0x1, $0x38;
	[tilespmem:$0x11A60] =	vst v63  }
0xc3: {  	_ =	swait.ge @!p1 [sflag:s0], $0x1  }
0xc4: {  	[sflag:s0] =	ssyncset.done @!p1 $0x0  }
0xc5: {  	[sflag:s0] =	ssyncadd.s32 @!p1 $0xFFFFFFFF;
	(ifvalue) =	ssetifvalue $0xFFFFFFFF;
	v3 =	vld [tilespmem:s25+$0x10];
	_ =	sdelay $0x3  }
.Ltmp6:
0xc6: {  	_ = 	snop;
	(pc) =	sbr.rel .LBB2_9-.Ltmp6, $3  }
0xc7: {  	_ =	sdelay $0x1  }
0xc8: {  	(ifvalue) =	ssetifvalue $0xFFFFFFFF  }
0xc9: {  	[hbm4b:s1+s16] =	stream.indirect_vreg.scatter [tilespmem:s26], [sflag:$0x9], $0x1, v3, vm0, $0x4038;
	[tilespmem:$0x11A60] =	vst v63  }
.LBB2_10:
0xca: {  	_ =	sfence.sel $0x180000  }
0xcb: {  	s0 =	simm.s32 $0x7;
	[bflag:$0x0] =	sbarrier.arrive $0xFFFF  }
0xcc: {  	s26 =	simm.s32 $0x8;
	[sflag:s0] =	ssyncpa.u1 $0x1  }
0xcd: {  	s28 =	simm.s32 $0x9;
	[sflag:s26] =	ssyncpa.u1 $0x1  }
0xce: {  	[sflag:s28] =	ssyncpa.u1 $0x1  }
0xcf: {  	_ =	sfence.stream.spmem  }
0xd0: {  	s29 =	simm.s32 $0x3;
	[bflag:$0x0] =	sbarrier.arrive $0xFFFF  }
0xd1: {  	s30 =	simm.s32 $0x4;
	[sflag:s29] =	ssyncpa.u1 $0x1  }
0xd2: {  	s31 =	simm.s32 $0x3C;
	s2 =	stileid.u32;
	[sflag:s30] =	ssyncpa.u1 $0x1  }
0xd3: {  	p0 =	sne.s32 s2, $0x0;
	[sflag:s31] =	ssyncpa.u1 $0x1  }
0xd4: {  	s0 =	simm.s32 @p0 $0x1;
	_ =	sfence @p0  }
0xd5: {  	[sflag:s0] =	ssyncpa.u1 @p0 $0x1;
	s0 =	simm.s32 @p0 $0x2  }
0xd6: {  	[sflag:s0] =	ssyncpa.u1 @p0 $0x1  }
0xd7: {  	_ =	strace @p0 $0x90000056  }
0xd8: {  	[bflag:$0x2] =	sbarrier.arrive @p0 $0xFFFF  }
0xd9: {  	_ =	shalt @p0  }
.LBB2_11:
0xda: {  	_ =	sfence.stream.spmem;
	s0 =	simm.s32 $0x5  }
0xdb: {  	s2 =	simm.s32 $0x80;
	s3 =	simm.s32 $0xC0;
	[sflag:s0] =	ssyncpa.u1 $0x0  }
0xdc: {  	[tilespmem:s3], [sflag:$0x5] =	stream.linear.gather [spmem:s2], $0x20, $0x38;
	[tilespmem:$0x11A60] =	vst v63  }
0xdd: {  	s2 =	simm.s32 $0x0;
	s3 =	simm.s32 $0xE0  }
0xde: {  	[tilespmem:s3], [sflag:$0x5] =	stream.linear.gather [spmem:s2], $0x20, $0x38;
	[tilespmem:$0x11A60] =	vst v63  }
.Ltmp7:
0xdf: {  	_ = 	snop;
	(pc) =	sbr.rel .LBB2_12-.Ltmp7, $4  }
0xe0: {  	_ =	swait.ge [sflag:s0], $0x40  }
0xe1: {  	[sflag:s0] =	ssyncset.done $0x0  }
0xe2: {  	s31 =	simm.s32 $0x6;
	[sflag:s0] =	ssyncadd.s32 $0xFFFFFFC0  }
0xe3: {  	s4 =	simm.s32 $0x0;
	[sflag:s31] =	ssyncpa.u1 $0x0  }
.LBB2_17:
0xe4: {  	p0 =	sgt.u32 s5, $0x187FF  }
0xe5: {  	s0 =	sshrl.u32 @!p0 s5, $0x3  }
0xe6: {  	s5 =	sand.u32 @!p0 $0x7, s5;
	s6 =	simm.s32 @!p0 $0xB0;
	s0 =	sadd.s32 @!p0 s1, s0  }
0xe7: {  	[tilespmem:s6], [sflag:$0x6] =	stream.linear.gather @!p0 [hbm4b:s0+s5], $0x1, $0x38;
	[tilespmem:$0x11A60] =	vst v63  }
0xe8: {  	s0 =	simm.s32 @!p0 $0x6  }
0xe9: {  	_ =	swait.ge @!p0 [sflag:s0], $0x1  }
0xea: {  	[sflag:s0] =	ssyncset.done @!p0 $0x0  }
0xeb: {  	[sflag:s0] =	ssyncadd.s32 @!p0 $0xFFFFFFFF  }
0xec: {  	v2 =	vmov @!p0 s4;
	v1 =	vld.msk @!p0 [tilespmem:$0xB0], $0x1;
	_ =	sdelay $0x3  }
0xed: {  	s0 =	simm.s32 @!p0 $0xE0  }
0xee: {  	[tilespmem:v2+s0+$0x0], v1 =	vst.idx.ret.add.f32.msk @!p0 $0x1, v1  }
0xef: {  	[tilespmem:s2+$0xC0] =	vst.msk $0x1, v0  }
0xf0: {  	v0 =	vld.msk [tilespmem:s4+$0xE0], $0x1;
	_ =	sdelay $0x4  }
0xf1: {  	[tilespmem:s2+$0xE0] =	vst.msk $0x1, v0;
	s2 =	sadd.s32 $0x1, s2  }
.LBB2_19:
0xf2: {  	s4 =	sadd.s32 $0x1, s4  }
0xf3: {  	p0 =	sne.s32 s4, $0x20  }
.Ltmp8:
0xf4: {  	_ = 	snop;
	(pc) =	sbr.rel @!p0 .LBB2_20-.Ltmp8, $1  }
0xf5: {  	_ =	sdelay $0x3  }
.LBB2_12:
0xf6: {  	v0 =	vld.msk [tilespmem:s4+$0xC0], $0x1;
	_ =	sdelay $0x4  }
0xf7: {  	(v2sf) =	vpush v0, $0x0;
	_ =	sdelay $0xe  }
0xf8: {  	s5 =	spop (v2sf)  }
0xf9: {  	p0 =	seq.s32 s5, $0xFFFFFFFF  }
.Ltmp9:
0xfa: {  	_ = 	snop;
	(pc) =	sbr.rel @p0 .LBB2_19-.Ltmp9, $1  }
0xfb: {  	_ =	sdelay $0x3  }
0xfc: {  	p0 =	slt.s32 s2, $0x1  }
.Ltmp10:
0xfd: {  	_ = 	snop;
	(pc) =	sbr.rel @p0 .LBB2_17-.Ltmp10, $1  }
0xfe: {  	_ =	sdelay $0x3  }
0xff: {  	s0 =	simm.s32 $0xC0;
	p0 =	por $0x0, $0x0  }
0x100: {  	v1 =	vld.msk @!p0 [tilespmem:s0+$0x0], $0x1;
	_ =	sdelay $0x4  }
0x101: {  	(v2sf) =	vpush @!p0 v1, $0x0;
	_ =	sdelay $0xd  }
0x102: {  	p2 =	sne.s32 s2, $0x1  }
.Ltmp11:
0x103: {  	s6 =	spop @!p0 (v2sf);
	(pc) =	sbr.rel @!p2 .LBB2_16-.Ltmp11, $4  }
0x104: {  	p1 =	seq.s32 @!p0 s5, s6  }
0x105: {  	s6 =	simm.s32 $0x0;
	p1 =	por !p1, p0  }
0x106: {  	s8 =	simm.s32 $0xFFFFFFFF;
	s6 =	simm.s32 @p1 $0xFFFFFFFF  }
0x107: {  	s7 =	simm.s32 $0x1;
	s6 =	smov.u32 @p0 s8  }
.LBB2_15:
0x108: {  	s8 =	smov.u32 s6;
	p0 =	sne.s32 s6, $0xFFFFFFFF  }
0x109: {  	s0 =	sadd.s32 $0x1, s0;
	s6 =	smov.u32 s7;
	s7 =	sadd.s32 $0x1, s7  }
0x10a: {  	p1 =	sne.s32 s2, s7;
	v1 =	vld.msk @!p0 [tilespmem:s0+$0x0], $0x1;
	_ =	sdelay $0x4  }
0x10b: {  	(v2sf) =	vpush @!p0 v1, $0x0;
	_ =	sdelay $0xe  }
.Ltmp12:
0x10c: {  	s9 =	spop @!p0 (v2sf);
	(pc) =	sbr.rel @p1 .LBB2_15-.Ltmp12, $4  }
0x10d: {  	p2 =	seq.s32 @!p0 s5, s9  }
0x10e: {  	p2 =	por !p2, p0  }
0x10f: {  	s6 =	simm.s32 @p2 $0xFFFFFFFF  }
0x110: {  	s6 =	smov.u32 @p0 s8  }
.LBB2_16:
0x111: {  	p0 =	sne.s32 s6, $0xFFFFFFFF  }
.Ltmp13:
0x112: {  	_ = 	snop;
	(pc) =	sbr.rel @!p0 .LBB2_17-.Ltmp13, $1  }
0x113: {  	_ =	sdelay $0x3  }
0x114: {  	v0 =	vld.msk [tilespmem:s4+$0xE0], $0x1;
	v1 =	vmov s6  }
.Ltmp14:
0x115: {  	_ = 	snop;
	(pc) =	sbr.rel .LBB2_19-.Ltmp14, $2  }
0x116: {  	_ =	sdelay $0x2  }
0x117: {  	[tilespmem:v1+s3+$0x0], v0 =	vst.idx.ret.add.f32.msk $0x1, v0  }
.LBB2_20:
0x118: {  	p0 =	slt.s32 s2, $0x1  }
.Ltmp15:
0x119: {  	_ = 	snop;
	(pc) =	sbr.rel @p0 .LBB2_24-.Ltmp15, $3  }
0x11a: {  	_ =	sdelay $0x1  }
0x11b: {  	s0 =	simm.s32 $0x6  }
0x11c: {  	s3 =	simm.s32 $0x0;
	[sflag:s0] =	ssyncpa.u1 $0x1  }
0x11d: {  	s0 =	simm.s32 $0xC0  }
0x11e: {  	v0 =	vld.msk [tilespmem:s0+$0x0], $0x1;
	_ =	sdelay $0x4  }
0x11f: {  	(v2sf) =	vpush v0, $0x0;
	_ =	sdelay $0xe  }
0x120: {  	s2 =	sadd.s32 $0xFFFFFFFF, s2;
	s4 =	spop (v2sf)  }
0x121: {  	p1 =	sne.s32 s2, $0x0;
	p0 =	sgt.u32 s4, $0x187FF  }
.Ltmp16:
0x122: {  	s5 =	sshrl.u32 @!p0 s4, $0x3;
	(pc) =	sbr.rel @!p1 .LBB2_23-.Ltmp16, $4  }
0x123: {  	s0 =	simm.s32 $0xE0;
	s4 =	sand.u32 @!p0 $0x7, s4;
	s5 =	sadd.s32 @!p0 s1, s5  }
0x124: {  	[hbm4b:s5+s4] =	stream.linear.scatter @!p0 [tilespmem:s0], [sflag:$0x5], $0x1, $0x38;
	[tilespmem:$0x11A60] =	vst v63  }
0x125: {  	s5 =	simm.s32 $0x0  }
0x126: {  	s4 =	simm.s32 $0xC1;
	s5 =	simm.s32 @!p0 $0x4  }
.LBB2_22:
0x127: {  	v0 =	vld.msk [tilespmem:s4+$0x0], $0x1;
	s2 =	sadd.s32 $0xFFFFFFFF, s2;
	s3 =	sadd.s32 s3, s5  }
0x128: {  	p0 =	sne.s32 s2, $0x0;
	_ =	sdelay $0x3  }
0x129: {  	(v2sf) =	vpush v0, $0x0;
	_ =	sdelay $0xe  }
.Ltmp17:
0x12a: {  	s6 =	spop (v2sf);
	(pc) =	sbr.rel @p0 .LBB2_22-.Ltmp17, $4  }
0x12b: {  	s5 =	simm.s32 $0x0;
	p1 =	sgt.u32 s6, $0x187FF  }
0x12c: {  	s0 =	sadd.s32 $0x1, s0;
	s5 =	simm.s32 @!p1 $0x4;
	s7 =	sshrl.u32 @!p1 s6, $0x3  }
0x12d: {  	s4 =	sadd.s32 $0x1, s4;
	s6 =	sand.u32 @!p1 $0x7, s6;
	s7 =	sadd.s32 @!p1 s1, s7  }
0x12e: {  	[hbm4b:s7+s6] =	stream.linear.scatter @!p1 [tilespmem:s0], [sflag:$0x5], $0x1, $0x38;
	[tilespmem:$0x11A60] =	vst v63  }
.LBB2_23:
0x12f: {  	s0 =	sadd.s32 s3, s5  }
0x130: {  	s3 =	sshrl.u32 s0, $0x2  }
.LBB2_24:
0x131: {  	s0 =	simm.s32 $0x5  }
0x132: {  	_ =	swait.ge [sflag:s0], s3  }
0x133: {  	s1 =	ssub.s32 $0x0, s3;
	[sflag:s0] =	ssyncset.done $0x0  }
0x134: {  	[sflag:s0] =	ssyncadd.s32 s1  }
0x135: {  	[sflag:s0] =	ssyncpa.u1 $0x1  }
0x136: {  	s29 =	simm.s32 $0x1;
	_ =	sfence  }
0x137: {  	s30 =	simm.s32 $0x2;
	[sflag:s29] =	ssyncpa.u1 $0x1  }
0x138: {  	[sflag:s30] =	ssyncpa.u1 $0x1  }
0x139: {  	_ =	strace $0x90000056  }
0x13a: {  	[bflag:$0x2] =	sbarrier.arrive $0xFFFF  }
0x13b: {  	s31 =	rddreg [dreg:$0x2]  }
0x13c: {  	s0 =	sadd.s32 $0x100000, s31  }
0x13d: {  	[sflag:s0] =	ssyncadd.tile.s32 $0x1;
	_ =	shalt  }
.Lfunc_end2:
_tile_overlayer_lowered:
.L_overlay_start_2:
0x13e: {  	(tag) =	ssettag $0x2  }
0x13f: {  	s0 =	rddreg [dreg:$0x0];
	s2 =	stileid.u32  }
0x140: {  	s1 =	rddreg [dreg:$0x1];
	p0 =	sne.s32 s2, $0x0  }
0x141: {  	s3 =	rddreg [dreg:$0x2];
	[bflag:$0x3] =	sbarrier.arrive $0xFFFF;
	s2 =	simm.s32 @!p0 $0x1C01  }
0x142: {  	[timem:s3], [sflag:s2] =	dma.local @!p0 [hbm:s0], s1  }
0x143: {  	s0 =	simm.s32 @!p0 $0x1  }
0x144: {  	_ =	swait.ge @!p0 [sflag:s0], s1  }
0x145: {  	s1 =	ssub.s32 @!p0 $0x0, s1;
	[sflag:s0] =	ssyncset.done @!p0 $0x0  }
0x146: {  	[sflag:s0] =	ssyncadd.s32 @!p0 s1  }
0x147: {  	[bflag:$0x3] =	sbarrier.arrive $0xFFFF  }
0x148: {  	_ =	shalt  }

// kernel: scatter_offload_async_start
scs
__scs_entry_jumppad:
0x0: {  	(pc) =	sbr.rel $0x88, $3  }
0x1: {  	(tag) =	ssettag $0x0;
	lr =	simm.s32 $0x1  }
0x2: {  	[smem:$0x3F90] =	sst lr;
	_ =	strace $0xD0000000  }
0x3: {  	_ = 	snop  }
0x4: {  	_ = 	snop  }
0x5: {  	_ = 	snop  }
0x6: {  	_ = 	snop  }
0x7: {  	_ = 	snop  }
__scs_overlays_trampoline_lowered:
0x8: {  	[smem:$0x3F9F] =	sst s0  }
0x9: {  	[smem:$0x3FA0] =	sst s1  }
0xa: {  	[smem:$0x3FA1] =	sst s2  }
0xb: {  	[smem:$0x3FA2] =	sst s3  }
0xc: {  	[smem:$0x3FA3] =	sst s4  }
0xd: {  	[smem:$0x3FA4] =	sst s5  }
0xe: {  	[smem:$0x3FA5] =	sst s6  }
0xf: {  	[smem:$0x3FA6] =	sst s7  }
0x10: {  	[smem:$0x3FA7] =	sst s8  }
0x11: {  	[smem:$0x3FA8] =	sst s9;
	s0 =	simm.s32 @!p0 $0x0  }
0x12: {  	s1 =	sld [smem:$0x3F8E];
	s0 =	simm.s32 @p0 $0x1  }
0x13: {  	[smem:$0x3FA9] =	sst s0;
	s0 =	simm.s32 @!p1 $0x0  }
0x14: {  	s2 =	sld [smem:$0x3F8D];
	s0 =	simm.s32 @p1 $0x1  }
0x15: {  	[smem:$0x3FAA] =	sst s0;
	s0 =	simm.s32 @!p2 $0x0  }
0x16: {  	s3 =	sld [smem:$0x3FDB];
	s0 =	simm.s32 @p2 $0x1  }
0x17: {  	s4 =	simm.s32 $0x1BF5;
	[smem:$0x3FAC] =	sst s0  }
0x18: {  	s0 =	sld [smem:$0x3F8F];
	_ =	swait.ge [sflag:s4], $0x0  }
0x19: {  	s7 =	sld [smem:$0x3F90]  }
0x1a: {  	s8 =	sadd.s32 $0xFFFFE003, lr  }
0x1b: {  	s9 =	sadd.s32 $0xFFFFFEF7, lr;
	s5 =	simm.s32 $0xFFFFFFFF;
	p2 =	slt.u32 s8, $0xFFFFF086  }
0x1c: {  	p1 =	slt.u32 s9, $0xF7A;
	s5 =	simm.s32 @!p2 $0x0  }
0x1d: {  	s5 =	simm.s32 @p1 $0x1;
	p0 =	seq.s32 s7, s2  }
0x1e: {  	s7 =	smul.u32 @!p0 $0xF7A, s2;
	p2 =	seq.s32 @!p0 s5, $0x0  }
0x1f: {  	s9 =	smul.u32 $0xF7A, s1;
	s8 =	simm.s32 @!p0 $0x1BF5;
	p2 =	por !p2, p0  }
0x20: {  	[sflag:s8] =	ssyncset.s32 @!p0 $0xFFFFF086;
	s6 =	sadd.s32 @!p0 s3, s7;
	s7 =	simm.s32 @!p0 $0x108  }
0x21: {  	s3 =	sadd.s32 s3, s9;
	s6 =	sadd.s32 @!p0 $0x88, s6;
	s7 =	simm.s32 @p2 $0x1082  }
0x22: {  	[simem:s7], [sflag:s8] =	dma.local @!p0 [hbm:s6], $0xF7A  }
0x23: {  	s9 =	sor.u32 $0xD0000000, s2;
	s6 =	simm.s32 $0x108;
	_ =	swait.ge @!p0 [sflag:s8], $0x0  }
0x24: {  	s3 =	sadd.s32 $0x88, s3;
	s6 =	simm.s32 @!p1 $0x1082;
	[sflag:s4] =	ssyncset.s32 $0xFFFFF086  }
0x25: {  	[simem:s6], [sflag:s4] =	dma.local [hbm:s3], $0xF7A  }
0x26: {  	[smem:$0x3F90] =	sst s1;
	(tag) =	ssettag s2;
	_ =	strace s9  }
0x27: {  	s1 =	sld [smem:$0x3FA0]  }
0x28: {  	s2 =	sld [smem:$0x3FA1]  }
0x29: {  	s4 =	sld [smem:$0x3FA3]  }
0x2a: {  	p0 =	seq.s32 s5, $0x0;
	s5 =	sld [smem:$0x3FA4]  }
0x2b: {  	s6 =	sld [smem:$0x3FA5]  }
0x2c: {  	s7 =	sld [smem:$0x3FA6]  }
0x2d: {  	s3 =	simm.s32 $0x108;
	s8 =	sld [smem:$0x3FA7]  }
0x2e: {  	s3 =	simm.s32 @!p0 $0x1082;
	s9 =	sld [smem:$0x3FA8]  }
0x2f: {  	lr =	sadd.s32 s0, s3;
	s0 =	sld [smem:$0x3F9F]  }
0x30: {  	s3 =	sld [smem:$0x3FA2]  }
0x31: {  	[smem:$0x3FAB] =	sst s10  }
0x32: {  	s10 =	sld [smem:$0x3FA9];
	_ =	sdelay $0x3  }
0x33: {  	p0 =	seq.s32 s10, $0x1;
	s10 =	sld [smem:$0x3FAB];
	_ =	sdelay $0x3  }
0x34: {  	[smem:$0x3FAB] =	sst s10  }
0x35: {  	s10 =	sld [smem:$0x3FAA];
	_ =	sdelay $0x3  }
0x36: {  	p1 =	seq.s32 s10, $0x1;
	s10 =	sld [smem:$0x3FAB];
	_ =	sdelay $0x3  }
0x37: {  	[smem:$0x3FAB] =	sst s10  }
0x38: {  	s10 =	sld [smem:$0x3FAC]  }
0x39: {  	_ = 	snop;
	(pc) =	sbr.ind lr, $3  }
0x3a: {  	_ = 	snop  }
0x3b: {  	_ = 	snop  }
0x3c: {  	p2 =	seq.s32 s10, $0x1;
	s10 =	sld [smem:$0x3FAB]  }
0x3d: {  	_ =	shalt  }
0x3e: {  	_ =	shalt  }
0x3f: {  	_ =	shalt  }
0x40: {  	_ =	shalt  }
0x41: {  	_ =	shalt  }
0x42: {  	_ =	shalt  }
0x43: {  	_ =	shalt  }
0x44: {  	_ =	shalt  }
0x45: {  	_ =	shalt  }
0x46: {  	_ =	shalt  }
0x47: {  	_ =	shalt  }
0x48: {  	_ =	shalt  }
0x49: {  	_ =	shalt  }
0x4a: {  	_ =	shalt  }
0x4b: {  	_ =	shalt  }
0x4c: {  	_ =	shalt  }
0x4d: {  	_ =	shalt  }
0x4e: {  	_ =	shalt  }
0x4f: {  	_ =	shalt  }
0x50: {  	_ =	shalt  }
0x51: {  	_ =	shalt  }
0x52: {  	_ =	shalt  }
0x53: {  	_ =	shalt  }
0x54: {  	_ =	shalt  }
0x55: {  	_ =	shalt  }
0x56: {  	_ =	shalt  }
0x57: {  	_ =	shalt  }
0x58: {  	_ =	shalt  }
0x59: {  	_ =	shalt  }
0x5a: {  	_ =	shalt  }
0x5b: {  	_ =	shalt  }
0x5c: {  	_ =	shalt  }
0x5d: {  	_ =	shalt  }
0x5e: {  	_ =	shalt  }
0x5f: {  	_ =	shalt  }
0x60: {  	_ =	shalt  }
0x61: {  	_ =	shalt  }
0x62: {  	_ =	shalt  }
0x63: {  	_ =	shalt  }
0x64: {  	_ =	shalt  }
0x65: {  	_ =	shalt  }
0x66: {  	_ =	shalt  }
0x67: {  	_ =	shalt  }
0x68: {  	_ =	shalt  }
0x69: {  	_ =	shalt  }
0x6a: {  	_ =	shalt  }
0x6b: {  	_ =	shalt  }
0x6c: {  	_ =	shalt  }
0x6d: {  	_ =	shalt  }
0x6e: {  	_ =	shalt  }
0x6f: {  	_ =	shalt  }
0x70: {  	_ =	shalt  }
0x71: {  	_ =	shalt  }
0x72: {  	_ =	shalt  }
0x73: {  	_ =	shalt  }
0x74: {  	_ =	shalt  }
0x75: {  	_ =	shalt  }
0x76: {  	_ =	shalt  }
0x77: {  	_ =	shalt  }
0x78: {  	_ =	shalt  }
0x79: {  	_ =	shalt  }
0x7a: {  	_ =	shalt  }
0x7b: {  	_ =	shalt  }
0x7c: {  	_ =	shalt  }
0x7d: {  	_ =	shalt  }
0x7e: {  	_ =	shalt  }
0x7f: {  	_ =	shalt  }
0x80: {  	_ =	shalt  }
0x81: {  	_ =	shalt  }
0x82: {  	_ =	shalt  }
0x83: {  	_ =	shalt  }
0x84: {  	_ =	shalt  }
0x85: {  	_ =	shalt  }
0x86: {  	_ =	shalt  }
0x87: {  	_ =	shalt  }
.Lfunc_end0:
.L_simem_size_0:
called_computation_lowered:
.L_overlay_start_0:
0x88: {  	s0 =	sld [smem:$0x3FD9]  }
0x89: {  	s1 =	sld [smem:$0x3FFE];
	_ =	sdelay $0x3  }
0x8a: {  	s0 =	sadd.s32 s1, s0  }
0x8b: {  	[smem:$0x3FB7] =	sst s0  }
0x8c: {  	_ = 	snop  }
0x8d: {  	s14 =	sld [smem:$0x3FD0];
	(tm) =	ssettm $0x1  }
0x8e: {  	s15 =	sld [smem:$0x3FFB];
	_ =	sdelay $0x3  }
0x8f: {  	_ =	strace s15  }
0x90: {  	s0 =	sld [smem:$0x3FFC];
	_ =	sdelay $0x3  }
0x91: {  	_ =	strace s0  }
0x92: {  	s0 =	sld [smem:$0x3FFD];
	_ =	sdelay $0x3  }
0x93: {  	_ =	strace s0  }
0x94: {  	_ =	strace $0x8FFFFFFF  }
0x95: {  	s16 =	sld [smem:$0x3FDB];
	_ =	sdelay $0x1  }
0x96: {  	s2 =	simm.s32 $_scs_section_size  }
0x97: {  	s3 =	simm.s32 $_size__tile_overlayer_lowered;
	s4 =	simm.s32 $_tile_overlayer_lowered  }
0x98: {  	s5 =	simm.s32 $0x1BFF;
	s17 =	sshll.u32 s4, $0x1;
	s2 =	sadd.s32 s2, s16  }
0x99: {  	s18 =	simm.s32 $0x0;
	s3 =	sshll.u32 s3, $0x1;
	s4 =	sadd.s32 s17, s2  }
0x9a: {  	[timem:s18], [sflag:s5] =	dma.local [hbm:s4], s3  }
0x9b: {  	_ =	swait.ge [sflag:s5], s3  }
0x9c: {  	s3 =	ssub.s32 $0x0, s3;
	[sflag:s5] =	ssyncset.done $0x0  }
0x9d: {  	[sflag:s5] =	ssyncadd.s32 s3;
	_ =	sdelay $0x1  }
0x9e: {  	s19 =	simm.s32 $0x1B8B  }
0x9f: {  	_ =	swait.ge [sflag:s19], $0x1  }
0xa0: {  	[sflag:s19] =	ssyncset.done $0x0  }
0xa1: {  	s21 =	simm.s32 $0x1B8E;
	s20 =	sld [smem:$0x3FFE];
	[sflag:s19] =	ssyncadd.s32 $0xFFFFFFFF  }
0xa2: {  	s22 =	simm.s32 $execute0_lowered;
	[smem:$0x3FD2] =	sst s21  }
0xa3: {  	s4 =	sshll.u32 s22, $0x1;
	_ =	strace $0x80000046;
	[dreg:$0x1] =	wrdreg $0xFFFFFFFF  }
0xa4: {  	s23 =	simm.s32 $_size_execute0_lowered;
	s4 =	sadd.s32 s2, s4;
	[dreg:$0x0] =	wrdreg $0x0  }
0xa5: {  	s5 =	sshll.u32 s23, $0x1;
	[dreg:$0x2] =	wrdreg s4  }
0xa6: {  	[dreg:$0x3] =	wrdreg s5  }
0xa7: {  	[dreg:$0x4] =	wrdreg $0xC0  }
0xa8: {  	s24 =	simm.s32 $execute1_lowered;
	_ =	task [dreg:s18], $0x5FFFF  }
0xa9: {  	s4 =	sshll.u32 s24, $0x1;
	[dreg:$0x1] =	wrdreg $0xFFFFFFFF  }
0xaa: {  	s2 =	sadd.s32 s2, s4;
	[dreg:$0x0] =	wrdreg $0x60  }
0xab: {  	[dreg:$0x2] =	wrdreg s2  }
0xac: {  	[dreg:$0x3] =	wrdreg s14  }
0xad: {  	[dreg:$0x4] =	wrdreg s20  }
0xae: {  	[dreg:$0x5] =	wrdreg $0x9  }
0xaf: {  	_ =	task.clear_ibuf [dreg:s18], $0x6FFFF;
	_ =	strace $0x90000046  }
0xb0: {  	s25 =	simm.s32 $0x9;
	_ =	strace $0x80000048  }
0xb1: {  	_ =	swait.ge [sflag:s25], $0x1  }
0xb2: {  	[sflag:s25] =	ssyncadd.s32 $0xFFFFFFFF  }
0xb3: {  	_ =	strace $0x90000048  }
0xb4: {  	_ =	strace $0x80000049;
	[dreg:$0x1] =	wrdreg $0xFFFFFFFF  }
0xb5: {  	[dreg:$0x0] =	wrdreg $0x2030  }
0xb6: {  	[dreg:$0x2] =	wrdreg s20  }
0xb7: {  	[dreg:$0x3] =	wrdreg $0xA  }
0xb8: {  	_ =	task.clear_ibuf [dreg:s18], $0x4FFFF;
	_ =	strace $0x90000049  }
0xb9: {  	s26 =	simm.s32 $0xA;
	_ =	strace $0x8000004B  }
0xba: {  	_ =	swait.ge [sflag:s26], $0x1  }
0xbb: {  	[sflag:s26] =	ssyncadd.s32 $0xFFFFFFFF  }
0xbc: {  	_ =	strace $0x9000004B  }
0xbd: {  	_ =	sfence  }
0xbe: {  	s28 =	sld [smem:$0x0];
	_ =	sdelay $0x1  }
0xbf: {  	s29 =	srdreg.scid  }
0xc0: {  	s30 =	sshll.u32 s29, $0xD;
	s31 =	sshrl.u32 s29, $0x2  }
0xc1: {  	s3 =	sand.u32 $0x4000, s30;
	s2 =	sand.u32 $0x1, s29;
	s1 =	sadd.s32 s31, s28  }
0xc2: {  	s2 =	sor.u32 s3, s2;
	s1 =	sshll.u32 s1, $0x11  }
0xc3: {  	s1 =	sor.u32 s1, s2  }
0xc4: {  	s1 =	sadd.s32 $0x8F2B, s1  }
0xc5: {  	[sflag:s1] =	ssyncadd.remote.s32 $0x1  }
0xc6: {  	_ =	sfence.sel $0xFFFF  }
0xc7: {  	[dreg:$0x0] =	wrdreg $0xFFFFFFFF;
	(pc) =	sbr.abs _section_cstart, $3  }
0xc8: {  	[dreg:$0x1] =	wrdreg $0xFFFFFFFF  }
0xc9: {  	_ =	task.clear_ibuf [dreg:s18], $0x2FFFF;
	_ =	strace $0x9FFFFFFF  }
0xca: {  	(tm) =	ssettm $0x7FFFFFFF  }
0xcb: {  	_ =	shalt  }
tec
execute0_lowered:
.L_overlay_start_1:
0x0: {  	(tag) =	ssettag $0x1  }
0x1: {  	s3 =	rddreg [dreg:$0x0]  }
0x2: {  	s2 =	rddreg [dreg:$0x1]  }
0x3: {  	s5 =	rddreg [dreg:$0x2]  }
0x4: {  	s0 =	rddreg [dreg:$0x3]  }
0x5: {  	s4 =	stileid.u32;
	[bflag:$0x3] =	sbarrier.arrive $0xFFFF;
	s1 =	simm.s32 $_size_execute1_lowered  }
0x6: {  	s31 =	simm.s32 $0x2;
	p0 =	sne.s32 s4, $0x0;
	s1 =	sshll.u32 s1, $0x1  }
.Ltmp0:
0x7: {  	s6 =	simm.s32 @!p0 $0x1C3F;
	s7 =	simm.s32 @!p0 $0x4060;
	(pc) =	sbr.rel .LBB2_1-.Ltmp0, $4  }
0x8: {  	[timem:s7], [sflag:s6] =	dma.local @!p0 [hbm:s3], s1  }
0x9: {  	s3 =	smul.u32 $0xC40, s4;
	s4 =	simm.s32 $0x1;
	_ =	strace $0x80000047  }
0xa: {  	s8 =	simm.s32 $0x0;
	s5 =	sadd.s32 $0xF4600, s5;
	[sflag:s4] =	ssyncpa.u1 $0x0  }
0xb: {  	s6 =	simm.s32 $0x0;
	s7 =	smov.u32 s3;
	[sflag:s31] =	ssyncpa.u1 $0x0  }
.LBB2_7:
0xc: {  	s10 =	sadd.s32 $0xC400, s7  }
0xd: {  	p1 =	slt.u32 s6, $0x2;
	s6 =	sadd.s32 $0x1, s6;
	p2 =	sgt.s32 s10, $0x1869F  }
0xe: {  	s10 =	smov.u32 @p2 s3;
	p2 =	sne.s32 s6, $0x4  }
.Ltmp1:
0xf: {  	_ = 	snop;
	(pc) =	sbr.rel @!p2 .LBB2_8-.Ltmp1, $4  }
0x10: {  	s9 =	simm.s32 @!p1 $0x2  }
0x11: {  	_ =	swait.ge @!p1 [sflag:s9], $0xC40  }
0x12: {  	[sflag:s9] =	ssyncset.done @!p1 $0x0  }
0x13: {  	s8 =	smov.u32 s7;
	s7 =	smov.u32 s10;
	[sflag:s9] =	ssyncadd.s32 @!p1 $0xFFFFF3C0  }
.LBB2_1:
0x14: {  	p1 =	sgt.u32 s6, $0x1  }
0x15: {  	s9 =	sxor.u32 @!p1 $0x1, s6  }
0x16: {  	s9 =	smul.u32 @!p1 $0x3100, s9  }
0x17: {  	s10 =	sshrl.u32 @!p1 s7, $0x3  }
0x18: {  	s11 =	sand.u32 @!p1 $0x7, s7;
	s10 =	sadd.s32 @!p1 s2, s10;
	s9 =	sshra.s32 @!p1 s9, $0x2  }
0x19: {  	[tilespmem:s9], [sflag:$0x1] =	stream.linear.gather @!p1 [hbm4b:s10+s11], $0xC40, $0x38;
	[tilespmem:$0x3100] =	vst v63  }
0x1a: {  	p1 =	seq.s32 s6, $0x0  }
0x1b: {  	p2 =	seq.s32 @!p1 s6, $0x3  }
0x1c: {  	p1 =	por p1, p2  }
.Ltmp2:
0x1d: {  	_ = 	snop;
	(pc) =	sbr.rel @p1 .LBB2_7-.Ltmp2, $1  }
0x1e: {  	_ =	sdelay $0x3  }
0x1f: {  	s9 =	sand.u32 $0x1, s6  }
0x20: {  	_ =	swait.ge [sflag:s4], $0xC40;
	s11 =	simm.s32 $0xC40;
	p1 =	seq.s32 s9, $0x1  }
0x21: {  	[sflag:s4] =	ssyncset.done $0x0;
	s11 =	simm.s32 @!p1 $0x0  }
0x22: {  	[sflag:s4] =	ssyncadd.s32 $0xFFFFF3C0;
	s13 =	sor.u32 $0x80, s11  }
0x23: {  	v0 =	vld [tilespmem:s13+$0x70]  }
0x24: {  	v1 =	vld [tilespmem:s13+$0xFFFFFF90]  }
0x25: {  	v2 =	vld [tilespmem:s13+$0xFFFFFFA0]  }
0x26: {  	v3 =	vld [tilespmem:s13+$0xFFFFFFB0]  }
0x27: {  	s9 =	sadd.s32 $0x1900, s11;
	v4 =	vld [tilespmem:s13+$0xFFFFFFC0]  }
0x28: {  	v5 =	vld [tilespmem:s13+$0xFFFFFFD0];
	[tilespmem:s9+$0x70] =	vst v0  }
0x29: {  	[tilespmem:s9+$0xFFFFFF90] =	vst v1;
	v0 =	vld [tilespmem:s13+$0xFFFFFFE0]  }
0x2a: {  	[tilespmem:s9+$0xFFFFFFA0] =	vst v2;
	v1 =	vld [tilespmem:s13+$0xFFFFFFF0]  }
0x2b: {  	[tilespmem:s9+$0xFFFFFFB0] =	vst v3;
	v2 =	vld [tilespmem:s13+$0x0]  }
0x2c: {  	[tilespmem:s9+$0xFFFFFFC0] =	vst v4;
	v3 =	vld [tilespmem:s13+$0x10]  }
0x2d: {  	[tilespmem:s9+$0xFFFFFFD0] =	vst v5;
	v5 =	vld [tilespmem:s13+$0x20]  }
0x2e: {  	[tilespmem:s9+$0xFFFFFFE0] =	vst v0;
	v0 =	vld [tilespmem:s13+$0x30]  }
0x2f: {  	[tilespmem:s9+$0xFFFFFFF0] =	vst v1;
	v1 =	vld [tilespmem:s13+$0x40]  }
0x30: {  	[tilespmem:s9+$0x0] =	vst v2;
	v2 =	vld [tilespmem:s13+$0x50]  }
0x31: {  	s12 =	simm.s32 $0x0;
	[tilespmem:s9+$0x10] =	vst v3;
	v3 =	vld [tilespmem:s13+$0x60]  }
0x32: {  	s10 =	sadd.s32 $0x1880, s11;
	s11 =	sshll.u32 s11, $0x2;
	v4 =	vld [tilespmem:s13+$0xFFFFFF80];
	[tilespmem:s9+$0x20] =	vst v5;
	s13 =	sadd.s32 $0x100, s13  }
.LBB2_3:
0x33: {  	v5 =	vld [tilespmem:s13+$0x70];
	s12 =	sadd.s32 $0x100, s12;
	[tilespmem:s9+$0x30] =	vst v0  }
0x34: {  	v0 =	vld [tilespmem:s13+$0xFFFFFF90];
	p1 =	slt.u32 s12, $0xB00;
	[tilespmem:s9+$0x40] =	vst v1  }
0x35: {  	v1 =	vld [tilespmem:s13+$0xFFFFFFA0];
	[tilespmem:s9+$0x50] =	vst v2  }
0x36: {  	v2 =	vld [tilespmem:s13+$0xFFFFFFB0];
	[tilespmem:s9+$0x60] =	vst v3  }
0x37: {  	v3 =	vld [tilespmem:s13+$0xFFFFFFC0];
	[tilespmem:s9+$0xFFFFFF80] =	vst v4;
	s9 =	sadd.s32 $0x100, s9  }
0x38: {  	v4 =	vld [tilespmem:s13+$0xFFFFFFD0];
	[tilespmem:s9+$0x70] =	vst v5  }
0x39: {  	[tilespmem:s9+$0xFFFFFF90] =	vst v0;
	v0 =	vld [tilespmem:s13+$0xFFFFFFE0]  }
0x3a: {  	[tilespmem:s9+$0xFFFFFFA0] =	vst v1;
	v1 =	vld [tilespmem:s13+$0xFFFFFFF0]  }
0x3b: {  	[tilespmem:s9+$0xFFFFFFB0] =	vst v2;
	v2 =	vld [tilespmem:s13+$0x0]  }
0x3c: {  	[tilespmem:s9+$0xFFFFFFC0] =	vst v3;
	v3 =	vld [tilespmem:s13+$0x10]  }
0x3d: {  	[tilespmem:s9+$0xFFFFFFD0] =	vst v4;
	v5 =	vld [tilespmem:s13+$0x20]  }
.Ltmp3:
0x3e: {  	[tilespmem:s9+$0xFFFFFFE0] =	vst v0;
	v0 =	vld [tilespmem:s13+$0x30];
	(pc) =	sbr.rel @p1 .LBB2_3-.Ltmp3, $4  }
0x3f: {  	[tilespmem:s9+$0xFFFFFFF0] =	vst v1;
	v1 =	vld [tilespmem:s13+$0x40]  }
0x40: {  	[tilespmem:s9+$0x0] =	vst v2;
	v2 =	vld [tilespmem:s13+$0x50]  }
0x41: {  	[tilespmem:s9+$0x10] =	vst v3;
	v3 =	vld [tilespmem:s13+$0x60]  }
0x42: {  	v4 =	vld [tilespmem:s13+$0xFFFFFF80];
	[tilespmem:s9+$0x20] =	vst v5;
	s13 =	sadd.s32 $0x100, s13  }
0x43: {  	[tilespmem:s9+$0x30] =	vst v0  }
0x44: {  	[tilespmem:s9+$0x40] =	vst v1  }
0x45: {  	[tilespmem:s9+$0x50] =	vst v2  }
0x46: {  	s11 =	sshrl.u32 s11, $0x2;
	[tilespmem:s9+$0x60] =	vst v3  }
0x47: {  	s12 =	simm.s32 $0xBF0;
	[tilespmem:s9+$0xFFFFFF80] =	vst v4;
	s9 =	sadd.s32 $0x2480, s11;
	s11 =	sadd.s32 $0xC00, s11  }
.LBB2_5:
0x48: {  	s12 =	sadd.s32 $0x10, s12  }
0x49: {  	v0 =	vld [tilespmem:s11+$0x0];
	p1 =	slt.u32 s12, $0xC30  }
.Ltmp4:
0x4a: {  	_ = 	snop;
	(pc) =	sbr.rel @p1 .LBB2_5-.Ltmp4, $2  }
0x4b: {  	_ =	sdelay $0x2  }
0x4c: {  	s11 =	sadd.s32 $0x10, s11;
	[tilespmem:s9+$0x0] =	vst v0;
	s9 =	sadd.s32 $0x10, s9  }
.Ltmp5:
0x4d: {  	(pc) =	sbr.rel .LBB2_7-.Ltmp5, $4  }
0x4e: {  	_ = 	snop  }
0x4f: {  	s9 =	sshrl.u32 s8, $0x3  }
0x50: {  	s31 =	sand.u32 $0x7, s8;
	s9 =	sadd.s32 s5, s9  }
0x51: {  	[hbm4b:s9+s31] =	stream.linear.scatter [tilespmem:s10], [sflag:$0x2], $0xC40, $0x38;
	[tilespmem:$0x3100] =	vst v63  }
.LBB2_8:
0x52: {  	_ =	sfence.sel $0x180000  }
0x53: {  	s2 =	simm.s32 $0x1;
	[bflag:$0x0] =	sbarrier.arrive $0xFFFF  }
0x54: {  	s31 =	simm.s32 $0x2;
	[sflag:s2] =	ssyncpa.u1 $0x1  }
0x55: {  	[sflag:s31] =	ssyncpa.u1 $0x1  }
0x56: {  	_ =	strace $0x90000047  }
0x57: {  	s0 =	sadd.s32 @!p0 $0x100000, s0;
	[bflag:$0x2] =	sbarrier.arrive $0xFFFF  }
0x58: {  	[sflag:s0] =	ssyncadd.tile.s32 @!p0 $0x1;
	s0 =	simm.s32 @!p0 $0x3F  }
0x59: {  	_ =	swait.ge @!p0 [sflag:s0], s1  }
0x5a: {  	s1 =	ssub.s32 @!p0 $0x0, s1;
	[sflag:s0] =	ssyncset.done @!p0 $0x0  }
0x5b: {  	[sflag:s0] =	ssyncadd.s32 @!p0 s1  }
0x5c: {  	[bflag:$0x3] =	sbarrier.arrive $0xFFFF  }
0x5d: {  	_ =	shalt  }
.Lfunc_end2:
execute1_lowered:
.L_overlay_start_2:
0x5e: {  	(tag) =	ssettag $0x2  }
0x5f: {  	s0 =	rddreg [dreg:$0x0];
	s14 =	stileid.u32  }
0x60: {  	_ =	strace $0x8000004A;
	s2 =	simm.s32 $0x1;
	s1 =	smul.u32 $0xC, s14  }
0x61: {  	v1 =	vimm.s32 $0xFFFFFFFF;
	s3 =	smin.u32 s14, $0x8;
	[sflag:s2] =	ssyncpa.u1 $0x0  }
0x62: {  	[tilespmem:$0x10] =	vst v1;
	s1 =	sadd.s32 s3, s1  }
0x63: {  	v0 =	vimm.f32 $0.0e+00;
	p0 =	slt.u32 s14, $0x8;
	[tilespmem:$0x20] =	vst v1;
	s3 =	smul.u32 $0x1F40, s1;
	s1 =	simm.s32 $0x19640  }
0x64: {  	[tilespmem:$0x30] =	vst v0;
	s1 =	simm.s32 @!p0 $0x17700  }
0x65: {  	[tilespmem:$0x40] =	vst v0;
	s1 =	sadd.s32 s1, s3  }
0x66: {  	[tilespmem:$0x50] =	vst v0;
	s4 =	smin.u32 s1, $0x186A00  }
0x67: {  	[tilespmem:$0x60] =	vst v1;
	s9 =	ssub.s32 s4, s3  }
0x68: {  	s7 =	simm.s32 $0x2;
	s8 =	simm.s32 $0x8;
	[tilespmem:$0x70] =	vst v1;
	p0 =	sgt.s32 s9, $0x0  }
0x69: {  	s31 =	simm.s32 $0x9;
	s16 =	simm.s32 $0x0;
	[tilespmem:$0x80] =	vst v1;
	s9 =	simm.s32 @!p0 $0x0  }
0x6a: {  	s17 =	simm.s32 $0xF0;
	s18 =	simm.s32 $0xFFFFFFFF;
	v1 =	vimm.s32 $0x0;
	[tilespmem:$0xB0] =	vst v0;
	s5 =	smulhi.u32 $0x10624DD3, s9  }
0x6b: {  	s19 =	simm.s32 $0xFFFFC280;
	s20 =	simm.s32 $0xFFFFFFFE;
	s21 =	simm.s32 $0xF;
	[tilespmem:$0x90] =	vst v1  }
0x6c: {  	[tilespmem:$0xA0] =	vst v1;
	[sflag:s7] =	ssyncpa.u1 $0x0;
	s7 =	simm.s32 $0x7;
	s10 =	sshrl.u32 s5, $0x9  }
0x6d: {  	s25 =	simm.s32 $0x0;
	[sflag:s7] =	ssyncpa.u1 $0x0;
	s11 =	smul.u32 $0x1F40, s10  }
0x6e: {  	s24 =	simm.s32 $0x0;
	s6 =	sadd.s32 $0xC3800, s0;
	[sflag:s8] =	ssyncpa.u1 $0x0  }
.Ltmp6:
0x6f: {  	[sflag:s31] =	ssyncpa.u1 $0x0;
	p0 =	sne.s32 s9, s11;
	(pc) =	sbr.rel .LBB3_1-.Ltmp6, $4  }
0x70: {  	s23 =	smov.u32 s3;
	s1 =	sadd.s32 $0xF4600, s0;
	s2 =	simm.s32 @!p0 $0x0  }
0x71: {  	s5 =	sadd.s32 $0x92A00, s0;
	p0 =	por $0x0, $0x0;
	s9 =	sadd.s32 s2, s10  }
0x72: {  	vm0 =	vmmov $0xffff;
	v2 =	vlaneseq.u32;
	s10 =	sshll.u32 s14, $0x1;
	s14 =	sshllo.u32 s14, $0x1;
	s11 =	sadd.s32 $0x1, s9  }
0x73: {  	vm1 =	vmxor vm1, vm1;
	vm2 =	vmmov $0x1;
	vm3 =	vcmask $0x3F3C;
	s12 =	sadd.s32 $0x2, s9;
	s13 =	sor.u32 $0x81, s10;
	s15 =	sor.u32 $0x80, s10  }
.LBB3_9:
0x74: {  	p1 =	slt.u32 s24, $0x3  }
0x75: {  	s0 =	simm.s32 @!p1 $0x2  }
0x76: {  	_ =	swait.ge @!p1 [sflag:s0], $0x1F40  }
0x77: {  	[sflag:s0] =	ssyncset.done @!p1 $0x0  }
0x78: {  	[sflag:s0] =	ssyncadd.s32 @!p1 $0xFFFFE0C0;
	s0 =	simm.s32 @!p1 $0x9  }
0x79: {  	_ =	swait.ge @!p1 [sflag:s0], $0x10  }
0x7a: {  	[sflag:s0] =	ssyncset.done @!p1 $0x0  }
0x7b: {  	[sflag:s0] =	ssyncadd.s32 @!p1 $0xFFFFFFF0;
	p1 =	sne.s32 s24, s12  }
.Ltmp7:
0x7c: {  	s2 =	sadd.s32 $0x1F40, s23;
	(pc) =	sbr.rel @!p1 .LBB3_10-.Ltmp7, $4  }
0x7d: {  	s22 =	smov.u32 s3;
	s31 =	sadd.s32 $0x1, s24;
	s17 =	sadd.s32 $0x1F40, s17  }
0x7e: {  	s18 =	sadd.s32 $0x1, s18;
	s25 =	smov.u32 s23;
	p2 =	slt.s32 s2, s4  }
0x7f: {  	p0 =	por !p0, !p0;
	s19 =	sadd.s32 $0x1F40, s19;
	s22 =	smov.u32 @p2 s2  }
0x80: {  	s20 =	sadd.s32 $0x1, s20;
	s23 =	smov.u32 s22;
	s24 =	smov.u32 s31  }
.LBB3_1:
0x81: {  	p1 =	sge.u32 s24, s9  }
0x82: {  	s0 =	smulhi.u32 @!p1 $0xAAAAAAAB, s24;
	_ =	sdelay $0x1  }
0x83: {  	s0 =	sshrl.u32 @!p1 s0, $0x1  }
0x84: {  	s0 =	smul.u32 @!p1 $0x3, s0;
	_ =	sdelay $0x1  }
0x85: {  	s0 =	ssub.s32 @!p1 s24, s0  }
0x86: {  	s0 =	smul.u32 @!p1 $0x7D00, s0;
	_ =	sdelay $0x1  }
0x87: {  	s2 =	sshrl.u32 @!p1 s23, $0x3;
	s0 =	sshrl.u32 @!p1 s0, $0x2  }
0x88: {  	s22 =	sand.u32 @!p1 $0x7, s23;
	s2 =	sadd.s32 @!p1 s5, s2;
	s0 =	sadd.s32 @!p1 $0x100, s0  }
0x89: {  	[tilespmem:s0], [sflag:$0x7] =	stream.linear.gather @!p1 [hbm4b:s2+s22], $0x1F40, $0x38;
	[tilespmem:$0x11A60] =	vst v63  }
0x8a: {  	s0 =	sadd.s32 $0xFFFFFFFF, s24  }
0x8b: {  	p1 =	sge.u32 s0, s9  }
.Ltmp8:
0x8c: {  	_ = 	snop;
	(pc) =	sbr.rel @p1 .LBB3_5-.Ltmp8, $1  }
0x8d: {  	_ =	sdelay $0x3  }
0x8e: {  	s2 =	smulhi.u32 $0xAAAAAAAB, s0;
	_ =	sdelay $0x1  }
0x8f: {  	s2 =	sshrl.u32 s2, $0x1  }
0x90: {  	s2 =	smul.u32 $0x3, s2;
	_ =	sdelay $0x1  }
0x91: {  	s2 =	ssub.s32 s0, s2  }
0x92: {  	s2 =	smul.u32 $0x7D00, s2  }
0x93: {  	_ =	swait.ge [sflag:s7], $0x1F40  }
0x94: {  	[sflag:s7] =	ssyncset.done $0x0;
	s2 =	sshrl.u32 s2, $0x2  }
0x95: {  	[sflag:s7] =	ssyncadd.s32 $0xFFFFE0C0;
	(ifvalue) =	ssetifvalue $0xFFFFFFFF;
	v3 =	vld.msk [tilespmem:s2+$0x100 ss:$0x1], $0xffff;
	_ =	sdelay $0x2  }
0x96: {  	s30 =	smulhi.u32 $0xAAAAAAAB, s18;
	p1 =	sne.s32 s24, $0x1  }
0x97: {  	v4 =	vimm.s32 @!p1 $0x0  }
0x98: {  	s2 =	sshrl.u32 s30, $0x1;
	v4 =	vperm.xlane @!p1 v3, v4  }
0x99: {  	s22 =	sshll.u32 s24, $0x4;
	s2 =	smul.u32 $0xFFFE8900, s2;
	vm4 =	vlt.u32 v3, $0x18800  }
0x9a: {  	s22 =	sand.u32 $0x10, s22;
	v3 =	vnsel vm4, $0xFFFFFFFE, v3;
	vm4 =	vlt.u32 @!p1 v4, $0x18800  }
0x9b: {  	s2 =	sshra.s32 s2, $0x2;
	[tilespmem:s22+$0x60] =	vst v3;
	v3 =	vnsel @!p1 vm4, $0xFFFFFFFE, v4  }
0x9c: {  	s28 =	sadd.s32 s2, s17;
	[tilespmem:$0x80] =	vst @!p1 v3  }
0x9d: {  	v3 =	vld.msk [tilespmem:s28+$0x0 ss:$0x1], $0xffff;
	_ =	sdelay $0x4  }
0x9e: {  	(xrf1) =	vunique.msk.u32 $0xffff, v3;
	_ =	sdelay $0xd  }
0x9f: {  	v4 =	vimm.s32 $0xFFFFFFFF;
	v5, _, _ =	vpop (xrf1)  }
0xa0: {  	vm5 =	vne.s32 v3, v4;
	vm4 =	veq.s32 v5, v2  }
0xa1: {  	vm6 =	vlt.u32 v3, $0x18800;
	vm4 =	vmand vm5, vm4  }
0xa2: {  	vm4 =	vmand vm6, vm4  }
0xa3: {  	v4 =	vnsel vm4, $0xFFFFFFFF, v3  }
0xa4: {  	s31 =	sand.u32 $0x1, s0  }
0xa5: {  	s0 =	simm.s32 $0x1F40;
	p1 =	seq.s32 s31, $0x1  }
0xa6: {  	s0 =	simm.s32 @!p1 $0x0  }
0xa7: {  	s26 =	sadd.s32 $0x7DF0, s0;
	(ifvalue) =	ssetifvalue $0xFFFFFFFF  }
0xa8: {  	v3 =	vperm.xlane v3, v1;
	[tilespmem:s26], [sflag:$0x8] =	stream.indirect_vreg.gather [hbm4b:s1+s16], $0x1, v4, vm0, $0x4038;
	v4 =	vnsel vm6, $0xFFFFFFFE, v4;
	[tilespmem:$0x11A60] =	vst v63  }
0xa9: {  	s2 =	simm.s32 $0x0;
	s22 =	sadd.s32 $0xFFFFFFF0, s28;
	[tilespmem:s28+$0x0] =	vst v4  }
.LBB3_3:
0xaa: {  	v4 =	vld.msk [tilespmem:s22+$0x0 ss:$0x1], $0xffff;
	s2 =	sadd.s32 $0x10, s2;
	v5 =	vmov v3;
	s28 =	smov.u32 s22  }
0xab: {  	p1 =	slt.u32 s2, $0x1F30;
	_ =	sdelay $0x4  }
0xac: {  	v3 =	vperm.xlane v4, v1;
	(xrf1) =	vunique.msk.u32 $0xffff, v4;
	_ =	sdelay $0xd  }
0xad: {  	v6, _, _ =	vpop (xrf1)  }
0xae: {  	vm5 =	vne.s32 v4, v5;
	vm4 =	veq.s32 v6, v2  }
0xaf: {  	vm6 =	vlt.u32 v4, $0x18800;
	vm4 =	vmand vm5, vm4  }
0xb0: {  	vm4 =	vmand vm6, vm4  }
0xb1: {  	v4 =	vnsel vm4, $0xFFFFFFFF, v4  }
.Ltmp9:
0xb2: {  	v5 =	vnsel vm6, $0xFFFFFFFE, v4;
	(pc) =	sbr.rel @p1 .LBB3_3-.Ltmp9, $3  }
0xb3: {  	_ =	sdelay $0x1  }
0xb4: {  	s22 =	sadd.s32 $0xFFFFFFF0, s22;
	s26 =	sadd.s32 $0xFFFFFFF0, s26;
	(ifvalue) =	ssetifvalue $0xFFFFFFFF  }
0xb5: {  	[tilespmem:s26], [sflag:$0x8] =	stream.indirect_vreg.gather [hbm4b:s1+s16], $0x1, v4, vm0, $0x4038;
	[tilespmem:s28+$0x0] =	vst v5  }
0xb6: {  	s2 =	sshrl.u32 s25, $0x3  }
0xb7: {  	s0 =	sadd.s32 $0x9D40, s0;
	s2 =	sadd.s32 s6, s2  }
0xb8: {  	[tilespmem:s0], [sflag:$0x8] =	stream.linear.gather [hbm:s2], $0x1F40, $0x38;
	[tilespmem:$0x11A60] =	vst v63  }
.LBB3_5:
0xb9: {  	p1 =	slt.u32 s24, $0x2  }
0xba: {  	p2 =	sge.u32 @!p1 s24, s12  }
0xbb: {  	p1 =	por p1, p2  }
.Ltmp10:
0xbc: {  	_ = 	snop;
	(pc) =	sbr.rel @p1 .LBB3_9-.Ltmp10, $1  }
0xbd: {  	_ =	sdelay $0x3  }
0xbe: {  	s0 =	sadd.s32 $0xFFFFFFFE, s24  }
0xbf: {  	s2 =	smulhi.u32 $0xAAAAAAAB, s0;
	_ =	sdelay $0x1  }
0xc0: {  	s2 =	sshrl.u32 s2, $0x1  }
0xc1: {  	s2 =	smul.u32 $0x3, s2;
	_ =	sdelay $0x1  }
0xc2: {  	s0 =	ssub.s32 s0, s2  }
0xc3: {  	_ =	swait.ge [sflag:s8], $0x3E80;
	s0 =	smul.u32 $0x1F40, s0  }
0xc4: {  	p1 =	sne.s32 s24, s11;
	[sflag:s8] =	ssyncset.done $0x0  }
0xc5: {  	[sflag:s8] =	ssyncadd.s32 $0xFFFFC180;
	s2 =	sadd.s32 @!p1 $0x203F, s0  }
0xc6: {  	[spmem:s13] =	stream.linear.scatter @!p1 [tilespmem:s2], [sflag:$0x1], $0x1, $0x38;
	[tilespmem:$0x11A60] =	vst v63  }
0xc7: {  	s2 =	simm.s32 @!p1 $0x1  }
0xc8: {  	_ =	swait.ge @!p1 [sflag:s2], $0x1  }
0xc9: {  	s22 =	sshll.u32 s24, $0x4;
	[sflag:s2] =	ssyncset.done @!p1 $0x0  }
0xca: {  	s25 =	sand.u32 $0x10, s22;
	[sflag:s2] =	ssyncadd.s32 @!p1 $0xFFFFFFFF  }
0xcb: {  	s2 =	sxor.u32 $0x10, s25;
	v4 =	vld [tilespmem:s25+$0x10]  }
0xcc: {  	v5 =	vld [tilespmem:s2+$0x60]  }
0xcd: {  	v3 =	vld [tilespmem:$0x80];
	_ =	sdelay $0x2  }
0xce: {  	(v2sf) =	vpush v4, $0x0  }
0xcf: {  	(v2sf) =	vpush v5, $0x0  }
0xd0: {  	(v2sf) =	vpush v3, $0x0;
	_ =	sdelay $0xc  }
0xd1: {  	s22 =	spop (v2sf)  }
0xd2: {  	s26 =	spop (v2sf)  }
0xd3: {  	s28 =	spop (v2sf)  }
0xd4: {  	p2 =	seq.s32 s22, s26;
	p3 =	seq.s32 s28, s22  }
0xd5: {  	p3 =	por p2, p3  }
0xd6: {  	s26 =	sand.u32 $0x1, s24;
	v4 =	vpsel p3, $0xFFFFFFFF, v4  }
0xd7: {  	s29 =	smul.u32 $0x1F40, s26;
	[tilespmem:s25+$0x10] =	vst.msk $0x1, v4  }
0xd8: {  	v4 =	vld [tilespmem:$0x30]  }
0xd9: {  	v5 =	vld [tilespmem:s29+$0x9D40]  }
0xda: {  	v6 =	vld [tilespmem:s25+$0x40];
	_ =	sdelay $0x3  }
0xdb: {  	vm4 =	vmmov vm1;
	v5 =	vadd.f32 v5, v4  }
0xdc: {  	vm5 =	vmmov vm2;
	vm4 =	vmmov @p2 vm2;
	s22 =	sshll.u32 s26, $0x4;
	v4 =	vadd.f32 v6, v4  }
0xdd: {  	s26 =	sor.u32 $0x11A40, s22;
	vm5 =	vmmov @p3 vm1;
	[tilespmem:s29+$0x9D40] =	vst.msk vm4, v5  }
0xde: {  	[tilespmem:s26+$0x0] =	vst.msk vm5, v4  }
0xdf: {  	v4 =	vld [tilespmem:s29+$0x7DF0];
	_ =	sdelay $0x3  }
0xe0: {  	v5 =	vimm.f32 $0.0e+00  }
0xe1: {  	v4 =	vshift.insert v4, v5, s21  }
0xe2: {  	s22 =	sor.u32 $0x40, s2  }
0xe3: {  	[tilespmem:s22+$0x0] =	vst.msk $0x1, v4  }
0xe4: {  	[tilespmem:s29+$0x7DFF] =	vst.msk $0x1, v5  }
0xe5: {  	v4 =	vld [tilespmem:s0+$0x2030];
	_ =	sdelay $0x1  }
0xe6: {  	s22 =	smulhi.u32 $0xAAAAAAAB, s20;
	s0 =	simm.s32 $0x1  }
0xe7: {  	s0 =	simm.s32 @!p0 $0x0  }
0xe8: {  	s22 =	sshrl.u32 s22, $0x1;
	s0 =	smul.u32 $0x7D00, s0  }
0xe9: {  	s22 =	smul.u32 $0xFFFE8900, s22;
	v4 =	vshift.insert v4, v1, s21  }
0xea: {  	s0 =	sshrl.u32 s0, $0x2  }
0xeb: {  	s22 =	sshra.s32 s22, $0x2;
	s30 =	sadd.s32 $0x9D40, s0;
	[tilespmem:s2+$0x10] =	vst.msk $0x1, v4  }
0xec: {  	s22 =	sadd.s32 s22, s19;
	v6 =	vld [tilespmem:s30+$0x0]  }
0xed: {  	v7 =	vld [tilespmem:s22+$0x0];
	_ =	sdelay $0x3  }
0xee: {  	v5 =	vadd.f32 v6, v5  }
0xef: {  	vm4 =	vne.s32 v7, $0xFFFFFFFF  }
0xf0: {  	(xrf2) =	vadd.seg.scan.f32 vm4, v5;
	_ =	sdelay $0x3  }
0xf1: {  	s31 =	sadd.s32 $0x5EC0, s0;
	v5 =	vperm.xlane v4, v1  }
0xf2: {  	v6 =	vld [tilespmem:s31+$0x0]  }
0xf3: {  	vm5 =	veq.s32 v7, v3;
	vm6 =	veq.s32 v7, v5  }
0xf4: {  	vm7 =	vgt.u32 v7, $0xFFFFFFFD;
	vm6 =	vmor vm6, vm5  }
0xf5: {  	vm6 =	vmor vm6, vm7  }
0xf6: {  	v9 =	vld [tilespmem:$0xA0];
	v7 =	vsel vm6, $0xFFFFFFFF, v7  }
0xf7: {  	v10 =	vld [tilespmem:$0x90];
	v6 =	vsel vm5, $0x0, v6;
	v8, _, _ =	vpop (xrf2)  }
0xf8: {  	v6 =	vadd.f32 v8, v6  }
0xf9: {  	s0 =	sadd.s32 $0xDBC0, s0  }
0xfa: {  	vm4 =	vmand vm4, vm3;
	[tilespmem:s0+$0x0] =	vst v6;
	(ifvalue) =	ssetifvalue $0xFFFFFFFF  }
0xfb: {  	vm6 =	veq.s32 v9, $0x1;
	[hbm4b:s1+s16] =	stream.indirect_vreg.scatter [tilespmem:s0], [sflag:$0x2], $0x1, v7, vm0, $0x4038;
	v7 =	vsel vm4, $0x0, v8;
	[tilespmem:$0x11A60] =	vst v63  }
0xfc: {  	s2 =	simm.s32 $0x0;
	s22 =	sadd.s32 $0x10, s22;
	vm4 =	vmor vm6, vm5;
	v6 =	vsel vm5, v8, v10;
	v7 =	vshift.insert v7, v0, s21  }
.LBB3_7:
0xfd: {  	v8 =	vld [tilespmem:s22+$0x0];
	s30 =	sadd.s32 $0x10, s30  }
0xfe: {  	s31 =	sadd.s32 $0x10, s31;
	v9 =	vld [tilespmem:s30+$0x0]  }
0xff: {  	s2 =	sadd.s32 $0x10, s2;
	v10 =	vld [tilespmem:s31+$0x0]  }
0x100: {  	p2 =	slt.u32 s2, $0x1F30;
	_ =	sdelay $0x2  }
0x101: {  	v7 =	vadd.f32 v9, v7  }
0x102: {  	vm5 =	vne.s32 v8, $0xFFFFFFFF  }
0x103: {  	vm6 =	vmand vm5, vm3;
	(xrf2) =	vadd.seg.scan.f32 vm5, v7;
	_ =	sdelay $0x5  }
0x104: {  	vm7 =	veq.s32 v8, v5;
	vm5 =	veq.s32 v8, v3  }
0x105: {  	vm8 =	vgt.u32 v8, $0xFFFFFFFD;
	vm4 =	vmor vm4, vm5;
	vm7 =	vmor vm7, vm5  }
0x106: {  	vm7 =	vmor vm7, vm8  }
0x107: {  	v8 =	vsel vm7, $0xFFFFFFFF, v8  }
.Ltmp11:
0x108: {  	v7 =	vsel vm5, $0x0, v10;
	v9, _, _ =	vpop (xrf2);
	(pc) =	sbr.rel @p2 .LBB3_7-.Ltmp11, $4  }
0x109: {  	v6 =	vsel vm5, v9, v6;
	v10 =	vadd.f32 v9, v7;
	v7 =	vsel vm6, $0x0, v9  }
0x10a: {  	s0 =	sadd.s32 $0x10, s0;
	v7 =	vshift.insert v7, v0, s21  }
0x10b: {  	s22 =	sadd.s32 $0x10, s22;
	[tilespmem:s0+$0x0] =	vst v10;
	(ifvalue) =	ssetifvalue $0xFFFFFFFF  }
0x10c: {  	[hbm4b:s1+s16] =	stream.indirect_vreg.scatter [tilespmem:s0], [sflag:$0x2], $0x1, v8, vm0, $0x4038;
	[tilespmem:$0x11A60] =	vst v63  }
0x10d: {  	v3 =	vld [tilespmem:s29+$0xFAF0];
	_ =	sdelay $0x4  }
0x10e: {  	v3 =	vshift.insert v3, v0, s21  }
0x10f: {  	s0 =	simm.s32 $0x30  }
0x110: {  	[tilespmem:s0+$0x0] =	vst.msk $0x1, v3  }
0x111: {  	v3 =	vsel vm4, $0x1, v1;
	[tilespmem:$0x90] =	vst v6  }
0x112: {  	s0 =	sadd.s32 @!p1 $0xFAFF, s29;
	[tilespmem:$0xA0] =	vst v3  }
0x113: {  	[spmem:s14] =	stream.linear.scatter @!p1 [tilespmem:s0], [sflag:$0x1], $0x1, $0x38;
	[tilespmem:$0x11A60] =	vst v63  }
0x114: {  	s0 =	simm.s32 @!p1 $0x1  }
0x115: {  	v3 =	vmctz.xlane @!p1 vm4;
	_ =	swait.ge @!p1 [sflag:s0], $0x1  }
0x116: {  	(v2sf) =	vpush @!p1 v4, $0x0  }
0x117: {  	(v2sf) =	vpush @!p1 v3, $0x0;
	_ =	sdelay $0xd  }
0x118: {  	s2 =	spop @!p1 (v2sf)  }
0x119: {  	s22 =	spop @!p1 (v2sf)  }
0x11a: {  	p2 =	sne.s32 @!p1 s28, s2;
	p3 =	slt.s32 @!p1 s22, $0xF  }
0x11b: {  	[sflag:s0] =	ssyncset.done @!p1 $0x0;
	p2 =	por p2, p1;
	p3 =	por !p3, p1  }
0x11c: {  	[sflag:s0] =	ssyncadd.s32 @!p1 $0xFFFFFFFF;
	v3 =	vimm.s32 @!p2 $0xFFFFFFFF;
	s22 =	simm.s32 @p3 $0xF  }
0x11d: {  	[tilespmem:$0x80] =	vst @!p2 v3;
	s2 =	sadd.s32 @!p1 $0x90, s22  }
0x11e: {  	[spmem:s10] =	stream.linear.scatter @!p1 [tilespmem:s2], [sflag:$0x1], $0x1, $0x38;
	[tilespmem:$0x11A60] =	vst v63  }
0x11f: {  	_ =	swait.ge @!p1 [sflag:s0], $0x1  }
0x120: {  	[sflag:s0] =	ssyncset.done @!p1 $0x0  }
0x121: {  	s2 =	simm.s32 @!p1 $0x80;
	[sflag:s0] =	ssyncadd.s32 @!p1 $0xFFFFFFFF  }
0x122: {  	[spmem:s15] =	stream.linear.scatter @!p1 [tilespmem:s2], [sflag:$0x1], $0x1, $0x38;
	[tilespmem:$0x11A60] =	vst v63  }
0x123: {  	_ =	swait.ge @!p1 [sflag:s0], $0x1  }
0x124: {  	[sflag:s0] =	ssyncset.done @!p1 $0x0  }
0x125: {  	[sflag:s0] =	ssyncadd.s32 @!p1 $0xFFFFFFFF;
	(ifvalue) =	ssetifvalue $0xFFFFFFFF;
	v3 =	vld [tilespmem:s25+$0x10];
	_ =	sdelay $0x3  }
.Ltmp12:
0x126: {  	_ = 	snop;
	(pc) =	sbr.rel .LBB3_9-.Ltmp12, $3  }
0x127: {  	_ =	sdelay $0x1  }
0x128: {  	(ifvalue) =	ssetifvalue $0xFFFFFFFF  }
0x129: {  	[hbm4b:s1+s16] =	stream.indirect_vreg.scatter [tilespmem:s26], [sflag:$0x9], $0x1, v3, vm0, $0x4038;
	[tilespmem:$0x11A60] =	vst v63  }
.LBB3_10:
0x12a: {  	_ =	sfence.sel $0x180000  }
0x12b: {  	s0 =	simm.s32 $0x7;
	[bflag:$0x0] =	sbarrier.arrive $0xFFFF  }
0x12c: {  	s26 =	simm.s32 $0x8;
	[sflag:s0] =	ssyncpa.u1 $0x1  }
0x12d: {  	s28 =	simm.s32 $0x9;
	[sflag:s26] =	ssyncpa.u1 $0x1  }
0x12e: {  	[sflag:s28] =	ssyncpa.u1 $0x1  }
0x12f: {  	_ =	sfence.stream.spmem  }
0x130: {  	s29 =	simm.s32 $0x3;
	[bflag:$0x0] =	sbarrier.arrive $0xFFFF  }
0x131: {  	s30 =	simm.s32 $0x4;
	[sflag:s29] =	ssyncpa.u1 $0x1  }
0x132: {  	s31 =	simm.s32 $0x3C;
	s2 =	stileid.u32;
	[sflag:s30] =	ssyncpa.u1 $0x1  }
0x133: {  	p0 =	sne.s32 s2, $0x0;
	[sflag:s31] =	ssyncpa.u1 $0x1  }
0x134: {  	s0 =	simm.s32 @p0 $0x1;
	_ =	sfence @p0  }
0x135: {  	[sflag:s0] =	ssyncpa.u1 @p0 $0x1;
	s0 =	simm.s32 @p0 $0x2  }
0x136: {  	[sflag:s0] =	ssyncpa.u1 @p0 $0x1  }
0x137: {  	_ =	strace @p0 $0x9000004A  }
0x138: {  	[bflag:$0x2] =	sbarrier.arrive @p0 $0xFFFF  }
0x139: {  	_ =	shalt @p0  }
.LBB3_11:
0x13a: {  	_ =	sfence.stream.spmem;
	s0 =	simm.s32 $0x5  }
0x13b: {  	s2 =	simm.s32 $0x80;
	s3 =	simm.s32 $0xC0;
	[sflag:s0] =	ssyncpa.u1 $0x0  }
0x13c: {  	[tilespmem:s3], [sflag:$0x5] =	stream.linear.gather [spmem:s2], $0x20, $0x38;
	[tilespmem:$0x11A60] =	vst v63  }
0x13d: {  	s2 =	simm.s32 $0x0;
	s3 =	simm.s32 $0xE0  }
0x13e: {  	[tilespmem:s3], [sflag:$0x5] =	stream.linear.gather [spmem:s2], $0x20, $0x38;
	[tilespmem:$0x11A60] =	vst v63  }
.Ltmp13:
0x13f: {  	_ = 	snop;
	(pc) =	sbr.rel .LBB3_12-.Ltmp13, $4  }
0x140: {  	_ =	swait.ge [sflag:s0], $0x40  }
0x141: {  	[sflag:s0] =	ssyncset.done $0x0  }
0x142: {  	s31 =	simm.s32 $0x6;
	[sflag:s0] =	ssyncadd.s32 $0xFFFFFFC0  }
0x143: {  	s4 =	simm.s32 $0x0;
	[sflag:s31] =	ssyncpa.u1 $0x0  }
.LBB3_17:
0x144: {  	p0 =	sgt.u32 s5, $0x187FF  }
0x145: {  	s0 =	sshrl.u32 @!p0 s5, $0x3  }
0x146: {  	s5 =	sand.u32 @!p0 $0x7, s5;
	s6 =	simm.s32 @!p0 $0xB0;
	s0 =	sadd.s32 @!p0 s1, s0  }
0x147: {  	[tilespmem:s6], [sflag:$0x6] =	stream.linear.gather @!p0 [hbm4b:s0+s5], $0x1, $0x38;
	[tilespmem:$0x11A60] =	vst v63  }
0x148: {  	s0 =	simm.s32 @!p0 $0x6  }
0x149: {  	_ =	swait.ge @!p0 [sflag:s0], $0x1  }
0x14a: {  	[sflag:s0] =	ssyncset.done @!p0 $0x0  }
0x14b: {  	[sflag:s0] =	ssyncadd.s32 @!p0 $0xFFFFFFFF  }
0x14c: {  	v2 =	vmov @!p0 s4;
	v1 =	vld.msk @!p0 [tilespmem:$0xB0], $0x1;
	_ =	sdelay $0x3  }
0x14d: {  	s0 =	simm.s32 @!p0 $0xE0  }
0x14e: {  	[tilespmem:v2+s0+$0x0], v1 =	vst.idx.ret.add.f32.msk @!p0 $0x1, v1  }
0x14f: {  	[tilespmem:s2+$0xC0] =	vst.msk $0x1, v0  }
0x150: {  	v0 =	vld.msk [tilespmem:s4+$0xE0], $0x1;
	_ =	sdelay $0x4  }
0x151: {  	[tilespmem:s2+$0xE0] =	vst.msk $0x1, v0;
	s2 =	sadd.s32 $0x1, s2  }
.LBB3_19:
0x152: {  	s4 =	sadd.s32 $0x1, s4  }
0x153: {  	p0 =	sne.s32 s4, $0x20  }
.Ltmp14:
0x154: {  	_ = 	snop;
	(pc) =	sbr.rel @!p0 .LBB3_20-.Ltmp14, $1  }
0x155: {  	_ =	sdelay $0x3  }
.LBB3_12:
0x156: {  	v0 =	vld.msk [tilespmem:s4+$0xC0], $0x1;
	_ =	sdelay $0x4  }
0x157: {  	(v2sf) =	vpush v0, $0x0;
	_ =	sdelay $0xe  }
0x158: {  	s5 =	spop (v2sf)  }
0x159: {  	p0 =	seq.s32 s5, $0xFFFFFFFF  }
.Ltmp15:
0x15a: {  	_ = 	snop;
	(pc) =	sbr.rel @p0 .LBB3_19-.Ltmp15, $1  }
0x15b: {  	_ =	sdelay $0x3  }
0x15c: {  	p0 =	slt.s32 s2, $0x1  }
.Ltmp16:
0x15d: {  	_ = 	snop;
	(pc) =	sbr.rel @p0 .LBB3_17-.Ltmp16, $1  }
0x15e: {  	_ =	sdelay $0x3  }
0x15f: {  	s0 =	simm.s32 $0xC0;
	p0 =	por $0x0, $0x0  }
0x160: {  	v1 =	vld.msk @!p0 [tilespmem:s0+$0x0], $0x1;
	_ =	sdelay $0x4  }
0x161: {  	(v2sf) =	vpush @!p0 v1, $0x0;
	_ =	sdelay $0xd  }
0x162: {  	p2 =	sne.s32 s2, $0x1  }
.Ltmp17:
0x163: {  	s6 =	spop @!p0 (v2sf);
	(pc) =	sbr.rel @!p2 .LBB3_16-.Ltmp17, $4  }
0x164: {  	p1 =	seq.s32 @!p0 s5, s6  }
0x165: {  	s6 =	simm.s32 $0x0;
	p1 =	por !p1, p0  }
0x166: {  	s8 =	simm.s32 $0xFFFFFFFF;
	s6 =	simm.s32 @p1 $0xFFFFFFFF  }
0x167: {  	s7 =	simm.s32 $0x1;
	s6 =	smov.u32 @p0 s8  }
.LBB3_15:
0x168: {  	s8 =	smov.u32 s6;
	p0 =	sne.s32 s6, $0xFFFFFFFF  }
0x169: {  	s0 =	sadd.s32 $0x1, s0;
	s6 =	smov.u32 s7;
	s7 =	sadd.s32 $0x1, s7  }
0x16a: {  	p1 =	sne.s32 s2, s7;
	v1 =	vld.msk @!p0 [tilespmem:s0+$0x0], $0x1;
	_ =	sdelay $0x4  }
0x16b: {  	(v2sf) =	vpush @!p0 v1, $0x0;
	_ =	sdelay $0xe  }
.Ltmp18:
0x16c: {  	s9 =	spop @!p0 (v2sf);
	(pc) =	sbr.rel @p1 .LBB3_15-.Ltmp18, $4  }
0x16d: {  	p2 =	seq.s32 @!p0 s5, s9  }
0x16e: {  	p2 =	por !p2, p0  }
0x16f: {  	s6 =	simm.s32 @p2 $0xFFFFFFFF  }
0x170: {  	s6 =	smov.u32 @p0 s8  }
.LBB3_16:
0x171: {  	p0 =	sne.s32 s6, $0xFFFFFFFF  }
.Ltmp19:
0x172: {  	_ = 	snop;
	(pc) =	sbr.rel @!p0 .LBB3_17-.Ltmp19, $1  }
0x173: {  	_ =	sdelay $0x3  }
0x174: {  	v0 =	vld.msk [tilespmem:s4+$0xE0], $0x1;
	v1 =	vmov s6  }
.Ltmp20:
0x175: {  	_ = 	snop;
	(pc) =	sbr.rel .LBB3_19-.Ltmp20, $2  }
0x176: {  	_ =	sdelay $0x2  }
0x177: {  	[tilespmem:v1+s3+$0x0], v0 =	vst.idx.ret.add.f32.msk $0x1, v0  }
.LBB3_20:
0x178: {  	p0 =	slt.s32 s2, $0x1  }
.Ltmp21:
0x179: {  	_ = 	snop;
	(pc) =	sbr.rel @p0 .LBB3_24-.Ltmp21, $3  }
0x17a: {  	_ =	sdelay $0x1  }
0x17b: {  	s0 =	simm.s32 $0x6  }
0x17c: {  	s3 =	simm.s32 $0x0;
	[sflag:s0] =	ssyncpa.u1 $0x1  }
0x17d: {  	s0 =	simm.s32 $0xC0  }
0x17e: {  	v0 =	vld.msk [tilespmem:s0+$0x0], $0x1;
	_ =	sdelay $0x4  }
0x17f: {  	(v2sf) =	vpush v0, $0x0;
	_ =	sdelay $0xe  }
0x180: {  	s2 =	sadd.s32 $0xFFFFFFFF, s2;
	s4 =	spop (v2sf)  }
0x181: {  	p1 =	sne.s32 s2, $0x0;
	p0 =	sgt.u32 s4, $0x187FF  }
.Ltmp22:
0x182: {  	s5 =	sshrl.u32 @!p0 s4, $0x3;
	(pc) =	sbr.rel @!p1 .LBB3_23-.Ltmp22, $4  }
0x183: {  	s0 =	simm.s32 $0xE0;
	s4 =	sand.u32 @!p0 $0x7, s4;
	s5 =	sadd.s32 @!p0 s1, s5  }
0x184: {  	[hbm4b:s5+s4] =	stream.linear.scatter @!p0 [tilespmem:s0], [sflag:$0x5], $0x1, $0x38;
	[tilespmem:$0x11A60] =	vst v63  }
0x185: {  	s5 =	simm.s32 $0x0  }
0x186: {  	s4 =	simm.s32 $0xC1;
	s5 =	simm.s32 @!p0 $0x4  }
.LBB3_22:
0x187: {  	v0 =	vld.msk [tilespmem:s4+$0x0], $0x1;
	s2 =	sadd.s32 $0xFFFFFFFF, s2;
	s3 =	sadd.s32 s3, s5  }
0x188: {  	p0 =	sne.s32 s2, $0x0;
	_ =	sdelay $0x3  }
0x189: {  	(v2sf) =	vpush v0, $0x0;
	_ =	sdelay $0xe  }
.Ltmp23:
0x18a: {  	s6 =	spop (v2sf);
	(pc) =	sbr.rel @p0 .LBB3_22-.Ltmp23, $4  }
0x18b: {  	s5 =	simm.s32 $0x0;
	p1 =	sgt.u32 s6, $0x187FF  }
0x18c: {  	s0 =	sadd.s32 $0x1, s0;
	s5 =	simm.s32 @!p1 $0x4;
	s7 =	sshrl.u32 @!p1 s6, $0x3  }
0x18d: {  	s4 =	sadd.s32 $0x1, s4;
	s6 =	sand.u32 @!p1 $0x7, s6;
	s7 =	sadd.s32 @!p1 s1, s7  }
0x18e: {  	[hbm4b:s7+s6] =	stream.linear.scatter @!p1 [tilespmem:s0], [sflag:$0x5], $0x1, $0x38;
	[tilespmem:$0x11A60] =	vst v63  }
.LBB3_23:
0x18f: {  	s0 =	sadd.s32 s3, s5  }
0x190: {  	s3 =	sshrl.u32 s0, $0x2  }
.LBB3_24:
0x191: {  	s0 =	simm.s32 $0x5  }
0x192: {  	_ =	swait.ge [sflag:s0], s3  }
0x193: {  	s1 =	ssub.s32 $0x0, s3;
	[sflag:s0] =	ssyncset.done $0x0  }
0x194: {  	[sflag:s0] =	ssyncadd.s32 s1  }
0x195: {  	[sflag:s0] =	ssyncpa.u1 $0x1  }
0x196: {  	s29 =	simm.s32 $0x1;
	_ =	sfence  }
0x197: {  	s30 =	simm.s32 $0x2;
	[sflag:s29] =	ssyncpa.u1 $0x1  }
0x198: {  	[sflag:s30] =	ssyncpa.u1 $0x1  }
0x199: {  	_ =	strace $0x9000004A  }
0x19a: {  	[bflag:$0x2] =	sbarrier.arrive $0xFFFF  }
0x19b: {  	s31 =	rddreg [dreg:$0x1]  }
0x19c: {  	s0 =	sadd.s32 $0x100000, s31  }
0x19d: {  	[sflag:s0] =	ssyncadd.tile.s32 $0x1;
	_ =	shalt  }
.Lfunc_end3:
_tile_overlayer_lowered:
.L_overlay_start_3:
0x19e: {  	(tag) =	ssettag $0x3  }
0x19f: {  	s0 =	rddreg [dreg:$0x0];
	s2 =	stileid.u32  }
0x1a0: {  	s1 =	rddreg [dreg:$0x1];
	p0 =	sne.s32 s2, $0x0  }
0x1a1: {  	s3 =	rddreg [dreg:$0x2];
	[bflag:$0x3] =	sbarrier.arrive $0xFFFF;
	s2 =	simm.s32 @!p0 $0x1C01  }
0x1a2: {  	[timem:s3], [sflag:s2] =	dma.local @!p0 [hbm:s0], s1  }
0x1a3: {  	s0 =	simm.s32 @!p0 $0x1  }
0x1a4: {  	_ =	swait.ge @!p0 [sflag:s0], s1  }
0x1a5: {  	s1 =	ssub.s32 @!p0 $0x0, s1;
	[sflag:s0] =	ssyncset.done @!p0 $0x0  }
0x1a6: {  	[sflag:s0] =	ssyncadd.s32 @!p0 s1  }
0x1a7: {  	[bflag:$0x3] =	sbarrier.arrive $0xFFFF  }
0x1a8: {  	_ =	shalt  }

</sc_bundles>
